<compile_context>
chip_gen: v7x
topology: tpu7x:2x2x1
jax: 0.10.2.dev20260603
libtpu: 0.0.44.dev20260713+nightly
codegen_flags: <defaults>
</compile_context>

<pallas_src>
import functools

import jax
import jax.numpy as jnp
from jax import lax
from jax.experimental import pallas as pl
from jax.experimental.pallas import tpu as pltpu
from jax.experimental.pallas import tpu_sc as plsc

D = 32
NC = 2
NS = 16
NW = NC * NS
LANE = 128
NBUF = 4


def _make_kernel(batch, hist):
    ntc = batch // LANE
    ntr = D // 8

    mesh = plsc.VectorSubcoreMesh(core_axis_name="c", subcore_axis_name="s")

    @functools.partial(
        pl.kernel,
        mesh=mesh,
        out_type=jax.ShapeDtypeStruct((hist, ntr, ntc, 8, LANE), jnp.float32),
        compiler_params=pltpu.CompilerParams(
            use_tc_tiling_on_sc=False, needs_layout_passes=False
        ),
        scratch_types=[
            pltpu.VMEM((hist, LANE), jnp.int32),
        ]
        + [pltpu.VMEM((LANE, D), jnp.float32) for _ in range(NBUF)]
        + [pltpu.VMEM((ntr, 8, LANE + 1), jnp.float32) for _ in range(NBUF)]
        + [
            pltpu.SemaphoreType.DMA((NBUF,)),
            pltpu.SemaphoreType.DMA((NBUF,)),
        ],
    )
    def k(table_hbm, xt_hbm, out_hbm, idx_v, *bufs):
        rows_v = bufs[:NBUF]
        t_v = bufs[NBUF : 2 * NBUF]
        gsem, ssem = bufs[2 * NBUF], bufs[2 * NBUF + 1]
        wid = lax.axis_index("s") * NC + lax.axis_index("c")
        pltpu.sync_copy(xt_hbm.at[:, pl.ds(wid * LANE, LANE)], idx_v)

        def gather(j, b):
            return pltpu.make_async_copy(
                table_hbm.at[idx_v.at[j]], rows_v[b], gsem.at[b]
            )

        def store(j, b):
            return pltpu.make_async_copy(
                t_v[b].at[:, :, pl.ds(0, LANE)], out_hbm.at[j, :, wid], ssem.at[b]
            )

        iota = lax.iota(jnp.int32, 16)

        fidx = [
            (
                lax.shift_right_logical(iota + f0, 3),
                lax.bitwise_and(iota + f0, jnp.full((16,), 7, jnp.int32)),
            )
            for f0 in range(0, D, 16)
        ]

        def transpose(b):
            g = rows_v[b]
            t = t_v[b]

            @plsc.parallel_loop(0, LANE, step=4, unroll=2)
            def _(bc0):
                for d in range(4):
                    bc = bc0 + d
                    bcv = jnp.full((16,), 1, jnp.int32) * bc
                    for i, (trv, frv) in enumerate(fidx):
                        vals = g[bc, pl.ds(i * 16, 16)]
                        plsc.store_scatter(t, [trv, frv, bcv], vals)

        for b in range(NBUF):
            gather(b, b).start()

        @pl.loop(0, hist, step=NBUF)
        def _(j0):
            for b in range(NBUF):
                j = j0 + b
                gather(j, b).wait()

                @pl.when(j >= NBUF)
                def _():
                    store(j - NBUF, b).wait()

                transpose(b)
                store(j, b).start()

                @pl.when(j + NBUF < hist)
                def _():
                    gather(j + NBUF, b).start()

        for b in range(NBUF):
            store(hist - NBUF + b, b).wait()

    return k


def kernel(X, position_table):
    batch, hist = X.shape
    xt = X.astype(jnp.int32).T
    out5 = _make_kernel(batch, hist)(position_table, xt)
    return out5.transpose(2, 4, 0, 1, 3).reshape(batch, hist, D)

# --- scband reference (transcript-rebuilt; emitter-appended) ---
"""Pipeline reference for scband-position-embedding-16363825398341 (READ-ONLY COPY).

The authoritative reference and input builder live on the scoring server;
editing this copy changes nothing except your own understanding.
"""

import jax, jax.numpy as jnp
import numpy as np

NPOSITIONS = 1000000
OUTPUT_DIM = 32
BATCH = 4096
HIST = 200

def setup_inputs(seed: int = 0) -> dict:
    key = jax.random.key(seed)
    k_idx, k_tab = jax.random.split(key)
    X = jax.random.randint(k_idx, (BATCH, HIST), 0, NPOSITIONS, dtype=jnp.int64)
    # Keras 'uniform' embedding initializer: U(-0.05, 0.05)
    position_table = jax.random.uniform(k_tab, (NPOSITIONS, OUTPUT_DIM), minval=-0.05, maxval=0.05, dtype=jnp.float32)
    return {"X": X, "position_table": position_table}

def reference(X, position_table):
    # chroms is None -> pure position embedding lookup
    return jnp.take(position_table, X, axis=0)

if __name__ == "__main__":
    import jax
    _d = setup_inputs()
    print(jax.jit(kernel)(*tuple(_d.values())))

</pallas_src>

<mosaic_0001>
#map = affine_map<(d0, d1) -> (0, 0)>
#map1 = affine_map<(d0, d1) -> (0, 0, 0, 0, 0)>
module attributes {stable_mosaic.version = 14 : i64} {
  func.func @k(%arg0: i32, %arg1: i32, %arg2: memref<1000000x32xf32, #tpu.memory_space<hbm>>, %arg3: memref<200x4096xi32, #tpu.memory_space<hbm>>, %arg4: memref<200x4x32x8x128xf32, #tpu.memory_space<hbm>>, %arg5: memref<200x128xi32, #tpu.memory_space<vmem>>, %arg6: memref<128x32xf32, #tpu.memory_space<vmem>>, %arg7: memref<128x32xf32, #tpu.memory_space<vmem>>, %arg8: memref<128x32xf32, #tpu.memory_space<vmem>>, %arg9: memref<128x32xf32, #tpu.memory_space<vmem>>, %arg10: memref<4x8x129xf32, #tpu.memory_space<vmem>>, %arg11: memref<4x8x129xf32, #tpu.memory_space<vmem>>, %arg12: memref<4x8x129xf32, #tpu.memory_space<vmem>>, %arg13: memref<4x8x129xf32, #tpu.memory_space<vmem>>, %arg14: memref<4x!tpu.dma_semaphore, #tpu.memory_space<semaphore_mem>>, %arg15: memref<4x!tpu.dma_semaphore, #tpu.memory_space<semaphore_mem>>) attributes {dimension_semantics = [#tpu.dimension_semantics<core_parallel>, #tpu.dimension_semantics<subcore_parallel>], iteration_bounds = array<i64: 2, 16>, scalar_prefetch = 0 : i64, scratch_operands = 11 : i64, tpu.core_type = #tpu.core_type<sc_vector_subcore>, window_params = [{transform_indices = #map}, {transform_indices = #map}, {transform_indices = #map1}]} {
    %mul3A = arith.constant 2 : i32
    %mul3A_0 = arith.muli %arg1, %mul3A : i32
    %add3A = arith.addi %mul3A_0, %arg0 : i32
    %mul3A_1 = arith.constant 128 : i32
    %mul3A_2 = arith.muli %add3A, %mul3A_1 : i32
    "tpu.region"() ({
      %run_scoped3A = tpu.sem_alloc : memref<!tpu.dma_semaphore, #tpu.memory_space<semaphore_mem>>
      %dma_start3A_154 = arith.constant 0 : i32
      %dma_start3A_155 = tpu.memref_slice %arg3[%dma_start3A_154, %mul3A_2] : memref<200x4096xi32, #tpu.memory_space<hbm>> -> memref<200x128xi32, #tpu.memory_space<hbm>>
      %dma_start3A_156 = arith.constant 0 : i32
      %dma_start3A_157 = tpu.memref_slice %arg3[%dma_start3A_156, %mul3A_2] : memref<200x4096xi32, #tpu.memory_space<hbm>> -> memref<200x128xi32, #tpu.memory_space<hbm>>
      tpu.enqueue_dma source(%dma_start3A_157 : memref<200x128xi32, #tpu.memory_space<hbm>>) target(%arg5 : memref<200x128xi32, #tpu.memory_space<vmem>>) target_semaphore(%run_scoped3A : memref<!tpu.dma_semaphore, #tpu.memory_space<semaphore_mem>>)
      %dma_wait3A_158 = arith.constant 0 : i32
      %dma_wait3A_159 = tpu.memref_slice %arg3[%dma_wait3A_158, %mul3A_2] : memref<200x4096xi32, #tpu.memory_space<hbm>> -> memref<200x128xi32, #tpu.memory_space<hbm>>
      %dma_wait3A_160 = arith.constant 0 : i32
      %dma_wait3A_161 = tpu.memref_slice %arg3[%dma_wait3A_160, %mul3A_2] : memref<200x4096xi32, #tpu.memory_space<hbm>> -> memref<200x128xi32, #tpu.memory_space<hbm>>
      tpu.wait_dma2 semaphore(%run_scoped3A : memref<!tpu.dma_semaphore, #tpu.memory_space<semaphore_mem>>) src(%dma_wait3A_161 : memref<200x128xi32, #tpu.memory_space<hbm>>) dst(%arg5 : memref<200x128xi32, #tpu.memory_space<vmem>>)
      tpu.yield
    }) : () -> ()
    %iota3A = tpu.iota {dimensions = array<i32: 0>} : vector<16xi32>
    %add3A_3 = arith.constant 0 : i32
    %add3A_4 = vector.broadcast %add3A_3 : i32 to vector<16xi32>
    %add3A_5 = arith.addi %iota3A, %add3A_4 : vector<16xi32>
    %shift_right_logical3A = arith.constant 3 : i32
    %shift_right_logical3A_6 = vector.broadcast %shift_right_logical3A : i32 to vector<16xi32>
    %shift_right_logical3A_7 = arith.shrui %add3A_5, %shift_right_logical3A_6 : vector<16xi32>
    %add3A_8 = arith.constant 0 : i32
    %add3A_9 = vector.broadcast %add3A_8 : i32 to vector<16xi32>
    %add3A_10 = arith.addi %iota3A, %add3A_9 : vector<16xi32>
    %broadcast_in_dim3A = arith.constant 7 : i32
    %broadcast_in_dim3A_11 = vector.broadcast %broadcast_in_dim3A : i32 to vector<16xi32>
    %and3A = arith.andi %add3A_10, %broadcast_in_dim3A_11 : vector<16xi32>
    %add3A_12 = arith.constant 16 : i32
    %add3A_13 = vector.broadcast %add3A_12 : i32 to vector<16xi32>
    %add3A_14 = arith.addi %iota3A, %add3A_13 : vector<16xi32>
    %shift_right_logical3A_15 = arith.constant 3 : i32
    %shift_right_logical3A_16 = vector.broadcast %shift_right_logical3A_15 : i32 to vector<16xi32>
    %shift_right_logical3A_17 = arith.shrui %add3A_14, %shift_right_logical3A_16 : vector<16xi32>
    %add3A_18 = arith.constant 16 : i32
    %add3A_19 = vector.broadcast %add3A_18 : i32 to vector<16xi32>
    %add3A_20 = arith.addi %iota3A, %add3A_19 : vector<16xi32>
    %broadcast_in_dim3A_21 = arith.constant 7 : i32
    %broadcast_in_dim3A_22 = vector.broadcast %broadcast_in_dim3A_21 : i32 to vector<16xi32>
    %and3A_23 = arith.andi %add3A_20, %broadcast_in_dim3A_22 : vector<16xi32>
    %dma_start3A = arith.constant 0 : i32
    %dma_start3A_24 = arith.constant 0 : i32
    %dma_start3A_25 = arith.constant 0 : i32
    %dma_start3A_26 = tpu.memref_slice %arg5[%dma_start3A, %dma_start3A_25] : memref<200x128xi32, #tpu.memory_space<vmem>> -> memref<1x128xi32, #tpu.memory_space<vmem>>
    %dma_start3A_27 = tpu.memref_squeeze %dma_start3A_26 : memref<1x128xi32, #tpu.memory_space<vmem>> -> memref<128xi32, #tpu.memory_space<vmem>>
    %dma_start3A_28 = arith.constant 0 : i32
    %dma_start3A_29 = arith.constant 0 : i32
    %dma_start3A_30 = tpu.memref_slice %arg2[%dma_start3A_28, %dma_start3A_29] : memref<1000000x32xf32, #tpu.memory_space<hbm>> -> memref<1000000x32xf32, #tpu.memory_space<hbm>>
    %dma_start3A_31 = tpu.memref_slice %arg14[%dma_start3A_24] : memref<4x!tpu.dma_semaphore, #tpu.memory_space<semaphore_mem>> -> memref<1x!tpu.dma_semaphore, #tpu.memory_space<semaphore_mem>>
    %dma_start3A_32 = tpu.memref_squeeze %dma_start3A_31 : memref<1x!tpu.dma_semaphore, #tpu.memory_space<semaphore_mem>> -> memref<!tpu.dma_semaphore, #tpu.memory_space<semaphore_mem>>
    tpu.enqueue_indirect_dma source(%dma_start3A_30 : memref<1000000x32xf32, #tpu.memory_space<hbm>>) target(%arg6 : memref<128x32xf32, #tpu.memory_space<vmem>>) offsets(%dma_start3A_27 : memref<128xi32, #tpu.memory_space<vmem>>) semaphore(%dma_start3A_32 : memref<!tpu.dma_semaphore, #tpu.memory_space<semaphore_mem>>)
    %dma_start3A_33 = arith.constant 1 : i32
    %dma_start3A_34 = arith.constant 1 : i32
    %dma_start3A_35 = arith.constant 0 : i32
    %dma_start3A_36 = tpu.memref_slice %arg5[%dma_start3A_33, %dma_start3A_35] : memref<200x128xi32, #tpu.memory_space<vmem>> -> memref<1x128xi32, #tpu.memory_space<vmem>>
    %dma_start3A_37 = tpu.memref_squeeze %dma_start3A_36 : memref<1x128xi32, #tpu.memory_space<vmem>> -> memref<128xi32, #tpu.memory_space<vmem>>
    %dma_start3A_38 = arith.constant 0 : i32
    %dma_start3A_39 = arith.constant 0 : i32
    %dma_start3A_40 = tpu.memref_slice %arg2[%dma_start3A_38, %dma_start3A_39] : memref<1000000x32xf32, #tpu.memory_space<hbm>> -> memref<1000000x32xf32, #tpu.memory_space<hbm>>
    %dma_start3A_41 = tpu.memref_slice %arg14[%dma_start3A_34] : memref<4x!tpu.dma_semaphore, #tpu.memory_space<semaphore_mem>> -> memref<1x!tpu.dma_semaphore, #tpu.memory_space<semaphore_mem>>
    %dma_start3A_42 = tpu.memref_squeeze %dma_start3A_41 : memref<1x!tpu.dma_semaphore, #tpu.memory_space<semaphore_mem>> -> memref<!tpu.dma_semaphore, #tpu.memory_space<semaphore_mem>>
    tpu.enqueue_indirect_dma source(%dma_start3A_40 : memref<1000000x32xf32, #tpu.memory_space<hbm>>) target(%arg7 : memref<128x32xf32, #tpu.memory_space<vmem>>) offsets(%dma_start3A_37 : memref<128xi32, #tpu.memory_space<vmem>>) semaphore(%dma_start3A_42 : memref<!tpu.dma_semaphore, #tpu.memory_space<semaphore_mem>>)
    %dma_start3A_43 = arith.constant 2 : i32
    %dma_start3A_44 = arith.constant 2 : i32
    %dma_start3A_45 = arith.constant 0 : i32
    %dma_start3A_46 = tpu.memref_slice %arg5[%dma_start3A_43, %dma_start3A_45] : memref<200x128xi32, #tpu.memory_space<vmem>> -> memref<1x128xi32, #tpu.memory_space<vmem>>
    %dma_start3A_47 = tpu.memref_squeeze %dma_start3A_46 : memref<1x128xi32, #tpu.memory_space<vmem>> -> memref<128xi32, #tpu.memory_space<vmem>>
    %dma_start3A_48 = arith.constant 0 : i32
    %dma_start3A_49 = arith.constant 0 : i32
    %dma_start3A_50 = tpu.memref_slice %arg2[%dma_start3A_48, %dma_start3A_49] : memref<1000000x32xf32, #tpu.memory_space<hbm>> -> memref<1000000x32xf32, #tpu.memory_space<hbm>>
    %dma_start3A_51 = tpu.memref_slice %arg14[%dma_start3A_44] : memref<4x!tpu.dma_semaphore, #tpu.memory_space<semaphore_mem>> -> memref<1x!tpu.dma_semaphore, #tpu.memory_space<semaphore_mem>>
    %dma_start3A_52 = tpu.memref_squeeze %dma_start3A_51 : memref<1x!tpu.dma_semaphore, #tpu.memory_space<semaphore_mem>> -> memref<!tpu.dma_semaphore, #tpu.memory_space<semaphore_mem>>
    tpu.enqueue_indirect_dma source(%dma_start3A_50 : memref<1000000x32xf32, #tpu.memory_space<hbm>>) target(%arg8 : memref<128x32xf32, #tpu.memory_space<vmem>>) offsets(%dma_start3A_47 : memref<128xi32, #tpu.memory_space<vmem>>) semaphore(%dma_start3A_52 : memref<!tpu.dma_semaphore, #tpu.memory_space<semaphore_mem>>)
    %dma_start3A_53 = arith.constant 3 : i32
    %dma_start3A_54 = arith.constant 3 : i32
    %dma_start3A_55 = arith.constant 0 : i32
    %dma_start3A_56 = tpu.memref_slice %arg5[%dma_start3A_53, %dma_start3A_55] : memref<200x128xi32, #tpu.memory_space<vmem>> -> memref<1x128xi32, #tpu.memory_space<vmem>>
    %dma_start3A_57 = tpu.memref_squeeze %dma_start3A_56 : memref<1x128xi32, #tpu.memory_space<vmem>> -> memref<128xi32, #tpu.memory_space<vmem>>
    %dma_start3A_58 = arith.constant 0 : i32
    %dma_start3A_59 = arith.constant 0 : i32
    %dma_start3A_60 = tpu.memref_slice %arg2[%dma_start3A_58, %dma_start3A_59] : memref<1000000x32xf32, #tpu.memory_space<hbm>> -> memref<1000000x32xf32, #tpu.memory_space<hbm>>
    %dma_start3A_61 = tpu.memref_slice %arg14[%dma_start3A_54] : memref<4x!tpu.dma_semaphore, #tpu.memory_space<semaphore_mem>> -> memref<1x!tpu.dma_semaphore, #tpu.memory_space<semaphore_mem>>
    %dma_start3A_62 = tpu.memref_squeeze %dma_start3A_61 : memref<1x!tpu.dma_semaphore, #tpu.memory_space<semaphore_mem>> -> memref<!tpu.dma_semaphore, #tpu.memory_space<semaphore_mem>>
    tpu.enqueue_indirect_dma source(%dma_start3A_60 : memref<1000000x32xf32, #tpu.memory_space<hbm>>) target(%arg9 : memref<128x32xf32, #tpu.memory_space<vmem>>) offsets(%dma_start3A_57 : memref<128xi32, #tpu.memory_space<vmem>>) semaphore(%dma_start3A_62 : memref<!tpu.dma_semaphore, #tpu.memory_space<semaphore_mem>>)
    %scan3A = arith.constant 0 : i32
    %scan3A_63 = arith.constant 50 : i32
    %scan3A_64 = arith.addi %scan3A, %scan3A_63 : i32
    %scan3A_65 = arith.constant 1 : i32
    scf.for %scan3A_154 = %scan3A to %scan3A_64 step %scan3A_65  : i32 {
      %mul3A_155 = arith.constant 4 : i32
      %mul3A_156 = arith.muli %scan3A_154, %mul3A_155 : i32
      %add3A_157 = arith.constant 0 : i32
      %add3A_158 = arith.addi %add3A_157, %mul3A_156 : i32
      %add3A_159 = arith.constant 0 : i32
      %add3A_160 = arith.addi %add3A_158, %add3A_159 : i32
      %dma_wait3A_161 = arith.constant 0 : i32
      %dma_wait3A_162 = arith.constant 0 : i32
      %dma_wait3A_163 = tpu.memref_slice %arg5[%add3A_160, %dma_wait3A_162] : memref<200x128xi32, #tpu.memory_space<vmem>> -> memref<1x128xi32, #tpu.memory_space<vmem>>
      %dma_wait3A_164 = tpu.memref_squeeze %dma_wait3A_163 : memref<1x128xi32, #tpu.memory_space<vmem>> -> memref<128xi32, #tpu.memory_space<vmem>>
      %dma_wait3A_165 = arith.constant 0 : i32
      %dma_wait3A_166 = arith.constant 0 : i32
      %dma_wait3A_167 = tpu.memref_slice %arg2[%dma_wait3A_165, %dma_wait3A_166] : memref<1000000x32xf32, #tpu.memory_space<hbm>> -> memref<1000000x32xf32, #tpu.memory_space<hbm>>
      %dma_wait3A_168 = tpu.memref_slice %arg14[%dma_wait3A_161] : memref<4x!tpu.dma_semaphore, #tpu.memory_space<semaphore_mem>> -> memref<1x!tpu.dma_semaphore, #tpu.memory_space<semaphore_mem>>
      %dma_wait3A_169 = tpu.memref_squeeze %dma_wait3A_168 : memref<1x!tpu.dma_semaphore, #tpu.memory_space<semaphore_mem>> -> memref<!tpu.dma_semaphore, #tpu.memory_space<semaphore_mem>>
      tpu.wait_indirect_dma semaphore(%dma_wait3A_169 : memref<!tpu.dma_semaphore, #tpu.memory_space<semaphore_mem>>) src(%dma_wait3A_167 : memref<1000000x32xf32, #tpu.memory_space<hbm>>) dst(%arg6 : memref<128x32xf32, #tpu.memory_space<vmem>>)
      %ge3A = arith.constant 4 : i32
      %ge3A_170 = arith.cmpi sge, %add3A_160, %ge3A : i32
      %convert_element_type3A = arith.extui %ge3A_170 : i1 to i32
      %cond3A = arith.constant 0 : i32
      %cond3A_171 = arith.cmpi ne, %convert_element_type3A, %cond3A : i32
      scf.if %cond3A_171 {
        %sub3A = arith.constant 4 : i32
        %sub3A_342 = arith.subi %add3A_160, %sub3A : i32
        %dma_wait3A_343 = arith.constant 0 : i32
        %dma_wait3A_344 = arith.constant 0 : i32
        %dma_wait3A_345 = arith.constant 0 : i32
        %dma_wait3A_346 = arith.constant 0 : i32
        %dma_wait3A_347 = tpu.memref_slice %arg10[%dma_wait3A_344, %dma_wait3A_345, %dma_wait3A_346] : memref<4x8x129xf32, #tpu.memory_space<vmem>> -> memref<4x8x128xf32, #tpu.memory_space<vmem>>
        %dma_wait3A_348 = arith.constant 0 : i32
        %dma_wait3A_349 = arith.constant 0 : i32
        %dma_wait3A_350 = arith.constant 0 : i32
        %dma_wait3A_351 = tpu.memref_slice %arg4[%sub3A_342, %dma_wait3A_348, %add3A, %dma_wait3A_349, %dma_wait3A_350] : memref<200x4x32x8x128xf32, #tpu.memory_space<hbm>> -> memref<1x4x1x8x128xf32, #tpu.memory_space<hbm>>
        %dma_wait3A_352 = tpu.memref_squeeze %dma_wait3A_351 : memref<1x4x1x8x128xf32, #tpu.memory_space<hbm>> -> memref<4x8x128xf32, #tpu.memory_space<hbm>>
        %dma_wait3A_353 = tpu.memref_slice %arg15[%dma_wait3A_343] : memref<4x!tpu.dma_semaphore, #tpu.memory_space<semaphore_mem>> -> memref<1x!tpu.dma_semaphore, #tpu.memory_space<semaphore_mem>>
        %dma_wait3A_354 = tpu.memref_squeeze %dma_wait3A_353 : memref<1x!tpu.dma_semaphore, #tpu.memory_space<semaphore_mem>> -> memref<!tpu.dma_semaphore, #tpu.memory_space<semaphore_mem>>
        %dma_wait3A_355 = arith.constant 0 : i32
        %dma_wait3A_356 = arith.constant 0 : i32
        %dma_wait3A_357 = arith.constant 0 : i32
        %dma_wait3A_358 = tpu.memref_slice %arg4[%sub3A_342, %dma_wait3A_355, %add3A, %dma_wait3A_356, %dma_wait3A_357] : memref<200x4x32x8x128xf32, #tpu.memory_space<hbm>> -> memref<1x4x1x8x128xf32, #tpu.memory_space<hbm>>
        %dma_wait3A_359 = tpu.memref_squeeze %dma_wait3A_358 : memref<1x4x1x8x128xf32, #tpu.memory_space<hbm>> -> memref<4x8x128xf32, #tpu.memory_space<hbm>>
        %dma_wait3A_360 = arith.constant 0 : i32
        %dma_wait3A_361 = arith.constant 0 : i32
        %dma_wait3A_362 = arith.constant 0 : i32
        %dma_wait3A_363 = tpu.memref_slice %arg10[%dma_wait3A_360, %dma_wait3A_361, %dma_wait3A_362] : memref<4x8x129xf32, #tpu.memory_space<vmem>> -> memref<4x8x128xf32, #tpu.memory_space<vmem>>
        tpu.wait_dma2 semaphore(%dma_wait3A_354 : memref<!tpu.dma_semaphore, #tpu.memory_space<semaphore_mem>>) src(%dma_wait3A_363 : memref<4x8x128xf32, #tpu.memory_space<vmem>>) dst(%dma_wait3A_359 : memref<4x8x128xf32, #tpu.memory_space<hbm>>)
      } else {
      }
      %parallel_loop3A = arith.constant 0 : i32
      %parallel_loop3A_172 = arith.constant 128 : i32
      %parallel_loop3A_173 = arith.constant 4 : i32
      scf.for %parallel_loop3A_342 = %parallel_loop3A to %parallel_loop3A_172 step %parallel_loop3A_173  : i32 {
        %parallel_loop3A_343 = arith.constant 0 : i32
        %parallel_loop3A_344 = arith.addi %parallel_loop3A_342, %parallel_loop3A_343 : i32
        %parallel_loop3A_345 = arith.constant 1 : i32
        %parallel_loop3A_346 = vector.broadcast %parallel_loop3A_345 : i32 to vector<16xi32>
        %parallel_loop3A_347 = vector.broadcast %parallel_loop3A_344 : i32 to vector<16xi32>
        %parallel_loop3A_348 = arith.muli %parallel_loop3A_346, %parallel_loop3A_347 : vector<16xi32>
        %parallel_loop3A_349 = arith.index_cast %parallel_loop3A_344 : i32 to index
        %parallel_loop3A_350 = arith.constant 0 : index
        %parallel_loop3A_351 = tpu.vector_load %arg6[%parallel_loop3A_349, %parallel_loop3A_350] {strides = array<i32>} : memref<128x32xf32, #tpu.memory_space<vmem>>, vector<16xf32>,
        tpu.vector_store_idx %arg10[%shift_right_logical3A_7, %and3A, %parallel_loop3A_348], %parallel_loop3A_351 : memref<4x8x129xf32, #tpu.memory_space<vmem>>[vector<16xi32>, vector<16xi32>, vector<16xi32>], vector<16xf32>,
        %parallel_loop3A_352 = arith.index_cast %parallel_loop3A_344 : i32 to index
        %parallel_loop3A_353 = arith.constant 16 : index
        %parallel_loop3A_354 = tpu.vector_load %arg6[%parallel_loop3A_352, %parallel_loop3A_353] {strides = array<i32>} : memref<128x32xf32, #tpu.memory_space<vmem>>, vector<16xf32>,
        tpu.vector_store_idx %arg10[%shift_right_logical3A_17, %and3A_23, %parallel_loop3A_348], %parallel_loop3A_354 : memref<4x8x129xf32, #tpu.memory_space<vmem>>[vector<16xi32>, vector<16xi32>, vector<16xi32>], vector<16xf32>,
        %parallel_loop3A_355 = arith.constant 1 : i32
        %parallel_loop3A_356 = arith.addi %parallel_loop3A_342, %parallel_loop3A_355 : i32
        %parallel_loop3A_357 = arith.constant 1 : i32
        %parallel_loop3A_358 = vector.broadcast %parallel_loop3A_357 : i32 to vector<16xi32>
        %parallel_loop3A_359 = vector.broadcast %parallel_loop3A_356 : i32 to vector<16xi32>
        %parallel_loop3A_360 = arith.muli %parallel_loop3A_358, %parallel_loop3A_359 : vector<16xi32>
        %parallel_loop3A_361 = arith.index_cast %parallel_loop3A_356 : i32 to index
        %parallel_loop3A_362 = arith.constant 0 : index
        %parallel_loop3A_363 = tpu.vector_load %arg6[%parallel_loop3A_361, %parallel_loop3A_362] {strides = array<i32>} : memref<128x32xf32, #tpu.memory_space<vmem>>, vector<16xf32>,
        tpu.vector_store_idx %arg10[%shift_right_logical3A_7, %and3A, %parallel_loop3A_360], %parallel_loop3A_363 : memref<4x8x129xf32, #tpu.memory_space<vmem>>[vector<16xi32>, vector<16xi32>, vector<16xi32>], vector<16xf32>,
        %parallel_loop3A_364 = arith.index_cast %parallel_loop3A_356 : i32 to index
        %parallel_loop3A_365 = arith.constant 16 : index
        %parallel_loop3A_366 = tpu.vector_load %arg6[%parallel_loop3A_364, %parallel_loop3A_365] {strides = array<i32>} : memref<128x32xf32, #tpu.memory_space<vmem>>, vector<16xf32>,
        tpu.vector_store_idx %arg10[%shift_right_logical3A_17, %and3A_23, %parallel_loop3A_360], %parallel_loop3A_366 : memref<4x8x129xf32, #tpu.memory_space<vmem>>[vector<16xi32>, vector<16xi32>, vector<16xi32>], vector<16xf32>,
        %parallel_loop3A_367 = arith.constant 2 : i32
        %parallel_loop3A_368 = arith.addi %parallel_loop3A_342, %parallel_loop3A_367 : i32
        %parallel_loop3A_369 = arith.constant 1 : i32
        %parallel_loop3A_370 = vector.broadcast %parallel_loop3A_369 : i32 to vector<16xi32>
        %parallel_loop3A_371 = vector.broadcast %parallel_loop3A_368 : i32 to vector<16xi32>
        %parallel_loop3A_372 = arith.muli %parallel_loop3A_370, %parallel_loop3A_371 : vector<16xi32>
        %parallel_loop3A_373 = arith.index_cast %parallel_loop3A_368 : i32 to index
        %parallel_loop3A_374 = arith.constant 0 : index
        %parallel_loop3A_375 = tpu.vector_load %arg6[%parallel_loop3A_373, %parallel_loop3A_374] {strides = array<i32>} : memref<128x32xf32, #tpu.memory_space<vmem>>, vector<16xf32>,
        tpu.vector_store_idx %arg10[%shift_right_logical3A_7, %and3A, %parallel_loop3A_372], %parallel_loop3A_375 : memref<4x8x129xf32, #tpu.memory_space<vmem>>[vector<16xi32>, vector<16xi32>, vector<16xi32>], vector<16xf32>,
        %parallel_loop3A_376 = arith.index_cast %parallel_loop3A_368 : i32 to index
        %parallel_loop3A_377 = arith.constant 16 : index
        %parallel_loop3A_378 = tpu.vector_load %arg6[%parallel_loop3A_376, %parallel_loop3A_377] {strides = array<i32>} : memref<128x32xf32, #tpu.memory_space<vmem>>, vector<16xf32>,
        tpu.vector_store_idx %arg10[%shift_right_logical3A_17, %and3A_23, %parallel_loop3A_372], %parallel_loop3A_378 : memref<4x8x129xf32, #tpu.memory_space<vmem>>[vector<16xi32>, vector<16xi32>, vector<16xi32>], vector<16xf32>,
        %parallel_loop3A_379 = arith.constant 3 : i32
        %parallel_loop3A_380 = arith.addi %parallel_loop3A_342, %parallel_loop3A_379 : i32
        %parallel_loop3A_381 = arith.constant 1 : i32
        %parallel_loop3A_382 = vector.broadcast %parallel_loop3A_381 : i32 to vector<16xi32>
        %parallel_loop3A_383 = vector.broadcast %parallel_loop3A_380 : i32 to vector<16xi32>
        %parallel_loop3A_384 = arith.muli %parallel_loop3A_382, %parallel_loop3A_383 : vector<16xi32>
        %parallel_loop3A_385 = arith.index_cast %parallel_loop3A_380 : i32 to index
        %parallel_loop3A_386 = arith.constant 0 : index
        %parallel_loop3A_387 = tpu.vector_load %arg6[%parallel_loop3A_385, %parallel_loop3A_386] {strides = array<i32>} : memref<128x32xf32, #tpu.memory_space<vmem>>, vector<16xf32>,
        tpu.vector_store_idx %arg10[%shift_right_logical3A_7, %and3A, %parallel_loop3A_384], %parallel_loop3A_387 : memref<4x8x129xf32, #tpu.memory_space<vmem>>[vector<16xi32>, vector<16xi32>, vector<16xi32>], vector<16xf32>,
        %parallel_loop3A_388 = arith.index_cast %parallel_loop3A_380 : i32 to index
        %parallel_loop3A_389 = arith.constant 16 : index
        %parallel_loop3A_390 = tpu.vector_load %arg6[%parallel_loop3A_388, %parallel_loop3A_389] {strides = array<i32>} : memref<128x32xf32, #tpu.memory_space<vmem>>, vector<16xf32>,
        tpu.vector_store_idx %arg10[%shift_right_logical3A_17, %and3A_23, %parallel_loop3A_384], %parallel_loop3A_390 : memref<4x8x129xf32, #tpu.memory_space<vmem>>[vector<16xi32>, vector<16xi32>, vector<16xi32>], vector<16xf32>,
      } {sc.loop_unroll_factor = 2 : i64, sc.parallel_access}
      %dma_start3A_174 = arith.constant 0 : i32
      %dma_start3A_175 = arith.constant 0 : i32
      %dma_start3A_176 = arith.constant 0 : i32
      %dma_start3A_177 = arith.constant 0 : i32
      %dma_start3A_178 = tpu.memref_slice %arg10[%dma_start3A_175, %dma_start3A_176, %dma_start3A_177] : memref<4x8x129xf32, #tpu.memory_space<vmem>> -> memref<4x8x128xf32, #tpu.memory_space<vmem>>
      %dma_start3A_179 = arith.constant 0 : i32
      %dma_start3A_180 = arith.constant 0 : i32
      %dma_start3A_181 = arith.constant 0 : i32
      %dma_start3A_182 = tpu.memref_slice %arg4[%add3A_160, %dma_start3A_179, %add3A, %dma_start3A_180, %dma_start3A_181] : memref<200x4x32x8x128xf32, #tpu.memory_space<hbm>> -> memref<1x4x1x8x128xf32, #tpu.memory_space<hbm>>
      %dma_start3A_183 = tpu.memref_squeeze %dma_start3A_182 : memref<1x4x1x8x128xf32, #tpu.memory_space<hbm>> -> memref<4x8x128xf32, #tpu.memory_space<hbm>>
      %dma_start3A_184 = tpu.memref_slice %arg15[%dma_start3A_174] : memref<4x!tpu.dma_semaphore, #tpu.memory_space<semaphore_mem>> -> memref<1x!tpu.dma_semaphore, #tpu.memory_space<semaphore_mem>>
      %dma_start3A_185 = tpu.memref_squeeze %dma_start3A_184 : memref<1x!tpu.dma_semaphore, #tpu.memory_space<semaphore_mem>> -> memref<!tpu.dma_semaphore, #tpu.memory_space<semaphore_mem>>
      %dma_start3A_186 = arith.constant 0 : i32
      %dma_start3A_187 = arith.constant 0 : i32
      %dma_start3A_188 = arith.constant 0 : i32
      %dma_start3A_189 = tpu.memref_slice %arg4[%add3A_160, %dma_start3A_186, %add3A, %dma_start3A_187, %dma_start3A_188] : memref<200x4x32x8x128xf32, #tpu.memory_space<hbm>> -> memref<1x4x1x8x128xf32, #tpu.memory_space<hbm>>
      %dma_start3A_190 = tpu.memref_squeeze %dma_start3A_189 : memref<1x4x1x8x128xf32, #tpu.memory_space<hbm>> -> memref<4x8x128xf32, #tpu.memory_space<hbm>>
      %dma_start3A_191 = arith.constant 0 : i32
      %dma_start3A_192 = arith.constant 0 : i32
      %dma_start3A_193 = arith.constant 0 : i32
      %dma_start3A_194 = tpu.memref_slice %arg10[%dma_start3A_191, %dma_start3A_192, %dma_start3A_193] : memref<4x8x129xf32, #tpu.memory_space<vmem>> -> memref<4x8x128xf32, #tpu.memory_space<vmem>>
      tpu.enqueue_dma source(%dma_start3A_194 : memref<4x8x128xf32, #tpu.memory_space<vmem>>) target(%dma_start3A_190 : memref<4x8x128xf32, #tpu.memory_space<hbm>>) target_semaphore(%dma_start3A_185 : memref<!tpu.dma_semaphore, #tpu.memory_space<semaphore_mem>>)
      %add3A_195 = arith.constant 4 : i32
      %add3A_196 = arith.addi %add3A_160, %add3A_195 : i32
      %lt3A = arith.constant 200 : i32
      %lt3A_197 = arith.cmpi slt, %add3A_196, %lt3A : i32
      %convert_element_type3A_198 = arith.extui %lt3A_197 : i1 to i32
      %cond3A_199 = arith.constant 0 : i32
      %cond3A_200 = arith.cmpi ne, %convert_element_type3A_198, %cond3A_199 : i32
      scf.if %cond3A_200 {
        %add3A_342 = arith.constant 4 : i32
        %add3A_343 = arith.addi %add3A_160, %add3A_342 : i32
        %dma_start3A_344 = arith.constant 0 : i32
        %dma_start3A_345 = arith.constant 0 : i32
        %dma_start3A_346 = tpu.memref_slice %arg5[%add3A_343, %dma_start3A_345] : memref<200x128xi32, #tpu.memory_space<vmem>> -> memref<1x128xi32, #tpu.memory_space<vmem>>
        %dma_start3A_347 = tpu.memref_squeeze %dma_start3A_346 : memref<1x128xi32, #tpu.memory_space<vmem>> -> memref<128xi32, #tpu.memory_space<vmem>>
        %dma_start3A_348 = arith.constant 0 : i32
        %dma_start3A_349 = arith.constant 0 : i32
        %dma_start3A_350 = tpu.memref_slice %arg2[%dma_start3A_348, %dma_start3A_349] : memref<1000000x32xf32, #tpu.memory_space<hbm>> -> memref<1000000x32xf32, #tpu.memory_space<hbm>>
        %dma_start3A_351 = tpu.memref_slice %arg14[%dma_start3A_344] : memref<4x!tpu.dma_semaphore, #tpu.memory_space<semaphore_mem>> -> memref<1x!tpu.dma_semaphore, #tpu.memory_space<semaphore_mem>>
        %dma_start3A_352 = tpu.memref_squeeze %dma_start3A_351 : memref<1x!tpu.dma_semaphore, #tpu.memory_space<semaphore_mem>> -> memref<!tpu.dma_semaphore, #tpu.memory_space<semaphore_mem>>
        tpu.enqueue_indirect_dma source(%dma_start3A_350 : memref<1000000x32xf32, #tpu.memory_space<hbm>>) target(%arg6 : memref<128x32xf32, #tpu.memory_space<vmem>>) offsets(%dma_start3A_347 : memref<128xi32, #tpu.memory_space<vmem>>) semaphore(%dma_start3A_352 : memref<!tpu.dma_semaphore, #tpu.memory_space<semaphore_mem>>)
      } else {
      }
      %add3A_201 = arith.constant 1 : i32
      %add3A_202 = arith.addi %add3A_158, %add3A_201 : i32
      %dma_wait3A_203 = arith.constant 1 : i32
      %dma_wait3A_204 = arith.constant 0 : i32
      %dma_wait3A_205 = tpu.memref_slice %arg5[%add3A_202, %dma_wait3A_204] : memref<200x128xi32, #tpu.memory_space<vmem>> -> memref<1x128xi32, #tpu.memory_space<vmem>>
      %dma_wait3A_206 = tpu.memref_squeeze %dma_wait3A_205 : memref<1x128xi32, #tpu.memory_space<vmem>> -> memref<128xi32, #tpu.memory_space<vmem>>
      %dma_wait3A_207 = arith.constant 0 : i32
      %dma_wait3A_208 = arith.constant 0 : i32
      %dma_wait3A_209 = tpu.memref_slice %arg2[%dma_wait3A_207, %dma_wait3A_208] : memref<1000000x32xf32, #tpu.memory_space<hbm>> -> memref<1000000x32xf32, #tpu.memory_space<hbm>>
      %dma_wait3A_210 = tpu.memref_slice %arg14[%dma_wait3A_203] : memref<4x!tpu.dma_semaphore, #tpu.memory_space<semaphore_mem>> -> memref<1x!tpu.dma_semaphore, #tpu.memory_space<semaphore_mem>>
      %dma_wait3A_211 = tpu.memref_squeeze %dma_wait3A_210 : memref<1x!tpu.dma_semaphore, #tpu.memory_space<semaphore_mem>> -> memref<!tpu.dma_semaphore, #tpu.memory_space<semaphore_mem>>
      tpu.wait_indirect_dma semaphore(%dma_wait3A_211 : memref<!tpu.dma_semaphore, #tpu.memory_space<semaphore_mem>>) src(%dma_wait3A_209 : memref<1000000x32xf32, #tpu.memory_space<hbm>>) dst(%arg7 : memref<128x32xf32, #tpu.memory_space<vmem>>)
      %ge3A_212 = arith.constant 4 : i32
      %ge3A_213 = arith.cmpi sge, %add3A_202, %ge3A_212 : i32
      %convert_element_type3A_214 = arith.extui %ge3A_213 : i1 to i32
      %cond3A_215 = arith.constant 0 : i32
      %cond3A_216 = arith.cmpi ne, %convert_element_type3A_214, %cond3A_215 : i32
      scf.if %cond3A_216 {
        %sub3A = arith.constant 4 : i32
        %sub3A_342 = arith.subi %add3A_202, %sub3A : i32
        %dma_wait3A_343 = arith.constant 1 : i32
        %dma_wait3A_344 = arith.constant 0 : i32
        %dma_wait3A_345 = arith.constant 0 : i32
        %dma_wait3A_346 = arith.constant 0 : i32
        %dma_wait3A_347 = tpu.memref_slice %arg11[%dma_wait3A_344, %dma_wait3A_345, %dma_wait3A_346] : memref<4x8x129xf32, #tpu.memory_space<vmem>> -> memref<4x8x128xf32, #tpu.memory_space<vmem>>
        %dma_wait3A_348 = arith.constant 0 : i32
        %dma_wait3A_349 = arith.constant 0 : i32
        %dma_wait3A_350 = arith.constant 0 : i32
        %dma_wait3A_351 = tpu.memref_slice %arg4[%sub3A_342, %dma_wait3A_348, %add3A, %dma_wait3A_349, %dma_wait3A_350] : memref<200x4x32x8x128xf32, #tpu.memory_space<hbm>> -> memref<1x4x1x8x128xf32, #tpu.memory_space<hbm>>
        %dma_wait3A_352 = tpu.memref_squeeze %dma_wait3A_351 : memref<1x4x1x8x128xf32, #tpu.memory_space<hbm>> -> memref<4x8x128xf32, #tpu.memory_space<hbm>>
        %dma_wait3A_353 = tpu.memref_slice %arg15[%dma_wait3A_343] : memref<4x!tpu.dma_semaphore, #tpu.memory_space<semaphore_mem>> -> memref<1x!tpu.dma_semaphore, #tpu.memory_space<semaphore_mem>>
        %dma_wait3A_354 = tpu.memref_squeeze %dma_wait3A_353 : memref<1x!tpu.dma_semaphore, #tpu.memory_space<semaphore_mem>> -> memref<!tpu.dma_semaphore, #tpu.memory_space<semaphore_mem>>
        %dma_wait3A_355 = arith.constant 0 : i32
        %dma_wait3A_356 = arith.constant 0 : i32
        %dma_wait3A_357 = arith.constant 0 : i32
        %dma_wait3A_358 = tpu.memref_slice %arg4[%sub3A_342, %dma_wait3A_355, %add3A, %dma_wait3A_356, %dma_wait3A_357] : memref<200x4x32x8x128xf32, #tpu.memory_space<hbm>> -> memref<1x4x1x8x128xf32, #tpu.memory_space<hbm>>
        %dma_wait3A_359 = tpu.memref_squeeze %dma_wait3A_358 : memref<1x4x1x8x128xf32, #tpu.memory_space<hbm>> -> memref<4x8x128xf32, #tpu.memory_space<hbm>>
        %dma_wait3A_360 = arith.constant 0 : i32
        %dma_wait3A_361 = arith.constant 0 : i32
        %dma_wait3A_362 = arith.constant 0 : i32
        %dma_wait3A_363 = tpu.memref_slice %arg11[%dma_wait3A_360, %dma_wait3A_361, %dma_wait3A_362] : memref<4x8x129xf32, #tpu.memory_space<vmem>> -> memref<4x8x128xf32, #tpu.memory_space<vmem>>
        tpu.wait_dma2 semaphore(%dma_wait3A_354 : memref<!tpu.dma_semaphore, #tpu.memory_space<semaphore_mem>>) src(%dma_wait3A_363 : memref<4x8x128xf32, #tpu.memory_space<vmem>>) dst(%dma_wait3A_359 : memref<4x8x128xf32, #tpu.memory_space<hbm>>)
      } else {
      }
      %parallel_loop3A_217 = arith.constant 0 : i32
      %parallel_loop3A_218 = arith.constant 128 : i32
      %parallel_loop3A_219 = arith.constant 4 : i32
      scf.for %parallel_loop3A_342 = %parallel_loop3A_217 to %parallel_loop3A_218 step %parallel_loop3A_219  : i32 {
        %parallel_loop3A_343 = arith.constant 0 : i32
        %parallel_loop3A_344 = arith.addi %parallel_loop3A_342, %parallel_loop3A_343 : i32
        %parallel_loop3A_345 = arith.constant 1 : i32
        %parallel_loop3A_346 = vector.broadcast %parallel_loop3A_345 : i32 to vector<16xi32>
        %parallel_loop3A_347 = vector.broadcast %parallel_loop3A_344 : i32 to vector<16xi32>
        %parallel_loop3A_348 = arith.muli %parallel_loop3A_346, %parallel_loop3A_347 : vector<16xi32>
        %parallel_loop3A_349 = arith.index_cast %parallel_loop3A_344 : i32 to index
        %parallel_loop3A_350 = arith.constant 0 : index
        %parallel_loop3A_351 = tpu.vector_load %arg7[%parallel_loop3A_349, %parallel_loop3A_350] {strides = array<i32>} : memref<128x32xf32, #tpu.memory_space<vmem>>, vector<16xf32>,
        tpu.vector_store_idx %arg11[%shift_right_logical3A_7, %and3A, %parallel_loop3A_348], %parallel_loop3A_351 : memref<4x8x129xf32, #tpu.memory_space<vmem>>[vector<16xi32>, vector<16xi32>, vector<16xi32>], vector<16xf32>,
        %parallel_loop3A_352 = arith.index_cast %parallel_loop3A_344 : i32 to index
        %parallel_loop3A_353 = arith.constant 16 : index
        %parallel_loop3A_354 = tpu.vector_load %arg7[%parallel_loop3A_352, %parallel_loop3A_353] {strides = array<i32>} : memref<128x32xf32, #tpu.memory_space<vmem>>, vector<16xf32>,
        tpu.vector_store_idx %arg11[%shift_right_logical3A_17, %and3A_23, %parallel_loop3A_348], %parallel_loop3A_354 : memref<4x8x129xf32, #tpu.memory_space<vmem>>[vector<16xi32>, vector<16xi32>, vector<16xi32>], vector<16xf32>,
        %parallel_loop3A_355 = arith.constant 1 : i32
        %parallel_loop3A_356 = arith.addi %parallel_loop3A_342, %parallel_loop3A_355 : i32
        %parallel_loop3A_357 = arith.constant 1 : i32
        %parallel_loop3A_358 = vector.broadcast %parallel_loop3A_357 : i32 to vector<16xi32>
        %parallel_loop3A_359 = vector.broadcast %parallel_loop3A_356 : i32 to vector<16xi32>
        %parallel_loop3A_360 = arith.muli %parallel_loop3A_358, %parallel_loop3A_359 : vector<16xi32>
        %parallel_loop3A_361 = arith.index_cast %parallel_loop3A_356 : i32 to index
        %parallel_loop3A_362 = arith.constant 0 : index
        %parallel_loop3A_363 = tpu.vector_load %arg7[%parallel_loop3A_361, %parallel_loop3A_362] {strides = array<i32>} : memref<128x32xf32, #tpu.memory_space<vmem>>, vector<16xf32>,
        tpu.vector_store_idx %arg11[%shift_right_logical3A_7, %and3A, %parallel_loop3A_360], %parallel_loop3A_363 : memref<4x8x129xf32, #tpu.memory_space<vmem>>[vector<16xi32>, vector<16xi32>, vector<16xi32>], vector<16xf32>,
        %parallel_loop3A_364 = arith.index_cast %parallel_loop3A_356 : i32 to index
        %parallel_loop3A_365 = arith.constant 16 : index
        %parallel_loop3A_366 = tpu.vector_load %arg7[%parallel_loop3A_364, %parallel_loop3A_365] {strides = array<i32>} : memref<128x32xf32, #tpu.memory_space<vmem>>, vector<16xf32>,
        tpu.vector_store_idx %arg11[%shift_right_logical3A_17, %and3A_23, %parallel_loop3A_360], %parallel_loop3A_366 : memref<4x8x129xf32, #tpu.memory_space<vmem>>[vector<16xi32>, vector<16xi32>, vector<16xi32>], vector<16xf32>,
        %parallel_loop3A_367 = arith.constant 2 : i32
        %parallel_loop3A_368 = arith.addi %parallel_loop3A_342, %parallel_loop3A_367 : i32
        %parallel_loop3A_369 = arith.constant 1 : i32
        %parallel_loop3A_370 = vector.broadcast %parallel_loop3A_369 : i32 to vector<16xi32>
        %parallel_loop3A_371 = vector.broadcast %parallel_loop3A_368 : i32 to vector<16xi32>
        %parallel_loop3A_372 = arith.muli %parallel_loop3A_370, %parallel_loop3A_371 : vector<16xi32>
        %parallel_loop3A_373 = arith.index_cast %parallel_loop3A_368 : i32 to index
        %parallel_loop3A_374 = arith.constant 0 : index
        %parallel_loop3A_375 = tpu.vector_load %arg7[%parallel_loop3A_373, %parallel_loop3A_374] {strides = array<i32>} : memref<128x32xf32, #tpu.memory_space<vmem>>, vector<16xf32>,
        tpu.vector_store_idx %arg11[%shift_right_logical3A_7, %and3A, %parallel_loop3A_372], %parallel_loop3A_375 : memref<4x8x129xf32, #tpu.memory_space<vmem>>[vector<16xi32>, vector<16xi32>, vector<16xi32>], vector<16xf32>,
        %parallel_loop3A_376 = arith.index_cast %parallel_loop3A_368 : i32 to index
        %parallel_loop3A_377 = arith.constant 16 : index
        %parallel_loop3A_378 = tpu.vector_load %arg7[%parallel_loop3A_376, %parallel_loop3A_377] {strides = array<i32>} : memref<128x32xf32, #tpu.memory_space<vmem>>, vector<16xf32>,
        tpu.vector_store_idx %arg11[%shift_right_logical3A_17, %and3A_23, %parallel_loop3A_372], %parallel_loop3A_378 : memref<4x8x129xf32, #tpu.memory_space<vmem>>[vector<16xi32>, vector<16xi32>, vector<16xi32>], vector<16xf32>,
        %parallel_loop3A_379 = arith.constant 3 : i32
        %parallel_loop3A_380 = arith.addi %parallel_loop3A_342, %parallel_loop3A_379 : i32
        %parallel_loop3A_381 = arith.constant 1 : i32
        %parallel_loop3A_382 = vector.broadcast %parallel_loop3A_381 : i32 to vector<16xi32>
        %parallel_loop3A_383 = vector.broadcast %parallel_loop3A_380 : i32 to vector<16xi32>
        %parallel_loop3A_384 = arith.muli %parallel_loop3A_382, %parallel_loop3A_383 : vector<16xi32>
        %parallel_loop3A_385 = arith.index_cast %parallel_loop3A_380 : i32 to index
        %parallel_loop3A_386 = arith.constant 0 : index
        %parallel_loop3A_387 = tpu.vector_load %arg7[%parallel_loop3A_385, %parallel_loop3A_386] {strides = array<i32>} : memref<128x32xf32, #tpu.memory_space<vmem>>, vector<16xf32>,
        tpu.vector_store_idx %arg11[%shift_right_logical3A_7, %and3A, %parallel_loop3A_384], %parallel_loop3A_387 : memref<4x8x129xf32, #tpu.memory_space<vmem>>[vector<16xi32>, vector<16xi32>, vector<16xi32>], vector<16xf32>,
        %parallel_loop3A_388 = arith.index_cast %parallel_loop3A_380 : i32 to index
        %parallel_loop3A_389 = arith.constant 16 : index
        %parallel_loop3A_390 = tpu.vector_load %arg7[%parallel_loop3A_388, %parallel_loop3A_389] {strides = array<i32>} : memref<128x32xf32, #tpu.memory_space<vmem>>, vector<16xf32>,
        tpu.vector_store_idx %arg11[%shift_right_logical3A_17, %and3A_23, %parallel_loop3A_384], %parallel_loop3A_390 : memref<4x8x129xf32, #tpu.memory_space<vmem>>[vector<16xi32>, vector<16xi32>, vector<16xi32>], vector<16xf32>,
      } {sc.loop_unroll_factor = 2 : i64, sc.parallel_access}
      %dma_start3A_220 = arith.constant 1 : i32
      %dma_start3A_221 = arith.constant 0 : i32
      %dma_start3A_222 = arith.constant 0 : i32
      %dma_start3A_223 = arith.constant 0 : i32
      %dma_start3A_224 = tpu.memref_slice %arg11[%dma_start3A_221, %dma_start3A_222, %dma_start3A_223] : memref<4x8x129xf32, #tpu.memory_space<vmem>> -> memref<4x8x128xf32, #tpu.memory_space<vmem>>
      %dma_start3A_225 = arith.constant 0 : i32
      %dma_start3A_226 = arith.constant 0 : i32
      %dma_start3A_227 = arith.constant 0 : i32
      %dma_start3A_228 = tpu.memref_slice %arg4[%add3A_202, %dma_start3A_225, %add3A, %dma_start3A_226, %dma_start3A_227] : memref<200x4x32x8x128xf32, #tpu.memory_space<hbm>> -> memref<1x4x1x8x128xf32, #tpu.memory_space<hbm>>
      %dma_start3A_229 = tpu.memref_squeeze %dma_start3A_228 : memref<1x4x1x8x128xf32, #tpu.memory_space<hbm>> -> memref<4x8x128xf32, #tpu.memory_space<hbm>>
      %dma_start3A_230 = tpu.memref_slice %arg15[%dma_start3A_220] : memref<4x!tpu.dma_semaphore, #tpu.memory_space<semaphore_mem>> -> memref<1x!tpu.dma_semaphore, #tpu.memory_space<semaphore_mem>>
      %dma_start3A_231 = tpu.memref_squeeze %dma_start3A_230 : memref<1x!tpu.dma_semaphore, #tpu.memory_space<semaphore_mem>> -> memref<!tpu.dma_semaphore, #tpu.memory_space<semaphore_mem>>
      %dma_start3A_232 = arith.constant 0 : i32
      %dma_start3A_233 = arith.constant 0 : i32
      %dma_start3A_234 = arith.constant 0 : i32
      %dma_start3A_235 = tpu.memref_slice %arg4[%add3A_202, %dma_start3A_232, %add3A, %dma_start3A_233, %dma_start3A_234] : memref<200x4x32x8x128xf32, #tpu.memory_space<hbm>> -> memref<1x4x1x8x128xf32, #tpu.memory_space<hbm>>
      %dma_start3A_236 = tpu.memref_squeeze %dma_start3A_235 : memref<1x4x1x8x128xf32, #tpu.memory_space<hbm>> -> memref<4x8x128xf32, #tpu.memory_space<hbm>>
      %dma_start3A_237 = arith.constant 0 : i32
      %dma_start3A_238 = arith.constant 0 : i32
      %dma_start3A_239 = arith.constant 0 : i32
      %dma_start3A_240 = tpu.memref_slice %arg11[%dma_start3A_237, %dma_start3A_238, %dma_start3A_239] : memref<4x8x129xf32, #tpu.memory_space<vmem>> -> memref<4x8x128xf32, #tpu.memory_space<vmem>>
      tpu.enqueue_dma source(%dma_start3A_240 : memref<4x8x128xf32, #tpu.memory_space<vmem>>) target(%dma_start3A_236 : memref<4x8x128xf32, #tpu.memory_space<hbm>>) target_semaphore(%dma_start3A_231 : memref<!tpu.dma_semaphore, #tpu.memory_space<semaphore_mem>>)
      %add3A_241 = arith.constant 4 : i32
      %add3A_242 = arith.addi %add3A_202, %add3A_241 : i32
      %lt3A_243 = arith.constant 200 : i32
      %lt3A_244 = arith.cmpi slt, %add3A_242, %lt3A_243 : i32
      %convert_element_type3A_245 = arith.extui %lt3A_244 : i1 to i32
      %cond3A_246 = arith.constant 0 : i32
      %cond3A_247 = arith.cmpi ne, %convert_element_type3A_245, %cond3A_246 : i32
      scf.if %cond3A_247 {
        %add3A_342 = arith.constant 4 : i32
        %add3A_343 = arith.addi %add3A_202, %add3A_342 : i32
        %dma_start3A_344 = arith.constant 1 : i32
        %dma_start3A_345 = arith.constant 0 : i32
        %dma_start3A_346 = tpu.memref_slice %arg5[%add3A_343, %dma_start3A_345] : memref<200x128xi32, #tpu.memory_space<vmem>> -> memref<1x128xi32, #tpu.memory_space<vmem>>
        %dma_start3A_347 = tpu.memref_squeeze %dma_start3A_346 : memref<1x128xi32, #tpu.memory_space<vmem>> -> memref<128xi32, #tpu.memory_space<vmem>>
        %dma_start3A_348 = arith.constant 0 : i32
        %dma_start3A_349 = arith.constant 0 : i32
        %dma_start3A_350 = tpu.memref_slice %arg2[%dma_start3A_348, %dma_start3A_349] : memref<1000000x32xf32, #tpu.memory_space<hbm>> -> memref<1000000x32xf32, #tpu.memory_space<hbm>>
        %dma_start3A_351 = tpu.memref_slice %arg14[%dma_start3A_344] : memref<4x!tpu.dma_semaphore, #tpu.memory_space<semaphore_mem>> -> memref<1x!tpu.dma_semaphore, #tpu.memory_space<semaphore_mem>>
        %dma_start3A_352 = tpu.memref_squeeze %dma_start3A_351 : memref<1x!tpu.dma_semaphore, #tpu.memory_space<semaphore_mem>> -> memref<!tpu.dma_semaphore, #tpu.memory_space<semaphore_mem>>
        tpu.enqueue_indirect_dma source(%dma_start3A_350 : memref<1000000x32xf32, #tpu.memory_space<hbm>>) target(%arg7 : memref<128x32xf32, #tpu.memory_space<vmem>>) offsets(%dma_start3A_347 : memref<128xi32, #tpu.memory_space<vmem>>) semaphore(%dma_start3A_352 : memref<!tpu.dma_semaphore, #tpu.memory_space<semaphore_mem>>)
      } else {
      }
      %add3A_248 = arith.constant 2 : i32
      %add3A_249 = arith.addi %add3A_158, %add3A_248 : i32
      %dma_wait3A_250 = arith.constant 2 : i32
      %dma_wait3A_251 = arith.constant 0 : i32
      %dma_wait3A_252 = tpu.memref_slice %arg5[%add3A_249, %dma_wait3A_251] : memref<200x128xi32, #tpu.memory_space<vmem>> -> memref<1x128xi32, #tpu.memory_space<vmem>>
      %dma_wait3A_253 = tpu.memref_squeeze %dma_wait3A_252 : memref<1x128xi32, #tpu.memory_space<vmem>> -> memref<128xi32, #tpu.memory_space<vmem>>
      %dma_wait3A_254 = arith.constant 0 : i32
      %dma_wait3A_255 = arith.constant 0 : i32
      %dma_wait3A_256 = tpu.memref_slice %arg2[%dma_wait3A_254, %dma_wait3A_255] : memref<1000000x32xf32, #tpu.memory_space<hbm>> -> memref<1000000x32xf32, #tpu.memory_space<hbm>>
      %dma_wait3A_257 = tpu.memref_slice %arg14[%dma_wait3A_250] : memref<4x!tpu.dma_semaphore, #tpu.memory_space<semaphore_mem>> -> memref<1x!tpu.dma_semaphore, #tpu.memory_space<semaphore_mem>>
      %dma_wait3A_258 = tpu.memref_squeeze %dma_wait3A_257 : memref<1x!tpu.dma_semaphore, #tpu.memory_space<semaphore_mem>> -> memref<!tpu.dma_semaphore, #tpu.memory_space<semaphore_mem>>
      tpu.wait_indirect_dma semaphore(%dma_wait3A_258 : memref<!tpu.dma_semaphore, #tpu.memory_space<semaphore_mem>>) src(%dma_wait3A_256 : memref<1000000x32xf32, #tpu.memory_space<hbm>>) dst(%arg8 : memref<128x32xf32, #tpu.memory_space<vmem>>)
      %ge3A_259 = arith.constant 4 : i32
      %ge3A_260 = arith.cmpi sge, %add3A_249, %ge3A_259 : i32
      %convert_element_type3A_261 = arith.extui %ge3A_260 : i1 to i32
      %cond3A_262 = arith.constant 0 : i32
      %cond3A_263 = arith.cmpi ne, %convert_element_type3A_261, %cond3A_262 : i32
      scf.if %cond3A_263 {
        %sub3A = arith.constant 4 : i32
        %sub3A_342 = arith.subi %add3A_249, %sub3A : i32
        %dma_wait3A_343 = arith.constant 2 : i32
        %dma_wait3A_344 = arith.constant 0 : i32
        %dma_wait3A_345 = arith.constant 0 : i32
        %dma_wait3A_346 = arith.constant 0 : i32
        %dma_wait3A_347 = tpu.memref_slice %arg12[%dma_wait3A_344, %dma_wait3A_345, %dma_wait3A_346] : memref<4x8x129xf32, #tpu.memory_space<vmem>> -> memref<4x8x128xf32, #tpu.memory_space<vmem>>
        %dma_wait3A_348 = arith.constant 0 : i32
        %dma_wait3A_349 = arith.constant 0 : i32
        %dma_wait3A_350 = arith.constant 0 : i32
        %dma_wait3A_351 = tpu.memref_slice %arg4[%sub3A_342, %dma_wait3A_348, %add3A, %dma_wait3A_349, %dma_wait3A_350] : memref<200x4x32x8x128xf32, #tpu.memory_space<hbm>> -> memref<1x4x1x8x128xf32, #tpu.memory_space<hbm>>
        %dma_wait3A_352 = tpu.memref_squeeze %dma_wait3A_351 : memref<1x4x1x8x128xf32, #tpu.memory_space<hbm>> -> memref<4x8x128xf32, #tpu.memory_space<hbm>>
        %dma_wait3A_353 = tpu.memref_slice %arg15[%dma_wait3A_343] : memref<4x!tpu.dma_semaphore, #tpu.memory_space<semaphore_mem>> -> memref<1x!tpu.dma_semaphore, #tpu.memory_space<semaphore_mem>>
        %dma_wait3A_354 = tpu.memref_squeeze %dma_wait3A_353 : memref<1x!tpu.dma_semaphore, #tpu.memory_space<semaphore_mem>> -> memref<!tpu.dma_semaphore, #tpu.memory_space<semaphore_mem>>
        %dma_wait3A_355 = arith.constant 0 : i32
        %dma_wait3A_356 = arith.constant 0 : i32
        %dma_wait3A_357 = arith.constant 0 : i32
        %dma_wait3A_358 = tpu.memref_slice %arg4[%sub3A_342, %dma_wait3A_355, %add3A, %dma_wait3A_356, %dma_wait3A_357] : memref<200x4x32x8x128xf32, #tpu.memory_space<hbm>> -> memref<1x4x1x8x128xf32, #tpu.memory_space<hbm>>
        %dma_wait3A_359 = tpu.memref_squeeze %dma_wait3A_358 : memref<1x4x1x8x128xf32, #tpu.memory_space<hbm>> -> memref<4x8x128xf32, #tpu.memory_space<hbm>>
        %dma_wait3A_360 = arith.constant 0 : i32
        %dma_wait3A_361 = arith.constant 0 : i32
        %dma_wait3A_362 = arith.constant 0 : i32
        %dma_wait3A_363 = tpu.memref_slice %arg12[%dma_wait3A_360, %dma_wait3A_361, %dma_wait3A_362] : memref<4x8x129xf32, #tpu.memory_space<vmem>> -> memref<4x8x128xf32, #tpu.memory_space<vmem>>
        tpu.wait_dma2 semaphore(%dma_wait3A_354 : memref<!tpu.dma_semaphore, #tpu.memory_space<semaphore_mem>>) src(%dma_wait3A_363 : memref<4x8x128xf32, #tpu.memory_space<vmem>>) dst(%dma_wait3A_359 : memref<4x8x128xf32, #tpu.memory_space<hbm>>)
      } else {
      }
      %parallel_loop3A_264 = arith.constant 0 : i32
      %parallel_loop3A_265 = arith.constant 128 : i32
      %parallel_loop3A_266 = arith.constant 4 : i32
      scf.for %parallel_loop3A_342 = %parallel_loop3A_264 to %parallel_loop3A_265 step %parallel_loop3A_266  : i32 {
        %parallel_loop3A_343 = arith.constant 0 : i32
        %parallel_loop3A_344 = arith.addi %parallel_loop3A_342, %parallel_loop3A_343 : i32
        %parallel_loop3A_345 = arith.constant 1 : i32
        %parallel_loop3A_346 = vector.broadcast %parallel_loop3A_345 : i32 to vector<16xi32>
        %parallel_loop3A_347 = vector.broadcast %parallel_loop3A_344 : i32 to vector<16xi32>
        %parallel_loop3A_348 = arith.muli %parallel_loop3A_346, %parallel_loop3A_347 : vector<16xi32>
        %parallel_loop3A_349 = arith.index_cast %parallel_loop3A_344 : i32 to index
        %parallel_loop3A_350 = arith.constant 0 : index
        %parallel_loop3A_351 = tpu.vector_load %arg8[%parallel_loop3A_349, %parallel_loop3A_350] {strides = array<i32>} : memref<128x32xf32, #tpu.memory_space<vmem>>, vector<16xf32>,
        tpu.vector_store_idx %arg12[%shift_right_logical3A_7, %and3A, %parallel_loop3A_348], %parallel_loop3A_351 : memref<4x8x129xf32, #tpu.memory_space<vmem>>[vector<16xi32>, vector<16xi32>, vector<16xi32>], vector<16xf32>,
        %parallel_loop3A_352 = arith.index_cast %parallel_loop3A_344 : i32 to index
        %parallel_loop3A_353 = arith.constant 16 : index
        %parallel_loop3A_354 = tpu.vector_load %arg8[%parallel_loop3A_352, %parallel_loop3A_353] {strides = array<i32>} : memref<128x32xf32, #tpu.memory_space<vmem>>, vector<16xf32>,
        tpu.vector_store_idx %arg12[%shift_right_logical3A_17, %and3A_23, %parallel_loop3A_348], %parallel_loop3A_354 : memref<4x8x129xf32, #tpu.memory_space<vmem>>[vector<16xi32>, vector<16xi32>, vector<16xi32>], vector<16xf32>,
        %parallel_loop3A_355 = arith.constant 1 : i32
        %parallel_loop3A_356 = arith.addi %parallel_loop3A_342, %parallel_loop3A_355 : i32
        %parallel_loop3A_357 = arith.constant 1 : i32
        %parallel_loop3A_358 = vector.broadcast %parallel_loop3A_357 : i32 to vector<16xi32>
        %parallel_loop3A_359 = vector.broadcast %parallel_loop3A_356 : i32 to vector<16xi32>
        %parallel_loop3A_360 = arith.muli %parallel_loop3A_358, %parallel_loop3A_359 : vector<16xi32>
        %parallel_loop3A_361 = arith.index_cast %parallel_loop3A_356 : i32 to index
        %parallel_loop3A_362 = arith.constant 0 : index
        %parallel_loop3A_363 = tpu.vector_load %arg8[%parallel_loop3A_361, %parallel_loop3A_362] {strides = array<i32>} : memref<128x32xf32, #tpu.memory_space<vmem>>, vector<16xf32>,
        tpu.vector_store_idx %arg12[%shift_right_logical3A_7, %and3A, %parallel_loop3A_360], %parallel_loop3A_363 : memref<4x8x129xf32, #tpu.memory_space<vmem>>[vector<16xi32>, vector<16xi32>, vector<16xi32>], vector<16xf32>,
        %parallel_loop3A_364 = arith.index_cast %parallel_loop3A_356 : i32 to index
        %parallel_loop3A_365 = arith.constant 16 : index
        %parallel_loop3A_366 = tpu.vector_load %arg8[%parallel_loop3A_364, %parallel_loop3A_365] {strides = array<i32>} : memref<128x32xf32, #tpu.memory_space<vmem>>, vector<16xf32>,
        tpu.vector_store_idx %arg12[%shift_right_logical3A_17, %and3A_23, %parallel_loop3A_360], %parallel_loop3A_366 : memref<4x8x129xf32, #tpu.memory_space<vmem>>[vector<16xi32>, vector<16xi32>, vector<16xi32>], vector<16xf32>,
        %parallel_loop3A_367 = arith.constant 2 : i32
        %parallel_loop3A_368 = arith.addi %parallel_loop3A_342, %parallel_loop3A_367 : i32
        %parallel_loop3A_369 = arith.constant 1 : i32
        %parallel_loop3A_370 = vector.broadcast %parallel_loop3A_369 : i32 to vector<16xi32>
        %parallel_loop3A_371 = vector.broadcast %parallel_loop3A_368 : i32 to vector<16xi32>
        %parallel_loop3A_372 = arith.muli %parallel_loop3A_370, %parallel_loop3A_371 : vector<16xi32>
        %parallel_loop3A_373 = arith.index_cast %parallel_loop3A_368 : i32 to index
        %parallel_loop3A_374 = arith.constant 0 : index
        %parallel_loop3A_375 = tpu.vector_load %arg8[%parallel_loop3A_373, %parallel_loop3A_374] {strides = array<i32>} : memref<128x32xf32, #tpu.memory_space<vmem>>, vector<16xf32>,
        tpu.vector_store_idx %arg12[%shift_right_logical3A_7, %and3A, %parallel_loop3A_372], %parallel_loop3A_375 : memref<4x8x129xf32, #tpu.memory_space<vmem>>[vector<16xi32>, vector<16xi32>, vector<16xi32>], vector<16xf32>,
        %parallel_loop3A_376 = arith.index_cast %parallel_loop3A_368 : i32 to index
        %parallel_loop3A_377 = arith.constant 16 : index
        %parallel_loop3A_378 = tpu.vector_load %arg8[%parallel_loop3A_376, %parallel_loop3A_377] {strides = array<i32>} : memref<128x32xf32, #tpu.memory_space<vmem>>, vector<16xf32>,
        tpu.vector_store_idx %arg12[%shift_right_logical3A_17, %and3A_23, %parallel_loop3A_372], %parallel_loop3A_378 : memref<4x8x129xf32, #tpu.memory_space<vmem>>[vector<16xi32>, vector<16xi32>, vector<16xi32>], vector<16xf32>,
        %parallel_loop3A_379 = arith.constant 3 : i32
        %parallel_loop3A_380 = arith.addi %parallel_loop3A_342, %parallel_loop3A_379 : i32
        %parallel_loop3A_381 = arith.constant 1 : i32
        %parallel_loop3A_382 = vector.broadcast %parallel_loop3A_381 : i32 to vector<16xi32>
        %parallel_loop3A_383 = vector.broadcast %parallel_loop3A_380 : i32 to vector<16xi32>
        %parallel_loop3A_384 = arith.muli %parallel_loop3A_382, %parallel_loop3A_383 : vector<16xi32>
        %parallel_loop3A_385 = arith.index_cast %parallel_loop3A_380 : i32 to index
        %parallel_loop3A_386 = arith.constant 0 : index
        %parallel_loop3A_387 = tpu.vector_load %arg8[%parallel_loop3A_385, %parallel_loop3A_386] {strides = array<i32>} : memref<128x32xf32, #tpu.memory_space<vmem>>, vector<16xf32>,
        tpu.vector_store_idx %arg12[%shift_right_logical3A_7, %and3A, %parallel_loop3A_384], %parallel_loop3A_387 : memref<4x8x129xf32, #tpu.memory_space<vmem>>[vector<16xi32>, vector<16xi32>, vector<16xi32>], vector<16xf32>,
        %parallel_loop3A_388 = arith.index_cast %parallel_loop3A_380 : i32 to index
        %parallel_loop3A_389 = arith.constant 16 : index
        %parallel_loop3A_390 = tpu.vector_load %arg8[%parallel_loop3A_388, %parallel_loop3A_389] {strides = array<i32>} : memref<128x32xf32, #tpu.memory_space<vmem>>, vector<16xf32>,
        tpu.vector_store_idx %arg12[%shift_right_logical3A_17, %and3A_23, %parallel_loop3A_384], %parallel_loop3A_390 : memref<4x8x129xf32, #tpu.memory_space<vmem>>[vector<16xi32>, vector<16xi32>, vector<16xi32>], vector<16xf32>,
      } {sc.loop_unroll_factor = 2 : i64, sc.parallel_access}
      %dma_start3A_267 = arith.constant 2 : i32
      %dma_start3A_268 = arith.constant 0 : i32
      %dma_start3A_269 = arith.constant 0 : i32
      %dma_start3A_270 = arith.constant 0 : i32
      %dma_start3A_271 = tpu.memref_slice %arg12[%dma_start3A_268, %dma_start3A_269, %dma_start3A_270] : memref<4x8x129xf32, #tpu.memory_space<vmem>> -> memref<4x8x128xf32, #tpu.memory_space<vmem>>
      %dma_start3A_272 = arith.constant 0 : i32
      %dma_start3A_273 = arith.constant 0 : i32
      %dma_start3A_274 = arith.constant 0 : i32
      %dma_start3A_275 = tpu.memref_slice %arg4[%add3A_249, %dma_start3A_272, %add3A, %dma_start3A_273, %dma_start3A_274] : memref<200x4x32x8x128xf32, #tpu.memory_space<hbm>> -> memref<1x4x1x8x128xf32, #tpu.memory_space<hbm>>
      %dma_start3A_276 = tpu.memref_squeeze %dma_start3A_275 : memref<1x4x1x8x128xf32, #tpu.memory_space<hbm>> -> memref<4x8x128xf32, #tpu.memory_space<hbm>>
      %dma_start3A_277 = tpu.memref_slice %arg15[%dma_start3A_267] : memref<4x!tpu.dma_semaphore, #tpu.memory_space<semaphore_mem>> -> memref<1x!tpu.dma_semaphore, #tpu.memory_space<semaphore_mem>>
      %dma_start3A_278 = tpu.memref_squeeze %dma_start3A_277 : memref<1x!tpu.dma_semaphore, #tpu.memory_space<semaphore_mem>> -> memref<!tpu.dma_semaphore, #tpu.memory_space<semaphore_mem>>
      %dma_start3A_279 = arith.constant 0 : i32
      %dma_start3A_280 = arith.constant 0 : i32
      %dma_start3A_281 = arith.constant 0 : i32
      %dma_start3A_282 = tpu.memref_slice %arg4[%add3A_249, %dma_start3A_279, %add3A, %dma_start3A_280, %dma_start3A_281] : memref<200x4x32x8x128xf32, #tpu.memory_space<hbm>> -> memref<1x4x1x8x128xf32, #tpu.memory_space<hbm>>
      %dma_start3A_283 = tpu.memref_squeeze %dma_start3A_282 : memref<1x4x1x8x128xf32, #tpu.memory_space<hbm>> -> memref<4x8x128xf32, #tpu.memory_space<hbm>>
      %dma_start3A_284 = arith.constant 0 : i32
      %dma_start3A_285 = arith.constant 0 : i32
      %dma_start3A_286 = arith.constant 0 : i32
      %dma_start3A_287 = tpu.memref_slice %arg12[%dma_start3A_284, %dma_start3A_285, %dma_start3A_286] : memref<4x8x129xf32, #tpu.memory_space<vmem>> -> memref<4x8x128xf32, #tpu.memory_space<vmem>>
      tpu.enqueue_dma source(%dma_start3A_287 : memref<4x8x128xf32, #tpu.memory_space<vmem>>) target(%dma_start3A_283 : memref<4x8x128xf32, #tpu.memory_space<hbm>>) target_semaphore(%dma_start3A_278 : memref<!tpu.dma_semaphore, #tpu.memory_space<semaphore_mem>>)
      %add3A_288 = arith.constant 4 : i32
      %add3A_289 = arith.addi %add3A_249, %add3A_288 : i32
      %lt3A_290 = arith.constant 200 : i32
      %lt3A_291 = arith.cmpi slt, %add3A_289, %lt3A_290 : i32
      %convert_element_type3A_292 = arith.extui %lt3A_291 : i1 to i32
      %cond3A_293 = arith.constant 0 : i32
      %cond3A_294 = arith.cmpi ne, %convert_element_type3A_292, %cond3A_293 : i32
      scf.if %cond3A_294 {
        %add3A_342 = arith.constant 4 : i32
        %add3A_343 = arith.addi %add3A_249, %add3A_342 : i32
        %dma_start3A_344 = arith.constant 2 : i32
        %dma_start3A_345 = arith.constant 0 : i32
        %dma_start3A_346 = tpu.memref_slice %arg5[%add3A_343, %dma_start3A_345] : memref<200x128xi32, #tpu.memory_space<vmem>> -> memref<1x128xi32, #tpu.memory_space<vmem>>
        %dma_start3A_347 = tpu.memref_squeeze %dma_start3A_346 : memref<1x128xi32, #tpu.memory_space<vmem>> -> memref<128xi32, #tpu.memory_space<vmem>>
        %dma_start3A_348 = arith.constant 0 : i32
        %dma_start3A_349 = arith.constant 0 : i32
        %dma_start3A_350 = tpu.memref_slice %arg2[%dma_start3A_348, %dma_start3A_349] : memref<1000000x32xf32, #tpu.memory_space<hbm>> -> memref<1000000x32xf32, #tpu.memory_space<hbm>>
        %dma_start3A_351 = tpu.memref_slice %arg14[%dma_start3A_344] : memref<4x!tpu.dma_semaphore, #tpu.memory_space<semaphore_mem>> -> memref<1x!tpu.dma_semaphore, #tpu.memory_space<semaphore_mem>>
        %dma_start3A_352 = tpu.memref_squeeze %dma_start3A_351 : memref<1x!tpu.dma_semaphore, #tpu.memory_space<semaphore_mem>> -> memref<!tpu.dma_semaphore, #tpu.memory_space<semaphore_mem>>
        tpu.enqueue_indirect_dma source(%dma_start3A_350 : memref<1000000x32xf32, #tpu.memory_space<hbm>>) target(%arg8 : memref<128x32xf32, #tpu.memory_space<vmem>>) offsets(%dma_start3A_347 : memref<128xi32, #tpu.memory_space<vmem>>) semaphore(%dma_start3A_352 : memref<!tpu.dma_semaphore, #tpu.memory_space<semaphore_mem>>)
      } else {
      }
      %add3A_295 = arith.constant 3 : i32
      %add3A_296 = arith.addi %add3A_158, %add3A_295 : i32
      %dma_wait3A_297 = arith.constant 3 : i32
      %dma_wait3A_298 = arith.constant 0 : i32
      %dma_wait3A_299 = tpu.memref_slice %arg5[%add3A_296, %dma_wait3A_298] : memref<200x128xi32, #tpu.memory_space<vmem>> -> memref<1x128xi32, #tpu.memory_space<vmem>>
      %dma_wait3A_300 = tpu.memref_squeeze %dma_wait3A_299 : memref<1x128xi32, #tpu.memory_space<vmem>> -> memref<128xi32, #tpu.memory_space<vmem>>
      %dma_wait3A_301 = arith.constant 0 : i32
      %dma_wait3A_302 = arith.constant 0 : i32
      %dma_wait3A_303 = tpu.memref_slice %arg2[%dma_wait3A_301, %dma_wait3A_302] : memref<1000000x32xf32, #tpu.memory_space<hbm>> -> memref<1000000x32xf32, #tpu.memory_space<hbm>>
      %dma_wait3A_304 = tpu.memref_slice %arg14[%dma_wait3A_297] : memref<4x!tpu.dma_semaphore, #tpu.memory_space<semaphore_mem>> -> memref<1x!tpu.dma_semaphore, #tpu.memory_space<semaphore_mem>>
      %dma_wait3A_305 = tpu.memref_squeeze %dma_wait3A_304 : memref<1x!tpu.dma_semaphore, #tpu.memory_space<semaphore_mem>> -> memref<!tpu.dma_semaphore, #tpu.memory_space<semaphore_mem>>
      tpu.wait_indirect_dma semaphore(%dma_wait3A_305 : memref<!tpu.dma_semaphore, #tpu.memory_space<semaphore_mem>>) src(%dma_wait3A_303 : memref<1000000x32xf32, #tpu.memory_space<hbm>>) dst(%arg9 : memref<128x32xf32, #tpu.memory_space<vmem>>)
      %ge3A_306 = arith.constant 4 : i32
      %ge3A_307 = arith.cmpi sge, %add3A_296, %ge3A_306 : i32
      %convert_element_type3A_308 = arith.extui %ge3A_307 : i1 to i32
      %cond3A_309 = arith.constant 0 : i32
      %cond3A_310 = arith.cmpi ne, %convert_element_type3A_308, %cond3A_309 : i32
      scf.if %cond3A_310 {
        %sub3A = arith.constant 4 : i32
        %sub3A_342 = arith.subi %add3A_296, %sub3A : i32
        %dma_wait3A_343 = arith.constant 3 : i32
        %dma_wait3A_344 = arith.constant 0 : i32
        %dma_wait3A_345 = arith.constant 0 : i32
        %dma_wait3A_346 = arith.constant 0 : i32
        %dma_wait3A_347 = tpu.memref_slice %arg13[%dma_wait3A_344, %dma_wait3A_345, %dma_wait3A_346] : memref<4x8x129xf32, #tpu.memory_space<vmem>> -> memref<4x8x128xf32, #tpu.memory_space<vmem>>
        %dma_wait3A_348 = arith.constant 0 : i32
        %dma_wait3A_349 = arith.constant 0 : i32
        %dma_wait3A_350 = arith.constant 0 : i32
        %dma_wait3A_351 = tpu.memref_slice %arg4[%sub3A_342, %dma_wait3A_348, %add3A, %dma_wait3A_349, %dma_wait3A_350] : memref<200x4x32x8x128xf32, #tpu.memory_space<hbm>> -> memref<1x4x1x8x128xf32, #tpu.memory_space<hbm>>
        %dma_wait3A_352 = tpu.memref_squeeze %dma_wait3A_351 : memref<1x4x1x8x128xf32, #tpu.memory_space<hbm>> -> memref<4x8x128xf32, #tpu.memory_space<hbm>>
        %dma_wait3A_353 = tpu.memref_slice %arg15[%dma_wait3A_343] : memref<4x!tpu.dma_semaphore, #tpu.memory_space<semaphore_mem>> -> memref<1x!tpu.dma_semaphore, #tpu.memory_space<semaphore_mem>>
        %dma_wait3A_354 = tpu.memref_squeeze %dma_wait3A_353 : memref<1x!tpu.dma_semaphore, #tpu.memory_space<semaphore_mem>> -> memref<!tpu.dma_semaphore, #tpu.memory_space<semaphore_mem>>
        %dma_wait3A_355 = arith.constant 0 : i32
        %dma_wait3A_356 = arith.constant 0 : i32
        %dma_wait3A_357 = arith.constant 0 : i32
        %dma_wait3A_358 = tpu.memref_slice %arg4[%sub3A_342, %dma_wait3A_355, %add3A, %dma_wait3A_356, %dma_wait3A_357] : memref<200x4x32x8x128xf32, #tpu.memory_space<hbm>> -> memref<1x4x1x8x128xf32, #tpu.memory_space<hbm>>
        %dma_wait3A_359 = tpu.memref_squeeze %dma_wait3A_358 : memref<1x4x1x8x128xf32, #tpu.memory_space<hbm>> -> memref<4x8x128xf32, #tpu.memory_space<hbm>>
        %dma_wait3A_360 = arith.constant 0 : i32
        %dma_wait3A_361 = arith.constant 0 : i32
        %dma_wait3A_362 = arith.constant 0 : i32
        %dma_wait3A_363 = tpu.memref_slice %arg13[%dma_wait3A_360, %dma_wait3A_361, %dma_wait3A_362] : memref<4x8x129xf32, #tpu.memory_space<vmem>> -> memref<4x8x128xf32, #tpu.memory_space<vmem>>
        tpu.wait_dma2 semaphore(%dma_wait3A_354 : memref<!tpu.dma_semaphore, #tpu.memory_space<semaphore_mem>>) src(%dma_wait3A_363 : memref<4x8x128xf32, #tpu.memory_space<vmem>>) dst(%dma_wait3A_359 : memref<4x8x128xf32, #tpu.memory_space<hbm>>)
      } else {
      }
      %parallel_loop3A_311 = arith.constant 0 : i32
      %parallel_loop3A_312 = arith.constant 128 : i32
      %parallel_loop3A_313 = arith.constant 4 : i32
      scf.for %parallel_loop3A_342 = %parallel_loop3A_311 to %parallel_loop3A_312 step %parallel_loop3A_313  : i32 {
        %parallel_loop3A_343 = arith.constant 0 : i32
        %parallel_loop3A_344 = arith.addi %parallel_loop3A_342, %parallel_loop3A_343 : i32
        %parallel_loop3A_345 = arith.constant 1 : i32
        %parallel_loop3A_346 = vector.broadcast %parallel_loop3A_345 : i32 to vector<16xi32>
        %parallel_loop3A_347 = vector.broadcast %parallel_loop3A_344 : i32 to vector<16xi32>
        %parallel_loop3A_348 = arith.muli %parallel_loop3A_346, %parallel_loop3A_347 : vector<16xi32>
        %parallel_loop3A_349 = arith.index_cast %parallel_loop3A_344 : i32 to index
        %parallel_loop3A_350 = arith.constant 0 : index
        %parallel_loop3A_351 = tpu.vector_load %arg9[%parallel_loop3A_349, %parallel_loop3A_350] {strides = array<i32>} : memref<128x32xf32, #tpu.memory_space<vmem>>, vector<16xf32>,
        tpu.vector_store_idx %arg13[%shift_right_logical3A_7, %and3A, %parallel_loop3A_348], %parallel_loop3A_351 : memref<4x8x129xf32, #tpu.memory_space<vmem>>[vector<16xi32>, vector<16xi32>, vector<16xi32>], vector<16xf32>,
        %parallel_loop3A_352 = arith.index_cast %parallel_loop3A_344 : i32 to index
        %parallel_loop3A_353 = arith.constant 16 : index
        %parallel_loop3A_354 = tpu.vector_load %arg9[%parallel_loop3A_352, %parallel_loop3A_353] {strides = array<i32>} : memref<128x32xf32, #tpu.memory_space<vmem>>, vector<16xf32>,
        tpu.vector_store_idx %arg13[%shift_right_logical3A_17, %and3A_23, %parallel_loop3A_348], %parallel_loop3A_354 : memref<4x8x129xf32, #tpu.memory_space<vmem>>[vector<16xi32>, vector<16xi32>, vector<16xi32>], vector<16xf32>,
        %parallel_loop3A_355 = arith.constant 1 : i32
        %parallel_loop3A_356 = arith.addi %parallel_loop3A_342, %parallel_loop3A_355 : i32
        %parallel_loop3A_357 = arith.constant 1 : i32
        %parallel_loop3A_358 = vector.broadcast %parallel_loop3A_357 : i32 to vector<16xi32>
        %parallel_loop3A_359 = vector.broadcast %parallel_loop3A_356 : i32 to vector<16xi32>
        %parallel_loop3A_360 = arith.muli %parallel_loop3A_358, %parallel_loop3A_359 : vector<16xi32>
        %parallel_loop3A_361 = arith.index_cast %parallel_loop3A_356 : i32 to index
        %parallel_loop3A_362 = arith.constant 0 : index
        %parallel_loop3A_363 = tpu.vector_load %arg9[%parallel_loop3A_361, %parallel_loop3A_362] {strides = array<i32>} : memref<128x32xf32, #tpu.memory_space<vmem>>, vector<16xf32>,
        tpu.vector_store_idx %arg13[%shift_right_logical3A_7, %and3A, %parallel_loop3A_360], %parallel_loop3A_363 : memref<4x8x129xf32, #tpu.memory_space<vmem>>[vector<16xi32>, vector<16xi32>, vector<16xi32>], vector<16xf32>,
        %parallel_loop3A_364 = arith.index_cast %parallel_loop3A_356 : i32 to index
        %parallel_loop3A_365 = arith.constant 16 : index
        %parallel_loop3A_366 = tpu.vector_load %arg9[%parallel_loop3A_364, %parallel_loop3A_365] {strides = array<i32>} : memref<128x32xf32, #tpu.memory_space<vmem>>, vector<16xf32>,
        tpu.vector_store_idx %arg13[%shift_right_logical3A_17, %and3A_23, %parallel_loop3A_360], %parallel_loop3A_366 : memref<4x8x129xf32, #tpu.memory_space<vmem>>[vector<16xi32>, vector<16xi32>, vector<16xi32>], vector<16xf32>,
        %parallel_loop3A_367 = arith.constant 2 : i32
        %parallel_loop3A_368 = arith.addi %parallel_loop3A_342, %parallel_loop3A_367 : i32
        %parallel_loop3A_369 = arith.constant 1 : i32
        %parallel_loop3A_370 = vector.broadcast %parallel_loop3A_369 : i32 to vector<16xi32>
        %parallel_loop3A_371 = vector.broadcast %parallel_loop3A_368 : i32 to vector<16xi32>
        %parallel_loop3A_372 = arith.muli %parallel_loop3A_370, %parallel_loop3A_371 : vector<16xi32>
        %parallel_loop3A_373 = arith.index_cast %parallel_loop3A_368 : i32 to index
        %parallel_loop3A_374 = arith.constant 0 : index
        %parallel_loop3A_375 = tpu.vector_load %arg9[%parallel_loop3A_373, %parallel_loop3A_374] {strides = array<i32>} : memref<128x32xf32, #tpu.memory_space<vmem>>, vector<16xf32>,
        tpu.vector_store_idx %arg13[%shift_right_logical3A_7, %and3A, %parallel_loop3A_372], %parallel_loop3A_375 : memref<4x8x129xf32, #tpu.memory_space<vmem>>[vector<16xi32>, vector<16xi32>, vector<16xi32>], vector<16xf32>,
        %parallel_loop3A_376 = arith.index_cast %parallel_loop3A_368 : i32 to index
        %parallel_loop3A_377 = arith.constant 16 : index
        %parallel_loop3A_378 = tpu.vector_load %arg9[%parallel_loop3A_376, %parallel_loop3A_377] {strides = array<i32>} : memref<128x32xf32, #tpu.memory_space<vmem>>, vector<16xf32>,
        tpu.vector_store_idx %arg13[%shift_right_logical3A_17, %and3A_23, %parallel_loop3A_372], %parallel_loop3A_378 : memref<4x8x129xf32, #tpu.memory_space<vmem>>[vector<16xi32>, vector<16xi32>, vector<16xi32>], vector<16xf32>,
        %parallel_loop3A_379 = arith.constant 3 : i32
        %parallel_loop3A_380 = arith.addi %parallel_loop3A_342, %parallel_loop3A_379 : i32
        %parallel_loop3A_381 = arith.constant 1 : i32
        %parallel_loop3A_382 = vector.broadcast %parallel_loop3A_381 : i32 to vector<16xi32>
        %parallel_loop3A_383 = vector.broadcast %parallel_loop3A_380 : i32 to vector<16xi32>
        %parallel_loop3A_384 = arith.muli %parallel_loop3A_382, %parallel_loop3A_383 : vector<16xi32>
        %parallel_loop3A_385 = arith.index_cast %parallel_loop3A_380 : i32 to index
        %parallel_loop3A_386 = arith.constant 0 : index
        %parallel_loop3A_387 = tpu.vector_load %arg9[%parallel_loop3A_385, %parallel_loop3A_386] {strides = array<i32>} : memref<128x32xf32, #tpu.memory_space<vmem>>, vector<16xf32>,
        tpu.vector_store_idx %arg13[%shift_right_logical3A_7, %and3A, %parallel_loop3A_384], %parallel_loop3A_387 : memref<4x8x129xf32, #tpu.memory_space<vmem>>[vector<16xi32>, vector<16xi32>, vector<16xi32>], vector<16xf32>,
        %parallel_loop3A_388 = arith.index_cast %parallel_loop3A_380 : i32 to index
        %parallel_loop3A_389 = arith.constant 16 : index
        %parallel_loop3A_390 = tpu.vector_load %arg9[%parallel_loop3A_388, %parallel_loop3A_389] {strides = array<i32>} : memref<128x32xf32, #tpu.memory_space<vmem>>, vector<16xf32>,
        tpu.vector_store_idx %arg13[%shift_right_logical3A_17, %and3A_23, %parallel_loop3A_384], %parallel_loop3A_390 : memref<4x8x129xf32, #tpu.memory_space<vmem>>[vector<16xi32>, vector<16xi32>, vector<16xi32>], vector<16xf32>,
      } {sc.loop_unroll_factor = 2 : i64, sc.parallel_access}
      %dma_start3A_314 = arith.constant 3 : i32
      %dma_start3A_315 = arith.constant 0 : i32
      %dma_start3A_316 = arith.constant 0 : i32
      %dma_start3A_317 = arith.constant 0 : i32
      %dma_start3A_318 = tpu.memref_slice %arg13[%dma_start3A_315, %dma_start3A_316, %dma_start3A_317] : memref<4x8x129xf32, #tpu.memory_space<vmem>> -> memref<4x8x128xf32, #tpu.memory_space<vmem>>
      %dma_start3A_319 = arith.constant 0 : i32
      %dma_start3A_320 = arith.constant 0 : i32
      %dma_start3A_321 = arith.constant 0 : i32
      %dma_start3A_322 = tpu.memref_slice %arg4[%add3A_296, %dma_start3A_319, %add3A, %dma_start3A_320, %dma_start3A_321] : memref<200x4x32x8x128xf32, #tpu.memory_space<hbm>> -> memref<1x4x1x8x128xf32, #tpu.memory_space<hbm>>
      %dma_start3A_323 = tpu.memref_squeeze %dma_start3A_322 : memref<1x4x1x8x128xf32, #tpu.memory_space<hbm>> -> memref<4x8x128xf32, #tpu.memory_space<hbm>>
      %dma_start3A_324 = tpu.memref_slice %arg15[%dma_start3A_314] : memref<4x!tpu.dma_semaphore, #tpu.memory_space<semaphore_mem>> -> memref<1x!tpu.dma_semaphore, #tpu.memory_space<semaphore_mem>>
      %dma_start3A_325 = tpu.memref_squeeze %dma_start3A_324 : memref<1x!tpu.dma_semaphore, #tpu.memory_space<semaphore_mem>> -> memref<!tpu.dma_semaphore, #tpu.memory_space<semaphore_mem>>
      %dma_start3A_326 = arith.constant 0 : i32
      %dma_start3A_327 = arith.constant 0 : i32
      %dma_start3A_328 = arith.constant 0 : i32
      %dma_start3A_329 = tpu.memref_slice %arg4[%add3A_296, %dma_start3A_326, %add3A, %dma_start3A_327, %dma_start3A_328] : memref<200x4x32x8x128xf32, #tpu.memory_space<hbm>> -> memref<1x4x1x8x128xf32, #tpu.memory_space<hbm>>
      %dma_start3A_330 = tpu.memref_squeeze %dma_start3A_329 : memref<1x4x1x8x128xf32, #tpu.memory_space<hbm>> -> memref<4x8x128xf32, #tpu.memory_space<hbm>>
      %dma_start3A_331 = arith.constant 0 : i32
      %dma_start3A_332 = arith.constant 0 : i32
      %dma_start3A_333 = arith.constant 0 : i32
      %dma_start3A_334 = tpu.memref_slice %arg13[%dma_start3A_331, %dma_start3A_332, %dma_start3A_333] : memref<4x8x129xf32, #tpu.memory_space<vmem>> -> memref<4x8x128xf32, #tpu.memory_space<vmem>>
      tpu.enqueue_dma source(%dma_start3A_334 : memref<4x8x128xf32, #tpu.memory_space<vmem>>) target(%dma_start3A_330 : memref<4x8x128xf32, #tpu.memory_space<hbm>>) target_semaphore(%dma_start3A_325 : memref<!tpu.dma_semaphore, #tpu.memory_space<semaphore_mem>>)
      %add3A_335 = arith.constant 4 : i32
      %add3A_336 = arith.addi %add3A_296, %add3A_335 : i32
      %lt3A_337 = arith.constant 200 : i32
      %lt3A_338 = arith.cmpi slt, %add3A_336, %lt3A_337 : i32
      %convert_element_type3A_339 = arith.extui %lt3A_338 : i1 to i32
      %cond3A_340 = arith.constant 0 : i32
      %cond3A_341 = arith.cmpi ne, %convert_element_type3A_339, %cond3A_340 : i32
      scf.if %cond3A_341 {
        %add3A_342 = arith.constant 4 : i32
        %add3A_343 = arith.addi %add3A_296, %add3A_342 : i32
        %dma_start3A_344 = arith.constant 3 : i32
        %dma_start3A_345 = arith.constant 0 : i32
        %dma_start3A_346 = tpu.memref_slice %arg5[%add3A_343, %dma_start3A_345] : memref<200x128xi32, #tpu.memory_space<vmem>> -> memref<1x128xi32, #tpu.memory_space<vmem>>
        %dma_start3A_347 = tpu.memref_squeeze %dma_start3A_346 : memref<1x128xi32, #tpu.memory_space<vmem>> -> memref<128xi32, #tpu.memory_space<vmem>>
        %dma_start3A_348 = arith.constant 0 : i32
        %dma_start3A_349 = arith.constant 0 : i32
        %dma_start3A_350 = tpu.memref_slice %arg2[%dma_start3A_348, %dma_start3A_349] : memref<1000000x32xf32, #tpu.memory_space<hbm>> -> memref<1000000x32xf32, #tpu.memory_space<hbm>>
        %dma_start3A_351 = tpu.memref_slice %arg14[%dma_start3A_344] : memref<4x!tpu.dma_semaphore, #tpu.memory_space<semaphore_mem>> -> memref<1x!tpu.dma_semaphore, #tpu.memory_space<semaphore_mem>>
        %dma_start3A_352 = tpu.memref_squeeze %dma_start3A_351 : memref<1x!tpu.dma_semaphore, #tpu.memory_space<semaphore_mem>> -> memref<!tpu.dma_semaphore, #tpu.memory_space<semaphore_mem>>
        tpu.enqueue_indirect_dma source(%dma_start3A_350 : memref<1000000x32xf32, #tpu.memory_space<hbm>>) target(%arg9 : memref<128x32xf32, #tpu.memory_space<vmem>>) offsets(%dma_start3A_347 : memref<128xi32, #tpu.memory_space<vmem>>) semaphore(%dma_start3A_352 : memref<!tpu.dma_semaphore, #tpu.memory_space<semaphore_mem>>)
      } else {
      }
    }
    %scan3A_66 = arith.constant 50 : i32
    %dma_wait3A = arith.constant 196 : i32
    %dma_wait3A_67 = arith.constant 0 : i32
    %dma_wait3A_68 = arith.constant 0 : i32
    %dma_wait3A_69 = arith.constant 0 : i32
    %dma_wait3A_70 = arith.constant 0 : i32
    %dma_wait3A_71 = tpu.memref_slice %arg10[%dma_wait3A_68, %dma_wait3A_69, %dma_wait3A_70] : memref<4x8x129xf32, #tpu.memory_space<vmem>> -> memref<4x8x128xf32, #tpu.memory_space<vmem>>
    %dma_wait3A_72 = arith.constant 0 : i32
    %dma_wait3A_73 = arith.constant 0 : i32
    %dma_wait3A_74 = arith.constant 0 : i32
    %dma_wait3A_75 = tpu.memref_slice %arg4[%dma_wait3A, %dma_wait3A_72, %add3A, %dma_wait3A_73, %dma_wait3A_74] : memref<200x4x32x8x128xf32, #tpu.memory_space<hbm>> -> memref<1x4x1x8x128xf32, #tpu.memory_space<hbm>>
    %dma_wait3A_76 = tpu.memref_squeeze %dma_wait3A_75 : memref<1x4x1x8x128xf32, #tpu.memory_space<hbm>> -> memref<4x8x128xf32, #tpu.memory_space<hbm>>
    %dma_wait3A_77 = tpu.memref_slice %arg15[%dma_wait3A_67] : memref<4x!tpu.dma_semaphore, #tpu.memory_space<semaphore_mem>> -> memref<1x!tpu.dma_semaphore, #tpu.memory_space<semaphore_mem>>
    %dma_wait3A_78 = tpu.memref_squeeze %dma_wait3A_77 : memref<1x!tpu.dma_semaphore, #tpu.memory_space<semaphore_mem>> -> memref<!tpu.dma_semaphore, #tpu.memory_space<semaphore_mem>>
    %dma_wait3A_79 = arith.constant 0 : i32
    %dma_wait3A_80 = arith.constant 0 : i32
    %dma_wait3A_81 = arith.constant 0 : i32
    %dma_wait3A_82 = tpu.memref_slice %arg4[%dma_wait3A, %dma_wait3A_79, %add3A, %dma_wait3A_80, %dma_wait3A_81] : memref<200x4x32x8x128xf32, #tpu.memory_space<hbm>> -> memref<1x4x1x8x128xf32, #tpu.memory_space<hbm>>
    %dma_wait3A_83 = tpu.memref_squeeze %dma_wait3A_82 : memref<1x4x1x8x128xf32, #tpu.memory_space<hbm>> -> memref<4x8x128xf32, #tpu.memory_space<hbm>>
    %dma_wait3A_84 = arith.constant 0 : i32
    %dma_wait3A_85 = arith.constant 0 : i32
    %dma_wait3A_86 = arith.constant 0 : i32
    %dma_wait3A_87 = tpu.memref_slice %arg10[%dma_wait3A_84, %dma_wait3A_85, %dma_wait3A_86] : memref<4x8x129xf32, #tpu.memory_space<vmem>> -> memref<4x8x128xf32, #tpu.memory_space<vmem>>
    tpu.wait_dma2 semaphore(%dma_wait3A_78 : memref<!tpu.dma_semaphore, #tpu.memory_space<semaphore_mem>>) src(%dma_wait3A_87 : memref<4x8x128xf32, #tpu.memory_space<vmem>>) dst(%dma_wait3A_83 : memref<4x8x128xf32, #tpu.memory_space<hbm>>)
    %dma_wait3A_88 = arith.constant 197 : i32
    %dma_wait3A_89 = arith.constant 1 : i32
    %dma_wait3A_90 = arith.constant 0 : i32
    %dma_wait3A_91 = arith.constant 0 : i32
    %dma_wait3A_92 = arith.constant 0 : i32
    %dma_wait3A_93 = tpu.memref_slice %arg11[%dma_wait3A_90, %dma_wait3A_91, %dma_wait3A_92] : memref<4x8x129xf32, #tpu.memory_space<vmem>> -> memref<4x8x128xf32, #tpu.memory_space<vmem>>
    %dma_wait3A_94 = arith.constant 0 : i32
    %dma_wait3A_95 = arith.constant 0 : i32
    %dma_wait3A_96 = arith.constant 0 : i32
    %dma_wait3A_97 = tpu.memref_slice %arg4[%dma_wait3A_88, %dma_wait3A_94, %add3A, %dma_wait3A_95, %dma_wait3A_96] : memref<200x4x32x8x128xf32, #tpu.memory_space<hbm>> -> memref<1x4x1x8x128xf32, #tpu.memory_space<hbm>>
    %dma_wait3A_98 = tpu.memref_squeeze %dma_wait3A_97 : memref<1x4x1x8x128xf32, #tpu.memory_space<hbm>> -> memref<4x8x128xf32, #tpu.memory_space<hbm>>
    %dma_wait3A_99 = tpu.memref_slice %arg15[%dma_wait3A_89] : memref<4x!tpu.dma_semaphore, #tpu.memory_space<semaphore_mem>> -> memref<1x!tpu.dma_semaphore, #tpu.memory_space<semaphore_mem>>
    %dma_wait3A_100 = tpu.memref_squeeze %dma_wait3A_99 : memref<1x!tpu.dma_semaphore, #tpu.memory_space<semaphore_mem>> -> memref<!tpu.dma_semaphore, #tpu.memory_space<semaphore_mem>>
    %dma_wait3A_101 = arith.constant 0 : i32
    %dma_wait3A_102 = arith.constant 0 : i32
    %dma_wait3A_103 = arith.constant 0 : i32
    %dma_wait3A_104 = tpu.memref_slice %arg4[%dma_wait3A_88, %dma_wait3A_101, %add3A, %dma_wait3A_102, %dma_wait3A_103] : memref<200x4x32x8x128xf32, #tpu.memory_space<hbm>> -> memref<1x4x1x8x128xf32, #tpu.memory_space<hbm>>
    %dma_wait3A_105 = tpu.memref_squeeze %dma_wait3A_104 : memref<1x4x1x8x128xf32, #tpu.memory_space<hbm>> -> memref<4x8x128xf32, #tpu.memory_space<hbm>>
    %dma_wait3A_106 = arith.constant 0 : i32
    %dma_wait3A_107 = arith.constant 0 : i32
    %dma_wait3A_108 = arith.constant 0 : i32
    %dma_wait3A_109 = tpu.memref_slice %arg11[%dma_wait3A_106, %dma_wait3A_107, %dma_wait3A_108] : memref<4x8x129xf32, #tpu.memory_space<vmem>> -> memref<4x8x128xf32, #tpu.memory_space<vmem>>
    tpu.wait_dma2 semaphore(%dma_wait3A_100 : memref<!tpu.dma_semaphore, #tpu.memory_space<semaphore_mem>>) src(%dma_wait3A_109 : memref<4x8x128xf32, #tpu.memory_space<vmem>>) dst(%dma_wait3A_105 : memref<4x8x128xf32, #tpu.memory_space<hbm>>)
    %dma_wait3A_110 = arith.constant 198 : i32
    %dma_wait3A_111 = arith.constant 2 : i32
    %dma_wait3A_112 = arith.constant 0 : i32
    %dma_wait3A_113 = arith.constant 0 : i32
    %dma_wait3A_114 = arith.constant 0 : i32
    %dma_wait3A_115 = tpu.memref_slice %arg12[%dma_wait3A_112, %dma_wait3A_113, %dma_wait3A_114] : memref<4x8x129xf32, #tpu.memory_space<vmem>> -> memref<4x8x128xf32, #tpu.memory_space<vmem>>
    %dma_wait3A_116 = arith.constant 0 : i32
    %dma_wait3A_117 = arith.constant 0 : i32
    %dma_wait3A_118 = arith.constant 0 : i32
    %dma_wait3A_119 = tpu.memref_slice %arg4[%dma_wait3A_110, %dma_wait3A_116, %add3A, %dma_wait3A_117, %dma_wait3A_118] : memref<200x4x32x8x128xf32, #tpu.memory_space<hbm>> -> memref<1x4x1x8x128xf32, #tpu.memory_space<hbm>>
    %dma_wait3A_120 = tpu.memref_squeeze %dma_wait3A_119 : memref<1x4x1x8x128xf32, #tpu.memory_space<hbm>> -> memref<4x8x128xf32, #tpu.memory_space<hbm>>
    %dma_wait3A_121 = tpu.memref_slice %arg15[%dma_wait3A_111] : memref<4x!tpu.dma_semaphore, #tpu.memory_space<semaphore_mem>> -> memref<1x!tpu.dma_semaphore, #tpu.memory_space<semaphore_mem>>
    %dma_wait3A_122 = tpu.memref_squeeze %dma_wait3A_121 : memref<1x!tpu.dma_semaphore, #tpu.memory_space<semaphore_mem>> -> memref<!tpu.dma_semaphore, #tpu.memory_space<semaphore_mem>>
    %dma_wait3A_123 = arith.constant 0 : i32
    %dma_wait3A_124 = arith.constant 0 : i32
    %dma_wait3A_125 = arith.constant 0 : i32
    %dma_wait3A_126 = tpu.memref_slice %arg4[%dma_wait3A_110, %dma_wait3A_123, %add3A, %dma_wait3A_124, %dma_wait3A_125] : memref<200x4x32x8x128xf32, #tpu.memory_space<hbm>> -> memref<1x4x1x8x128xf32, #tpu.memory_space<hbm>>
    %dma_wait3A_127 = tpu.memref_squeeze %dma_wait3A_126 : memref<1x4x1x8x128xf32, #tpu.memory_space<hbm>> -> memref<4x8x128xf32, #tpu.memory_space<hbm>>
    %dma_wait3A_128 = arith.constant 0 : i32
    %dma_wait3A_129 = arith.constant 0 : i32
    %dma_wait3A_130 = arith.constant 0 : i32
    %dma_wait3A_131 = tpu.memref_slice %arg12[%dma_wait3A_128, %dma_wait3A_129, %dma_wait3A_130] : memref<4x8x129xf32, #tpu.memory_space<vmem>> -> memref<4x8x128xf32, #tpu.memory_space<vmem>>
    tpu.wait_dma2 semaphore(%dma_wait3A_122 : memref<!tpu.dma_semaphore, #tpu.memory_space<semaphore_mem>>) src(%dma_wait3A_131 : memref<4x8x128xf32, #tpu.memory_space<vmem>>) dst(%dma_wait3A_127 : memref<4x8x128xf32, #tpu.memory_space<hbm>>)
    %dma_wait3A_132 = arith.constant 199 : i32
    %dma_wait3A_133 = arith.constant 3 : i32
    %dma_wait3A_134 = arith.constant 0 : i32
    %dma_wait3A_135 = arith.constant 0 : i32
    %dma_wait3A_136 = arith.constant 0 : i32
    %dma_wait3A_137 = tpu.memref_slice %arg13[%dma_wait3A_134, %dma_wait3A_135, %dma_wait3A_136] : memref<4x8x129xf32, #tpu.memory_space<vmem>> -> memref<4x8x128xf32, #tpu.memory_space<vmem>>
    %dma_wait3A_138 = arith.constant 0 : i32
    %dma_wait3A_139 = arith.constant 0 : i32
    %dma_wait3A_140 = arith.constant 0 : i32
    %dma_wait3A_141 = tpu.memref_slice %arg4[%dma_wait3A_132, %dma_wait3A_138, %add3A, %dma_wait3A_139, %dma_wait3A_140] : memref<200x4x32x8x128xf32, #tpu.memory_space<hbm>> -> memref<1x4x1x8x128xf32, #tpu.memory_space<hbm>>
    %dma_wait3A_142 = tpu.memref_squeeze %dma_wait3A_141 : memref<1x4x1x8x128xf32, #tpu.memory_space<hbm>> -> memref<4x8x128xf32, #tpu.memory_space<hbm>>
    %dma_wait3A_143 = tpu.memref_slice %arg15[%dma_wait3A_133] : memref<4x!tpu.dma_semaphore, #tpu.memory_space<semaphore_mem>> -> memref<1x!tpu.dma_semaphore, #tpu.memory_space<semaphore_mem>>
    %dma_wait3A_144 = tpu.memref_squeeze %dma_wait3A_143 : memref<1x!tpu.dma_semaphore, #tpu.memory_space<semaphore_mem>> -> memref<!tpu.dma_semaphore, #tpu.memory_space<semaphore_mem>>
    %dma_wait3A_145 = arith.constant 0 : i32
    %dma_wait3A_146 = arith.constant 0 : i32
    %dma_wait3A_147 = arith.constant 0 : i32
    %dma_wait3A_148 = tpu.memref_slice %arg4[%dma_wait3A_132, %dma_wait3A_145, %add3A, %dma_wait3A_146, %dma_wait3A_147] : memref<200x4x32x8x128xf32, #tpu.memory_space<hbm>> -> memref<1x4x1x8x128xf32, #tpu.memory_space<hbm>>
    %dma_wait3A_149 = tpu.memref_squeeze %dma_wait3A_148 : memref<1x4x1x8x128xf32, #tpu.memory_space<hbm>> -> memref<4x8x128xf32, #tpu.memory_space<hbm>>
    %dma_wait3A_150 = arith.constant 0 : i32
    %dma_wait3A_151 = arith.constant 0 : i32
    %dma_wait3A_152 = arith.constant 0 : i32
    %dma_wait3A_153 = tpu.memref_slice %arg13[%dma_wait3A_150, %dma_wait3A_151, %dma_wait3A_152] : memref<4x8x129xf32, #tpu.memory_space<vmem>> -> memref<4x8x128xf32, #tpu.memory_space<vmem>>
    tpu.wait_dma2 semaphore(%dma_wait3A_144 : memref<!tpu.dma_semaphore, #tpu.memory_space<semaphore_mem>>) src(%dma_wait3A_153 : memref<4x8x128xf32, #tpu.memory_space<vmem>>) dst(%dma_wait3A_149 : memref<4x8x128xf32, #tpu.memory_space<hbm>>)
    return
  }
}

</mosaic_0001>

<sc_bundles>
// kernel: kernel.3.cloned.1.call-start
scs
__scs_entry_jumppad:
0x0: {  	(pc) =	sbr.rel $0x88, $3  }
0x1: {  	(tag) =	ssettag $0x0;
	lr =	simm.s32 $0x1  }
0x2: {  	[smem:$0x3F9F] =	sst lr;
	_ =	strace $0xD0000000  }
0x3: {  	_ = 	snop  }
0x4: {  	_ = 	snop  }
0x5: {  	_ = 	snop  }
0x6: {  	_ = 	snop  }
0x7: {  	_ = 	snop  }
__scs_overlays_trampoline_lowered:
0x8: {  	[smem:$0x3FAE] =	sst s0  }
0x9: {  	[smem:$0x3FAF] =	sst s1  }
0xa: {  	[smem:$0x3FB0] =	sst s2  }
0xb: {  	[smem:$0x3FB1] =	sst s3  }
0xc: {  	[smem:$0x3FB2] =	sst s4  }
0xd: {  	[smem:$0x3FB3] =	sst s5  }
0xe: {  	[smem:$0x3FB4] =	sst s6  }
0xf: {  	[smem:$0x3FB5] =	sst s7  }
0x10: {  	[smem:$0x3FB6] =	sst s8  }
0x11: {  	[smem:$0x3FB7] =	sst s9;
	s0 =	simm.s32 @!p0 $0x0  }
0x12: {  	s1 =	sld [smem:$0x3F9D];
	s0 =	simm.s32 @p0 $0x1  }
0x13: {  	[smem:$0x3FB8] =	sst s0;
	s0 =	simm.s32 @!p1 $0x0  }
0x14: {  	s2 =	sld [smem:$0x3F9C];
	s0 =	simm.s32 @p1 $0x1  }
0x15: {  	[smem:$0x3FB9] =	sst s0;
	s0 =	simm.s32 @!p2 $0x0  }
0x16: {  	s3 =	sld [smem:$0x3FDB];
	s0 =	simm.s32 @p2 $0x1  }
0x17: {  	s4 =	simm.s32 $0x1BF5;
	[smem:$0x3FBB] =	sst s0  }
0x18: {  	s0 =	sld [smem:$0x3F9E];
	_ =	swait.ge [sflag:s4], $0x0  }
0x19: {  	s7 =	sld [smem:$0x3F9F]  }
0x1a: {  	s8 =	sadd.s32 $0xFFFFE003, lr  }
0x1b: {  	s9 =	sadd.s32 $0xFFFFFEF7, lr;
	s5 =	simm.s32 $0xFFFFFFFF;
	p2 =	slt.u32 s8, $0xFFFFF086  }
0x1c: {  	p1 =	slt.u32 s9, $0xF7A;
	s5 =	simm.s32 @!p2 $0x0  }
0x1d: {  	s5 =	simm.s32 @p1 $0x1;
	p0 =	seq.s32 s7, s2  }
0x1e: {  	s7 =	smul.u32 @!p0 $0xF7A, s2;
	p2 =	seq.s32 @!p0 s5, $0x0  }
0x1f: {  	s9 =	smul.u32 $0xF7A, s1;
	s8 =	simm.s32 @!p0 $0x1BF5;
	p2 =	por !p2, p0  }
0x20: {  	[sflag:s8] =	ssyncset.s32 @!p0 $0xFFFFF086;
	s6 =	sadd.s32 @!p0 s3, s7;
	s7 =	simm.s32 @!p0 $0x108  }
0x21: {  	s3 =	sadd.s32 s3, s9;
	s6 =	sadd.s32 @!p0 $0x88, s6;
	s7 =	simm.s32 @p2 $0x1082  }
0x22: {  	[simem:s7], [sflag:s8] =	dma.local @!p0 [hbm:s6], $0xF7A  }
0x23: {  	s9 =	sor.u32 $0xD0000000, s2;
	s6 =	simm.s32 $0x108;
	_ =	swait.ge @!p0 [sflag:s8], $0x0  }
0x24: {  	s3 =	sadd.s32 $0x88, s3;
	s6 =	simm.s32 @!p1 $0x1082;
	[sflag:s4] =	ssyncset.s32 $0xFFFFF086  }
0x25: {  	[simem:s6], [sflag:s4] =	dma.local [hbm:s3], $0xF7A  }
0x26: {  	[smem:$0x3F9F] =	sst s1;
	(tag) =	ssettag s2;
	_ =	strace s9  }
0x27: {  	s1 =	sld [smem:$0x3FAF]  }
0x28: {  	s2 =	sld [smem:$0x3FB0]  }
0x29: {  	s4 =	sld [smem:$0x3FB2]  }
0x2a: {  	p0 =	seq.s32 s5, $0x0;
	s5 =	sld [smem:$0x3FB3]  }
0x2b: {  	s6 =	sld [smem:$0x3FB4]  }
0x2c: {  	s7 =	sld [smem:$0x3FB5]  }
0x2d: {  	s3 =	simm.s32 $0x108;
	s8 =	sld [smem:$0x3FB6]  }
0x2e: {  	s3 =	simm.s32 @!p0 $0x1082;
	s9 =	sld [smem:$0x3FB7]  }
0x2f: {  	lr =	sadd.s32 s0, s3;
	s0 =	sld [smem:$0x3FAE]  }
0x30: {  	s3 =	sld [smem:$0x3FB1]  }
0x31: {  	[smem:$0x3FBA] =	sst s10  }
0x32: {  	s10 =	sld [smem:$0x3FB8];
	_ =	sdelay $0x3  }
0x33: {  	p0 =	seq.s32 s10, $0x1;
	s10 =	sld [smem:$0x3FBA];
	_ =	sdelay $0x3  }
0x34: {  	[smem:$0x3FBA] =	sst s10  }
0x35: {  	s10 =	sld [smem:$0x3FB9];
	_ =	sdelay $0x3  }
0x36: {  	p1 =	seq.s32 s10, $0x1;
	s10 =	sld [smem:$0x3FBA];
	_ =	sdelay $0x3  }
0x37: {  	[smem:$0x3FBA] =	sst s10  }
0x38: {  	s10 =	sld [smem:$0x3FBB]  }
0x39: {  	_ = 	snop;
	(pc) =	sbr.ind lr, $3  }
0x3a: {  	_ = 	snop  }
0x3b: {  	_ = 	snop  }
0x3c: {  	p2 =	seq.s32 s10, $0x1;
	s10 =	sld [smem:$0x3FBA]  }
0x3d: {  	_ =	shalt  }
0x3e: {  	_ =	shalt  }
0x3f: {  	_ =	shalt  }
0x40: {  	_ =	shalt  }
0x41: {  	_ =	shalt  }
0x42: {  	_ =	shalt  }
0x43: {  	_ =	shalt  }
0x44: {  	_ =	shalt  }
0x45: {  	_ =	shalt  }
0x46: {  	_ =	shalt  }
0x47: {  	_ =	shalt  }
0x48: {  	_ =	shalt  }
0x49: {  	_ =	shalt  }
0x4a: {  	_ =	shalt  }
0x4b: {  	_ =	shalt  }
0x4c: {  	_ =	shalt  }
0x4d: {  	_ =	shalt  }
0x4e: {  	_ =	shalt  }
0x4f: {  	_ =	shalt  }
0x50: {  	_ =	shalt  }
0x51: {  	_ =	shalt  }
0x52: {  	_ =	shalt  }
0x53: {  	_ =	shalt  }
0x54: {  	_ =	shalt  }
0x55: {  	_ =	shalt  }
0x56: {  	_ =	shalt  }
0x57: {  	_ =	shalt  }
0x58: {  	_ =	shalt  }
0x59: {  	_ =	shalt  }
0x5a: {  	_ =	shalt  }
0x5b: {  	_ =	shalt  }
0x5c: {  	_ =	shalt  }
0x5d: {  	_ =	shalt  }
0x5e: {  	_ =	shalt  }
0x5f: {  	_ =	shalt  }
0x60: {  	_ =	shalt  }
0x61: {  	_ =	shalt  }
0x62: {  	_ =	shalt  }
0x63: {  	_ =	shalt  }
0x64: {  	_ =	shalt  }
0x65: {  	_ =	shalt  }
0x66: {  	_ =	shalt  }
0x67: {  	_ =	shalt  }
0x68: {  	_ =	shalt  }
0x69: {  	_ =	shalt  }
0x6a: {  	_ =	shalt  }
0x6b: {  	_ =	shalt  }
0x6c: {  	_ =	shalt  }
0x6d: {  	_ =	shalt  }
0x6e: {  	_ =	shalt  }
0x6f: {  	_ =	shalt  }
0x70: {  	_ =	shalt  }
0x71: {  	_ =	shalt  }
0x72: {  	_ =	shalt  }
0x73: {  	_ =	shalt  }
0x74: {  	_ =	shalt  }
0x75: {  	_ =	shalt  }
0x76: {  	_ =	shalt  }
0x77: {  	_ =	shalt  }
0x78: {  	_ =	shalt  }
0x79: {  	_ =	shalt  }
0x7a: {  	_ =	shalt  }
0x7b: {  	_ =	shalt  }
0x7c: {  	_ =	shalt  }
0x7d: {  	_ =	shalt  }
0x7e: {  	_ =	shalt  }
0x7f: {  	_ =	shalt  }
0x80: {  	_ =	shalt  }
0x81: {  	_ =	shalt  }
0x82: {  	_ =	shalt  }
0x83: {  	_ =	shalt  }
0x84: {  	_ =	shalt  }
0x85: {  	_ =	shalt  }
0x86: {  	_ =	shalt  }
0x87: {  	_ =	shalt  }
.Lfunc_end0:
.L_simem_size_0:
called_computation_lowered:
.L_overlay_start_0:
0x88: {  	s2 =	sld [smem:$0x3FD9]  }
0x89: {  	s3 =	sld [smem:$0x3FFE];
	_ =	sdelay $0x1  }
0x8a: {  	s1 =	srdreg.scid  }
0x8b: {  	s0 =	sand.u32 $0x1, s1  }
0x8c: {  	s17 =	sshll.u32 s0, $0xA;
	s2 =	sadd.s32 s3, s2  }
0x8d: {  	s2 =	sadd.s32 s2, s17  }
0x8e: {  	[smem:$0x3FC6] =	sst s2  }
0x8f: {  	_ = 	snop  }
0x90: {  	s2 =	sld [smem:$0x3FD0];
	(tm) =	ssettm $0x1  }
0x91: {  	s18 =	sld [smem:$0x3FFB];
	_ =	sdelay $0x3  }
0x92: {  	_ =	strace s18  }
0x93: {  	s3 =	sld [smem:$0x3FFC];
	_ =	sdelay $0x3  }
0x94: {  	_ =	strace s3  }
0x95: {  	s3 =	sld [smem:$0x3FFD];
	_ =	sdelay $0x3  }
0x96: {  	_ =	strace s3  }
0x97: {  	_ =	strace $0x8FFFFFFF  }
0x98: {  	s19 =	sld [smem:$0x3FDB];
	_ =	sdelay $0x1  }
0x99: {  	s4 =	simm.s32 $_scs_section_size  }
0x9a: {  	s5 =	simm.s32 $_size__tile_overlayer_lowered;
	s6 =	simm.s32 $_tile_overlayer_lowered  }
0x9b: {  	s22 =	simm.s32 $0x1BFF;
	s21 =	sshll.u32 s6, $0x1;
	s3 =	sadd.s32 s4, s19  }
0x9c: {  	s7 =	simm.s32 $0x0;
	s20 =	sshll.u32 s5, $0x1;
	s5 =	sadd.s32 s21, s3  }
0x9d: {  	[timem:s7], [sflag:s22] =	dma.local [hbm:s5], s20  }
0x9e: {  	_ =	swait.ge [sflag:s22], s20  }
0x9f: {  	s4 =	ssub.s32 $0x0, s20;
	[sflag:s22] =	ssyncset.done $0x0  }
0xa0: {  	[sflag:s22] =	ssyncadd.s32 s4;
	_ =	sdelay $0x1  }
0xa1: {  	s23 =	simm.s32 $0x1B8B  }
0xa2: {  	_ =	swait.ge [sflag:s23], $0x1  }
0xa3: {  	[sflag:s23] =	ssyncset.done $0x0  }
0xa4: {  	s25 =	simm.s32 $0x1B8E;
	s24 =	sld [smem:$0x3FFE];
	[sflag:s23] =	ssyncadd.s32 $0xFFFFFFFF  }
0xa5: {  	s26 =	simm.s32 $execute0_lowered;
	[smem:$0x3FD2] =	sst s25  }
0xa6: {  	s5 =	sshll.u32 s26, $0x1;
	_ =	strace $0x80000046;
	[dreg:$0x1] =	wrdreg $0xFFFFFFFF  }
0xa7: {  	s28 =	simm.s32 $_size_execute0_lowered;
	s3 =	sadd.s32 s3, s5;
	[dreg:$0x0] =	wrdreg $0x0  }
0xa8: {  	s5 =	sshll.u32 s28, $0x1;
	[dreg:$0x2] =	wrdreg s3  }
0xa9: {  	[dreg:$0x3] =	wrdreg s5  }
0xaa: {  	[dreg:$0x4] =	wrdreg $0xC0  }
0xab: {  	_ =	task [dreg:s7], $0x5FFFF  }
0xac: {  	[dreg:$0x1] =	wrdreg $0xFFFFFFFF  }
0xad: {  	[dreg:$0x0] =	wrdreg $0x60  }
0xae: {  	[dreg:$0x2] =	wrdreg s24  }
0xaf: {  	[dreg:$0x3] =	wrdreg s2  }
0xb0: {  	[dreg:$0x4] =	wrdreg $0x9  }
0xb1: {  	_ =	task.clear_ibuf [dreg:s7], $0x5FFFF;
	_ =	strace $0x90000046  }
0xb2: {  	s29 =	simm.s32 $0x9;
	_ =	strace $0x80000048  }
0xb3: {  	_ =	swait.ge [sflag:s29], $0x1  }
0xb4: {  	[sflag:s29] =	ssyncadd.s32 $0xFFFFFFFF  }
0xb5: {  	_ =	strace $0x90000048  }
0xb6: {  	_ =	sfence  }
0xb7: {  	s30 =	sld [smem:$0x0];
	_ =	sdelay $0x2  }
0xb8: {  	s31 =	sshll.u32 s1, $0xD;
	s1 =	sshrl.u32 s1, $0x2  }
0xb9: {  	s3 =	sand.u32 $0x4000, s31;
	s1 =	sadd.s32 s1, s30  }
0xba: {  	s0 =	sor.u32 s3, s0;
	s1 =	sshll.u32 s1, $0x11  }
0xbb: {  	s0 =	sor.u32 s1, s0  }
0xbc: {  	s0 =	sadd.s32 $0x8F2B, s0  }
0xbd: {  	[sflag:s0] =	ssyncadd.remote.s32 $0x1  }
0xbe: {  	_ =	sfence.sel $0xFFFF  }
0xbf: {  	[dreg:$0x0] =	wrdreg $0xFFFFFFFF;
	(pc) =	sbr.abs _section_cstart, $3  }
0xc0: {  	[dreg:$0x1] =	wrdreg $0xFFFFFFFF  }
0xc1: {  	_ =	task.clear_ibuf [dreg:s7], $0x2FFFF;
	_ =	strace $0x9FFFFFFF  }
0xc2: {  	(tm) =	ssettm $0x7FFFFFFF  }
0xc3: {  	_ =	shalt  }
tec
execute0_lowered:
.L_overlay_start_1:
0x0: {  	(tag) =	ssettag $0x1  }
0x1: {  	s0 =	rddreg [dreg:$0x0]  }
0x2: {  	s9 =	rddreg [dreg:$0x1];
	s1 =	srdreg.scid  }
0x3: {  	s2 =	stileid.u32;
	s3 =	simm.s32 $0x0;
	s11 =	simm.s32 $0x80  }
0x4: {  	s20 =	simm.s32 $0x1;
	s21 =	simm.s32 $0xA400;
	s12 =	simm.s32 $0xB500  }
0x5: {  	s24 =	simm.s32 $0x3;
	s25 =	simm.s32 $0x7;
	s26 =	simm.s32 $0xC600  }
0x6: {  	s23 =	simm.s32 $0x4;
	s28 =	simm.s32 $0x8;
	s29 =	simm.s32 $0xD700  }
0x7: {  	v0 =	vlaneseq.u32;
	s10 =	simm.s32 $0x0;
	s1 =	sand.u32 $0x1, s1;
	s2 =	sshll.u32 s2, $0x1  }
0x8: {  	v1 =	vimm.s32 $0x0;
	vm0 =	vcmask $0x300;
	[smem:$0x7FF] =	sst s3;
	s4 =	sadd.s32 $0xF42A00, s0;
	s7 =	sadd.s32 $0x4000, s9;
	v0 =	vmul.u32 $0x88, v0  }
0x9: {  	s8 =	sadd.s32 $0x8000, s9;
	s9 =	sadd.s32 $0xC000, s9;
	v1 =	vsel vm0, $0x3, v1;
	s2 =	sor.u32 s1, s2  }
.Ltmp0:
0xa: {  	s1 =	ssub.s32 $0x2, s1;
	s5 =	sshll.u32 s2, $0x4;
	v2 =	vadd.s32 $0x880, v0;
	v3 =	vor.u32 $0x1, v0;
	v4 =	vadd.s32 $0x881, v0;
	(pc) =	sbr.rel .LBB2_1-.Ltmp0, $4  }
0xb: {  	_ =	strace $0x80000047;
	s30 =	sshrl.u32 s1, $0x1;
	v5 =	vor.u32 $0x2, v0;
	v6 =	vadd.s32 $0x882, v0;
	v7 =	vor.u32 $0x3, v0;
	s0 =	sadd.s32 s5, s0  }
0xc: {  	s6 =	sshll.u32 s2, $0x7;
	v8 =	vadd.s32 $0x883, v0;
	v9 =	vor.u32 $0x4, v0;
	v10 =	vadd.s32 $0x884, v0;
	s1 =	ssub.s32 s1, s30;
	s0 =	sadd.s32 $0x600, s0  }
0xd: {  	v11 =	vor.u32 $0x5, v0;
	v12 =	vadd.s32 $0x885, v0;
	v13 =	vor.u32 $0x6, v0;
	s5 =	simm.s32 $0xE778;
	s31 =	smax.u32 s1, $0x1;
	[dreg:$0x3] =	wrdreg s0  }
0xe: {  	v14 =	vadd.s32 $0x886, v0;
	v15 =	vor.u32 $0x7, v0;
	v16 =	vadd.s32 $0x887, v0;
	s1 =	simm.s32 $0x6;
	[dreg:$0x4] =	wrdreg s31;
	s0 =	simm.s32 $0x2  }
.LBB2_24:
0xf: {  	s2 =	simm.s32 $0x5  }
0x10: {  	_ =	swait.ge [sflag:s2], $0x1000  }
0x11: {  	[sflag:s2] =	ssyncset.done $0x0  }
0x12: {  	[sflag:s2] =	ssyncadd.s32 $0xFFFFF000  }
0x13: {  	_ =	swait.ge [sflag:s1], $0x1000  }
0x14: {  	[sflag:s1] =	ssyncset.done $0x0  }
0x15: {  	[sflag:s1] =	ssyncadd.s32 $0xFFFFF000  }
0x16: {  	_ =	swait.ge [sflag:s25], $0x1000  }
0x17: {  	[sflag:s25] =	ssyncset.done $0x0  }
0x18: {  	[sflag:s25] =	ssyncadd.s32 $0xFFFFF000  }
0x19: {  	_ =	swait.ge [sflag:s28], $0x1000  }
0x1a: {  	s10 =	rddreg [dreg:$0x5]  }
0x1b: {  	s31 =	rddreg [dreg:$0x4];
	s10 =	sadd.s32 $0x1, s10  }
0x1c: {  	p0 =	sne.s32 s10, s31  }
.Ltmp1:
0x1d: {  	_ = 	snop;
	(pc) =	sbr.rel @!p0 .LBB2_25-.Ltmp1, $3  }
0x1e: {  	_ =	sdelay $0x1  }
0x1f: {  	[sflag:s28] =	ssyncset.done $0x0  }
0x20: {  	[sflag:s28] =	ssyncadd.s32 $0xFFFFF000  }
.LBB2_1:
0x21: {  	[dreg:$0x5] =	wrdreg s10  }
0x22: {  	s2 =	rddreg [dreg:$0x3];
	s15 =	simm.s32 $0x1000;
	s16 =	simm.s32 $0x9  }
0x23: {  	[tilespmem:s3], [sflag:$0x9] =	stream.strided.gather [hbm4b:s2+s11], $0x6400, s15, s11, $0x38;
	[tilespmem:$0xE800] =	vst v63  }
0x24: {  	_ =	swait.ge [sflag:s16], $0x6400  }
0x25: {  	[sflag:s16] =	ssyncset.done $0x0  }
0x26: {  	s17 =	simm.s32 $0x6400;
	[sflag:s16] =	ssyncadd.s32 $0xFFFF9C00  }
0x27: {  	[tilespmem:s17], [sflag:$0x1] =	stream.indirect.gather [hbm4b:s4+s11], $0x20, s3, s11, $0xb8;
	[tilespmem:$0xE800] =	vst v63  }
0x28: {  	s18 =	simm.s32 $0x7400  }
0x29: {  	[tilespmem:s18], [sflag:$0x2] =	stream.indirect.gather [hbm4b:s4+s11], $0x20, s11, s11, $0xb8;
	[tilespmem:$0xE800] =	vst v63  }
0x2a: {  	s19 =	simm.s32 $0x100;
	s22 =	simm.s32 $0x8400  }
0x2b: {  	[tilespmem:s22], [sflag:$0x3] =	stream.indirect.gather [hbm4b:s4+s11], $0x20, s19, s11, $0xb8;
	[tilespmem:$0xE800] =	vst v63  }
0x2c: {  	s30 =	simm.s32 $0x180;
	s31 =	simm.s32 $0x9400;
	s10 =	simm.s32 $0x0  }
0x2d: {  	[tilespmem:s31], [sflag:$0x4] =	stream.indirect.gather [hbm4b:s4+s11], $0x20, s30, s11, $0xb8;
	[tilespmem:$0xE800] =	vst v63  }
.LBB2_2:
0x2e: {  	_ =	swait.ge [sflag:s20], $0x1000;
	s2 =	simm.s32 $0x4  }
0x2f: {  	p0 =	seq.s32 s10, $0x0;
	s13 =	simm.s32 $0x0;
	[sflag:s20] =	ssyncset.done $0x0;
	v17 =	vmov s2  }
0x30: {  	s2 =	simm.s32 @!p0 $0x5;
	v18 =	vmov s13;
	[sflag:s20] =	ssyncadd.s32 $0xFFFFF000;
	v17 =	vshrl.u32 v17, $0x3  }
0x31: {  	v18 =	vshrl.u32 v18, $0x3;
	_ =	swait.ge @!p0 [sflag:s2], $0x1000;
	v17 =	vshll.u32 v17, v1  }
0x32: {  	v18 =	vshll.u32 v18, v1;
	[sflag:s2] =	ssyncset.done @!p0 $0x0;
	v17 =	vbroadcast v17, $0x0  }
0x33: {  	s15 =	simm.s32 $0x6480;
	v18 =	vbroadcast v18, $0x0;
	[sflag:s2] =	ssyncadd.s32 @!p0 $0xFFFFF000  }
0x34: {  	v19 =	vld [tilespmem:s15+$0x0];
	v20 =	vadd.s32 v9, v17  }
0x35: {  	v21 =	vld [tilespmem:s15+$0xFFFFFF80];
	v22 =	vadd.s32 v0, v18;
	_ =	sdelay $0x3  }
0x36: {  	[tilespmem:v20+s21+$0x0] =	vst.idx.msk $0xffff, v19  }
0x37: {  	s14 =	simm.s32 $0x5;
	v17 =	vadd.s32 v10, v17;
	[tilespmem:v22+s21+$0x0] =	vst.idx.msk $0xffff, v21;
	v19 =	vld [tilespmem:s15+$0x10]  }
0x38: {  	s16 =	simm.s32 $0x1;
	v18 =	vadd.s32 v2, v18;
	v21 =	vmov s14;
	v20 =	vld [tilespmem:s15+$0xFFFFFF90]  }
0x39: {  	v22 =	vmov s16;
	v21 =	vshrl.u32 v21, $0x3  }
0x3a: {  	v22 =	vshrl.u32 v22, $0x3;
	v21 =	vshll.u32 v21, v1  }
0x3b: {  	s17 =	simm.s32 $0xC;
	v22 =	vshll.u32 v22, v1;
	v21 =	vbroadcast v21, $0x0  }
0x3c: {  	v23 =	vmov s17;
	s2 =	simm.s32 $0x8;
	v22 =	vbroadcast v22, $0x0;
	[tilespmem:v17+s21+$0x0] =	vst.idx.msk $0xffff, v19  }
0x3d: {  	v17 =	vmov s2;
	v19 =	vshrl.u32 v23, $0x3;
	[tilespmem:v18+s21+$0x0] =	vst.idx.msk $0xffff, v20;
	v20 =	vadd.s32 v11, v21;
	v18 =	vld [tilespmem:s15+$0x20]  }
0x3e: {  	v24 =	vadd.s32 v3, v22;
	v17 =	vshrl.u32 v17, $0x3;
	v19 =	vshll.u32 v19, v1;
	v23 =	vld [tilespmem:s15+$0xFFFFFFA0]  }
0x3f: {  	v17 =	vshll.u32 v17, v1;
	v19 =	vbroadcast v19, $0x0  }
0x40: {  	s14 =	simm.s32 $0x6580;
	v17 =	vbroadcast v17, $0x0  }
0x41: {  	v25 =	vld [tilespmem:s14+$0x0];
	v26 =	vadd.s32 v9, v19  }
0x42: {  	v27 =	vld [tilespmem:s14+$0xFFFFFF80];
	v28 =	vadd.s32 v0, v17;
	[tilespmem:v20+s21+$0x0] =	vst.idx.msk $0xffff, v18  }
0x43: {  	s18 =	simm.s32 $0x6;
	[tilespmem:v24+s21+$0x0] =	vst.idx.msk $0xffff, v23;
	v20 =	vadd.s32 v12, v21;
	v18 =	vld [tilespmem:s15+$0x30]  }
0x44: {  	s16 =	simm.s32 $0x2;
	v22 =	vadd.s32 v4, v22;
	v23 =	vmov s18;
	v21 =	vld [tilespmem:s15+$0xFFFFFFB0]  }
0x45: {  	v24 =	vmov s16;
	v23 =	vshrl.u32 v23, $0x3  }
0x46: {  	v24 =	vshrl.u32 v24, $0x3;
	v23 =	vshll.u32 v23, v1;
	[tilespmem:v26+s21+$0x0] =	vst.idx.msk $0xffff, v25  }
0x47: {  	s19 =	simm.s32 $0xD;
	v19 =	vadd.s32 v10, v19;
	v24 =	vshll.u32 v24, v1;
	v23 =	vbroadcast v23, $0x0;
	[tilespmem:v28+s21+$0x0] =	vst.idx.msk $0xffff, v27;
	v25 =	vld [tilespmem:s14+$0x10]  }
0x48: {  	s22 =	simm.s32 $0x9;
	v17 =	vadd.s32 v2, v17;
	v24 =	vbroadcast v24, $0x0;
	v27 =	vmov s19;
	v26 =	vld [tilespmem:s14+$0xFFFFFF90];
	[tilespmem:v20+s21+$0x0] =	vst.idx.msk $0xffff, v18  }
0x49: {  	v18 =	vmov s22;
	v20 =	vshrl.u32 v27, $0x3;
	[tilespmem:v22+s21+$0x0] =	vst.idx.msk $0xffff, v21;
	v22 =	vadd.s32 v13, v23;
	v21 =	vld [tilespmem:s15+$0x40]  }
0x4a: {  	v28 =	vadd.s32 v5, v24;
	v18 =	vshrl.u32 v18, $0x3;
	v20 =	vshll.u32 v20, v1;
	v27 =	vld [tilespmem:s15+$0xFFFFFFC0]  }
0x4b: {  	s17 =	simm.s32 $0x14;
	v18 =	vshll.u32 v18, v1;
	v20 =	vbroadcast v20, $0x0  }
0x4c: {  	v29 =	vmov s17;
	s19 =	simm.s32 $0x10;
	v18 =	vbroadcast v18, $0x0;
	[tilespmem:v19+s21+$0x0] =	vst.idx.msk $0xffff, v25  }
0x4d: {  	v19 =	vmov s19;
	v25 =	vshrl.u32 v29, $0x3;
	[tilespmem:v17+s21+$0x0] =	vst.idx.msk $0xffff, v26;
	v17 =	vld [tilespmem:s14+$0x20];
	v26 =	vadd.s32 v11, v20  }
0x4e: {  	v19 =	vshrl.u32 v19, $0x3;
	v25 =	vshll.u32 v25, v1;
	v29 =	vld [tilespmem:s14+$0xFFFFFFA0];
	v30 =	vadd.s32 v3, v18;
	[tilespmem:v22+s21+$0x0] =	vst.idx.msk $0xffff, v21  }
0x4f: {  	s18 =	simm.s32 $0x7;
	v23 =	vadd.s32 v14, v23;
	v19 =	vshll.u32 v19, v1;
	v21 =	vbroadcast v25, $0x0;
	[tilespmem:v28+s21+$0x0] =	vst.idx.msk $0xffff, v27;
	v22 =	vld [tilespmem:s15+$0x50]  }
0x50: {  	s17 =	simm.s32 $0x6680;
	v24 =	vadd.s32 v6, v24;
	s22 =	simm.s32 $0x3;
	v25 =	vbroadcast v19, $0x0;
	v19 =	vmov s18;
	v27 =	vld [tilespmem:s15+$0xFFFFFFD0]  }
0x51: {  	v32 =	vmov s22;
	v28 =	vld [tilespmem:s17+$0x0];
	v19 =	vshrl.u32 v19, $0x3;
	v31 =	vadd.s32 v9, v21  }
0x52: {  	v33 =	vld [tilespmem:s17+$0xFFFFFF80];
	v34 =	vadd.s32 v0, v25;
	v19 =	vshll.u32 v19, v1;
	[tilespmem:v26+s21+$0x0] =	vst.idx.msk $0xffff, v17;
	v17 =	vshrl.u32 v32, $0x3  }
0x53: {  	v20 =	vadd.s32 v12, v20;
	s18 =	simm.s32 $0xE;
	v63 =	vbroadcast v19, $0x0;
	[tilespmem:v30+s21+$0x0] =	vst.idx.msk $0xffff, v29;
	v26 =	vld [tilespmem:s14+$0x30];
	v17 =	vshll.u32 v17, v1  }
0x54: {  	s22 =	simm.s32 $0xA;
	v36 =	vadd.s32 v4, v18;
	v18 =	vmov s18;
	v35 =	vld [tilespmem:s14+$0xFFFFFFB0];
	v19 =	vbroadcast v17, $0x0;
	[tilespmem:v23+s21+$0x0] =	vst.idx.msk $0xffff, v22  }
0x55: {  	v18 =	vshrl.u32 v18, $0x3;
	v17 =	vmov s22;
	v38 =	vadd.s32 v15, v63;
	[tilespmem:v24+s21+$0x0] =	vst.idx.msk $0xffff, v27;
	v37 =	vld [tilespmem:s15+$0x60]  }
0x56: {  	v18 =	vshll.u32 v18, v1;
	v17 =	vshrl.u32 v17, $0x3;
	[tilespmem:v31+s21+$0x0] =	vst.idx.msk $0xffff, v28;
	v39 =	vld [tilespmem:s15+$0xFFFFFFE0];
	v40 =	vadd.s32 v7, v19  }
0x57: {  	s18 =	simm.s32 $0x15;
	v29 =	vadd.s32 v10, v21;
	v18 =	vbroadcast v18, $0x0;
	[tilespmem:v34+s21+$0x0] =	vst.idx.msk $0xffff, v33;
	v17 =	vshll.u32 v17, v1;
	v27 =	vld [tilespmem:s17+$0x10]  }
0x58: {  	v30 =	vadd.s32 v2, v25;
	v21 =	vmov s18;
	s22 =	simm.s32 $0x11;
	v28 =	vld [tilespmem:s17+$0xFFFFFF90];
	v17 =	vbroadcast v17, $0x0;
	[tilespmem:v20+s21+$0x0] =	vst.idx.msk $0xffff, v26  }
0x59: {  	v21 =	vshrl.u32 v21, $0x3;
	v24 =	vadd.s32 v13, v18;
	v20 =	vmov s22;
	[tilespmem:v36+s21+$0x0] =	vst.idx.msk $0xffff, v35;
	v22 =	vld [tilespmem:s14+$0x40]  }
0x5a: {  	s31 =	simm.s32 $0x1C;
	v21 =	vshll.u32 v21, v1;
	v20 =	vshrl.u32 v20, $0x3;
	v25 =	vadd.s32 v5, v17;
	v23 =	vld [tilespmem:s14+$0xFFFFFFC0];
	[tilespmem:v38+s21+$0x0] =	vst.idx.msk $0xffff, v37  }
0x5b: {  	s30 =	simm.s32 $0x20;
	s13 =	sshll.u32 s10, $0xB;
	s22 =	simm.s32 $0x18;
	v26 =	vbroadcast v21, $0x0;
	v21 =	vadd.s32 v16, v63;
	v31 =	vshll.u32 v20, v1;
	[tilespmem:v40+s21+$0x0] =	vst.idx.msk $0xffff, v39;
	v20 =	vld [tilespmem:s15+$0x70]  }
.LBB2_3:
0x5c: {  	p1 =	slt.u32 s30, $0x78;
	v32 =	vmov s31;
	v31 =	vbroadcast v31, $0x0;
	[tilespmem:v29+s21+$0x0] =	vst.idx.msk $0xffff, v27;
	v27 =	vld [tilespmem:s15+$0xFFFFFFF0];
	v19 =	vadd.s32 v8, v19;
	s15 =	smov.u32 s14;
	s14 =	smov.u32 s17  }
0x5d: {  	v29 =	vmov s22;
	v32 =	vshrl.u32 v32, $0x3;
	[tilespmem:v30+s21+$0x0] =	vst.idx.msk $0xffff, v28;
	v28 =	vld [tilespmem:s17+$0x20];
	v30 =	vadd.s32 v11, v26  }
0x5e: {  	v29 =	vshrl.u32 v29, $0x3;
	v32 =	vshll.u32 v32, v1;
	v33 =	vld [tilespmem:s17+$0xFFFFFFA0];
	v34 =	vadd.s32 v3, v31;
	[tilespmem:v24+s21+$0x0] =	vst.idx.msk $0xffff, v22  }
0x5f: {  	v18 =	vadd.s32 v14, v18;
	s16 =	sadd.s32 $0x7, s2;
	v22 =	vshll.u32 v29, v1;
	v24 =	vbroadcast v32, $0x0;
	[tilespmem:v25+s21+$0x0] =	vst.idx.msk $0xffff, v23;
	v23 =	vld [tilespmem:s15+$0x50]  }
0x60: {  	v17 =	vadd.s32 v6, v17;
	s31 =	sadd.s32 $0x3, s2;
	s2 =	smov.u32 s19;
	s17 =	sadd.s32 $0x100, s17;
	v29 =	vmov s16;
	v22 =	vbroadcast v22, $0x0;
	v25 =	vld [tilespmem:s15+$0xFFFFFFD0];
	[tilespmem:v21+s21+$0x0] =	vst.idx.msk $0xffff, v20  }
0x61: {  	s19 =	smov.u32 s22;
	s22 =	smov.u32 s30;
	v32 =	vmov s31;
	v29 =	vshrl.u32 v29, $0x3;
	v20 =	vld [tilespmem:s17+$0x0];
	v21 =	vadd.s32 v9, v24;
	[tilespmem:v19+s21+$0x0] =	vst.idx.msk $0xffff, v27  }
0x62: {  	v35 =	vadd.s32 v0, v22;
	v19 =	vshrl.u32 v32, $0x3;
	v27 =	vld [tilespmem:s17+$0xFFFFFF80];
	[tilespmem:v30+s21+$0x0] =	vst.idx.msk $0xffff, v28;
	v28 =	vshll.u32 v29, v1  }
0x63: {  	v26 =	vadd.s32 v12, v26;
	s16 =	sadd.s32 $0x6, s2;
	v19 =	vshll.u32 v19, v1;
	[tilespmem:v34+s21+$0x0] =	vst.idx.msk $0xffff, v33;
	v32 =	vld [tilespmem:s14+$0x30];
	v33 =	vbroadcast v28, $0x0  }
0x64: {  	v31 =	vadd.s32 v4, v31;
	s31 =	sadd.s32 $0x2, s2;
	v28 =	vmov s16;
	v19 =	vbroadcast v19, $0x0;
	v34 =	vld [tilespmem:s14+$0xFFFFFFB0];
	[tilespmem:v18+s21+$0x0] =	vst.idx.msk $0xffff, v23  }
0x65: {  	v18 =	vmov s31;
	v23 =	vshrl.u32 v28, $0x3;
	[tilespmem:v17+s21+$0x0] =	vst.idx.msk $0xffff, v25;
	v36 =	vld [tilespmem:s15+$0x60];
	v37 =	vadd.s32 v15, v33  }
0x66: {  	v17 =	vshrl.u32 v18, $0x3;
	v18 =	vshll.u32 v23, v1;
	[tilespmem:v21+s21+$0x0] =	vst.idx.msk $0xffff, v20;
	v20 =	vld [tilespmem:s15+$0xFFFFFFE0];
	v21 =	vadd.s32 v7, v19  }
.Ltmp2:
0x67: {  	v29 =	vadd.s32 v10, v24;
	s16 =	sadd.s32 $0x5, s19;
	v17 =	vshll.u32 v17, v1;
	v18 =	vbroadcast v18, $0x0;
	[tilespmem:v35+s21+$0x0] =	vst.idx.msk $0xffff, v27;
	v27 =	vld [tilespmem:s17+$0x10];
	(pc) =	sbr.rel @p1 .LBB2_3-.Ltmp2, $4  }
0x68: {  	v30 =	vadd.s32 v2, v22;
	s31 =	sadd.s32 $0x1, s19;
	v22 =	vmov s16;
	v17 =	vbroadcast v17, $0x0;
	v28 =	vld [tilespmem:s17+$0xFFFFFF90];
	[tilespmem:v26+s21+$0x0] =	vst.idx.msk $0xffff, v32  }
0x69: {  	v23 =	vmov s31;
	v25 =	vshrl.u32 v22, $0x3;
	v24 =	vadd.s32 v13, v18;
	[tilespmem:v31+s21+$0x0] =	vst.idx.msk $0xffff, v34;
	v22 =	vld [tilespmem:s14+$0x40]  }
0x6a: {  	v26 =	vshrl.u32 v23, $0x3;
	v32 =	vshll.u32 v25, v1;
	v25 =	vadd.s32 v5, v17;
	v23 =	vld [tilespmem:s14+$0xFFFFFFC0];
	[tilespmem:v37+s21+$0x0] =	vst.idx.msk $0xffff, v36  }
0x6b: {  	s30 =	sadd.s32 $0x8, s30;
	s31 =	sadd.s32 $0x4, s22;
	v31 =	vshll.u32 v26, v1;
	v26 =	vbroadcast v32, $0x0;
	[tilespmem:v21+s21+$0x0] =	vst.idx.msk $0xffff, v20;
	v20 =	vld [tilespmem:s15+$0x70];
	v21 =	vadd.s32 v16, v33  }
0x6c: {  	v32 =	vmov s31  }
0x6d: {  	v33 =	vmov s22;
	v32 =	vshrl.u32 v32, $0x3  }
0x6e: {  	v33 =	vshrl.u32 v33, $0x3;
	v32 =	vshll.u32 v32, v1  }
0x6f: {  	v33 =	vshll.u32 v33, v1;
	v32 =	vbroadcast v32, $0x0  }
0x70: {  	s30 =	sadd.s32 $0x100, s17;
	v33 =	vbroadcast v33, $0x0  }
0x71: {  	v34 =	vld [tilespmem:s30+$0x0];
	v35 =	vadd.s32 v9, v32  }
0x72: {  	v36 =	vld [tilespmem:s30+$0xFFFFFF80];
	v37 =	vadd.s32 v0, v33;
	_ =	sdelay $0x3  }
0x73: {  	[tilespmem:v35+s21+$0x0] =	vst.idx.msk $0xffff, v34  }
0x74: {  	s16 =	sadd.s32 $0x5, s22;
	v32 =	vadd.s32 v10, v32;
	[tilespmem:v37+s21+$0x0] =	vst.idx.msk $0xffff, v36;
	v34 =	vld [tilespmem:s30+$0x10]  }
0x75: {  	s18 =	sadd.s32 $0x1, s22;
	v55 =	vmov s16;
	v33 =	vadd.s32 v2, v33;
	v54 =	vld [tilespmem:s30+$0xFFFFFF90]  }
0x76: {  	v56 =	vmov s18;
	v36 =	vshrl.u32 v55, $0x3  }
0x77: {  	v31 =	vbroadcast v31, $0x0;
	[tilespmem:v29+s21+$0x0] =	vst.idx.msk $0xffff, v27;
	v57 =	vshrl.u32 v56, $0x3;
	v58 =	vshll.u32 v36, v1  }
0x78: {  	[tilespmem:v30+s21+$0x0] =	vst.idx.msk $0xffff, v28;
	v59 =	vld [tilespmem:s17+$0x20];
	v60 =	vadd.s32 v11, v26;
	v27 =	vshll.u32 v57, v1;
	v29 =	vbroadcast v58, $0x0  }
0x79: {  	v61 =	vld [tilespmem:s17+$0xFFFFFFA0];
	v62 =	vadd.s32 v3, v31;
	v27 =	vbroadcast v27, $0x0;
	[tilespmem:v32+s21+$0x0] =	vst.idx.msk $0xffff, v34  }
0x7a: {  	v63 =	vadd.s32 v11, v29;
	[tilespmem:v33+s21+$0x0] =	vst.idx.msk $0xffff, v54;
	v32 =	vld [tilespmem:s30+$0x20]  }
0x7b: {  	v41 =	vadd.s32 v3, v27;
	v40 =	vld [tilespmem:s30+$0xFFFFFFA0]  }
0x7c: {  	[tilespmem:v24+s21+$0x0] =	vst.idx.msk $0xffff, v22  }
0x7d: {  	v19 =	vadd.s32 v8, v19;
	v52 =	vld [tilespmem:s15+$0xFFFFFFF0];
	s16 =	sadd.s32 $0x6, s19;
	[tilespmem:v60+s21+$0x0] =	vst.idx.msk $0xffff, v59  }
0x7e: {  	v18 =	vadd.s32 v14, v18;
	s18 =	sadd.s32 $0x2, s19;
	v42 =	vadd.s32 v12, v26;
	v43 =	vmov s16;
	s16 =	sadd.s32 $0x6, s22;
	[tilespmem:v62+s21+$0x0] =	vst.idx.msk $0xffff, v61;
	v28 =	vld [tilespmem:s17+$0x30]  }
0x7f: {  	v44 =	vmov s18;
	s18 =	sadd.s32 $0x2, s22;
	v31 =	vadd.s32 v4, v31;
	v45 =	vmov s16;
	v46 =	vld [tilespmem:s17+$0xFFFFFFB0];
	[tilespmem:v63+s21+$0x0] =	vst.idx.msk $0xffff, v32  }
0x80: {  	v38 =	vmov s18;
	v30 =	vshrl.u32 v43, $0x3;
	v29 =	vadd.s32 v12, v29;
	[tilespmem:v41+s21+$0x0] =	vst.idx.msk $0xffff, v40;
	v33 =	vld [tilespmem:s30+$0x30]  }
0x81: {  	v47 =	vshrl.u32 v44, $0x3;
	[tilespmem:v25+s21+$0x0] =	vst.idx.msk $0xffff, v23;
	v48 =	vshll.u32 v30, v1;
	v27 =	vadd.s32 v4, v27;
	v49 =	vld [tilespmem:s30+$0xFFFFFFB0]  }
0x82: {  	v22 =	vshll.u32 v47, v1;
	v51 =	vshrl.u32 v45, $0x3;
	v50 =	vbroadcast v48, $0x0;
	[tilespmem:v19+s21+$0x0] =	vst.idx.msk $0xffff, v52  }
0x83: {  	v53 =	vshrl.u32 v38, $0x3;
	v22 =	vbroadcast v22, $0x0;
	v24 =	vshll.u32 v51, v1;
	v19 =	vld [tilespmem:s14+$0x50];
	[tilespmem:v42+s21+$0x0] =	vst.idx.msk $0xffff, v28  }
0x84: {  	v26 =	vshll.u32 v53, v1;
	v24 =	vbroadcast v24, $0x0;
	[tilespmem:v31+s21+$0x0] =	vst.idx.msk $0xffff, v46;
	v28 =	vld [tilespmem:s17+$0x40];
	v54 =	vadd.s32 v13, v50  }
0x85: {  	s16 =	sadd.s32 $0x7, s19;
	v26 =	vbroadcast v26, $0x0;
	v57 =	vadd.s32 v5, v22;
	v56 =	vld [tilespmem:s17+$0xFFFFFFC0];
	[tilespmem:v29+s21+$0x0] =	vst.idx.msk $0xffff, v33  }
0x86: {  	v17 =	vadd.s32 v6, v17;
	s18 =	sadd.s32 $0x7, s2;
	v59 =	vmov s16;
	v61 =	vadd.s32 v13, v24;
	[tilespmem:v27+s21+$0x0] =	vst.idx.msk $0xffff, v49;
	v60 =	vld [tilespmem:s30+$0x40]  }
0x87: {  	[tilespmem:v21+s21+$0x0] =	vst.idx.msk $0xffff, v20;
	v23 =	vadd.s32 v14, v50;
	v55 =	vmov s18;
	v36 =	vadd.s32 v5, v26;
	v63 =	vld [tilespmem:s30+$0xFFFFFFC0]  }
0x88: {  	s31 =	sadd.s32 $0x3, s2;
	v22 =	vadd.s32 v6, v22;
	v24 =	vadd.s32 v14, v24;
	s18 =	sadd.s32 $0x3, s19;
	[tilespmem:v18+s21+$0x0] =	vst.idx.msk $0xffff, v19;
	v62 =	vshrl.u32 v55, $0x3  }
0x89: {  	v38 =	vld [tilespmem:s14+$0xFFFFFFD0];
	v39 =	vmov s18;
	v26 =	vadd.s32 v6, v26;
	v58 =	vmov s31;
	[tilespmem:v54+s21+$0x0] =	vst.idx.msk $0xffff, v28  }
0x8a: {  	v20 =	vshll.u32 v62, v1;
	v18 =	vshrl.u32 v39, $0x3;
	v37 =	vshrl.u32 v58, $0x3;
	[tilespmem:v57+s21+$0x0] =	vst.idx.msk $0xffff, v56;
	v41 =	vld [tilespmem:s17+$0x50]  }
0x8b: {  	s31 =	sadd.s32 $0x3, s22;
	v20 =	vbroadcast v20, $0x0;
	v46 =	vshrl.u32 v59, $0x3;
	v18 =	vshll.u32 v18, v1;
	v44 =	vld [tilespmem:s17+$0xFFFFFFD0];
	[tilespmem:v61+s21+$0x0] =	vst.idx.msk $0xffff, v60  }
0x8c: {  	s19 =	sadd.s32 $0x7, s22;
	v42 =	vmov s31;
	v25 =	vshll.u32 v37, v1;
	v19 =	vshll.u32 v46, v1;
	[tilespmem:v36+s21+$0x0] =	vst.idx.msk $0xffff, v63;
	v47 =	vld [tilespmem:s30+$0x50]  }
0x8d: {  	v18 =	vbroadcast v18, $0x0;
	v25 =	vbroadcast v25, $0x0;
	v40 =	vmov s19;
	v48 =	vld [tilespmem:s30+$0xFFFFFFD0]  }
0x8e: {  	[tilespmem:v17+s21+$0x0] =	vst.idx.msk $0xffff, v38;
	v17 =	vld [tilespmem:s14+$0x60];
	v43 =	vadd.s32 v15, v20;
	v19 =	vbroadcast v19, $0x0;
	v49 =	vshrl.u32 v40, $0x3  }
0x8f: {  	v51 =	vshrl.u32 v42, $0x3;
	v50 =	vld [tilespmem:s14+$0xFFFFFFE0];
	v45 =	vadd.s32 v7, v25;
	[tilespmem:v23+s21+$0x0] =	vst.idx.msk $0xffff, v41;
	v29 =	vshll.u32 v49, v1  }
0x90: {  	v53 =	vadd.s32 v15, v19;
	[tilespmem:v22+s21+$0x0] =	vst.idx.msk $0xffff, v44;
	v23 =	vshll.u32 v51, v1;
	v52 =	vld [tilespmem:s17+$0x60];
	v29 =	vbroadcast v29, $0x0  }
0x91: {  	v55 =	vadd.s32 v7, v18;
	v54 =	vld [tilespmem:s17+$0xFFFFFFE0];
	v23 =	vbroadcast v23, $0x0;
	[tilespmem:v24+s21+$0x0] =	vst.idx.msk $0xffff, v47  }
0x92: {  	v56 =	vadd.s32 v15, v29;
	[tilespmem:v26+s21+$0x0] =	vst.idx.msk $0xffff, v48;
	v24 =	vld [tilespmem:s30+$0x60]  }
0x93: {  	[tilespmem:v43+s21+$0x0] =	vst.idx.msk $0xffff, v17;
	v57 =	vadd.s32 v7, v23;
	v17 =	vld [tilespmem:s30+$0xFFFFFFE0]  }
0x94: {  	v20 =	vadd.s32 v16, v20;
	v58 =	vld [tilespmem:s14+$0x70];
	[tilespmem:v45+s21+$0x0] =	vst.idx.msk $0xffff, v50  }
0x95: {  	v25 =	vadd.s32 v8, v25;
	v59 =	vld [tilespmem:s14+$0xFFFFFFF0];
	[tilespmem:v53+s21+$0x0] =	vst.idx.msk $0xffff, v52  }
0x96: {  	v19 =	vadd.s32 v16, v19;
	[tilespmem:v55+s21+$0x0] =	vst.idx.msk $0xffff, v54;
	v22 =	vld [tilespmem:s17+$0x70]  }
0x97: {  	v18 =	vadd.s32 v8, v18;
	v60 =	vld [tilespmem:s17+$0xFFFFFFF0];
	[tilespmem:v56+s21+$0x0] =	vst.idx.msk $0xffff, v24  }
0x98: {  	v61 =	vadd.s32 v16, v29;
	[tilespmem:v57+s21+$0x0] =	vst.idx.msk $0xffff, v17;
	v17 =	vld [tilespmem:s30+$0x70]  }
0x99: {  	[tilespmem:v20+s21+$0x0] =	vst.idx.msk $0xffff, v58;
	v63 =	vadd.s32 v8, v23;
	v62 =	vld [tilespmem:s30+$0xFFFFFFF0]  }
0x9a: {  	[tilespmem:v25+s21+$0x0] =	vst.idx.msk $0xffff, v59  }
0x9b: {  	[tilespmem:v19+s21+$0x0] =	vst.idx.msk $0xffff, v22  }
0x9c: {  	s15 =	sshll.u32 s10, $0x10;
	[tilespmem:v18+s21+$0x0] =	vst.idx.msk $0xffff, v60  }
0x9d: {  	s16 =	rddreg [dreg:$0x1];
	s14 =	sor.u32 s6, s15;
	[tilespmem:v61+s21+$0x0] =	vst.idx.msk $0xffff, v17  }
0x9e: {  	s2 =	sadd.s32 s16, s14;
	[tilespmem:v63+s21+$0x0] =	vst.idx.msk $0xffff, v62  }
0x9f: {  	[hbm4b:s2+s3] =	stream.linear.scatter [tilespmem:s21], [sflag:$0x5], $0x80, $0x38;
	[tilespmem:$0xE800] =	vst v63  }
0xa0: {  	s18 =	simm.s32 $0xA488;
	s17 =	sadd.s32 $0x10, s2  }
0xa1: {  	[hbm4b:s17+s3] =	stream.linear.scatter [tilespmem:s18], [sflag:$0x5], $0x80, $0x38;
	[tilespmem:$0xE800] =	vst v63  }
0xa2: {  	s22 =	simm.s32 $0xA510;
	s19 =	sadd.s32 $0x20, s2  }
0xa3: {  	[hbm4b:s19+s3] =	stream.linear.scatter [tilespmem:s22], [sflag:$0x5], $0x80, $0x38;
	[tilespmem:$0xE800] =	vst v63  }
0xa4: {  	s31 =	simm.s32 $0xA598;
	s30 =	sadd.s32 $0x30, s2  }
0xa5: {  	[hbm4b:s30+s3] =	stream.linear.scatter [tilespmem:s31], [sflag:$0x5], $0x80, $0x38;
	[tilespmem:$0xE800] =	vst v63  }
0xa6: {  	s17 =	sadd.s32 $0x40, s2;
	s18 =	simm.s32 $0xA620  }
0xa7: {  	[hbm4b:s17+s3] =	stream.linear.scatter [tilespmem:s18], [sflag:$0x5], $0x80, $0x38;
	[tilespmem:$0xE800] =	vst v63  }
0xa8: {  	s19 =	sadd.s32 $0x50, s2;
	s22 =	simm.s32 $0xA6A8  }
0xa9: {  	[hbm4b:s19+s3] =	stream.linear.scatter [tilespmem:s22], [sflag:$0x5], $0x80, $0x38;
	[tilespmem:$0xE800] =	vst v63  }
0xaa: {  	s30 =	sadd.s32 $0x60, s2;
	s31 =	simm.s32 $0xA730  }
0xab: {  	[hbm4b:s30+s3] =	stream.linear.scatter [tilespmem:s31], [sflag:$0x5], $0x80, $0x38;
	[tilespmem:$0xE800] =	vst v63  }
0xac: {  	s17 =	sadd.s32 $0x70, s2;
	s18 =	simm.s32 $0xA7B8  }
0xad: {  	[hbm4b:s17+s3] =	stream.linear.scatter [tilespmem:s18], [sflag:$0x5], $0x80, $0x38;
	[tilespmem:$0xE800] =	vst v63  }
0xae: {  	s19 =	sadd.s32 $0x1000, s2;
	s22 =	simm.s32 $0xA840  }
0xaf: {  	[hbm4b:s19+s3] =	stream.linear.scatter [tilespmem:s22], [sflag:$0x5], $0x80, $0x38;
	[tilespmem:$0xE800] =	vst v63  }
0xb0: {  	s30 =	sadd.s32 $0x1010, s2;
	s31 =	simm.s32 $0xA8C8  }
0xb1: {  	[hbm4b:s30+s3] =	stream.linear.scatter [tilespmem:s31], [sflag:$0x5], $0x80, $0x38;
	[tilespmem:$0xE800] =	vst v63  }
0xb2: {  	s17 =	sadd.s32 $0x1020, s2;
	s18 =	simm.s32 $0xA950  }
0xb3: {  	[hbm4b:s17+s3] =	stream.linear.scatter [tilespmem:s18], [sflag:$0x5], $0x80, $0x38;
	[tilespmem:$0xE800] =	vst v63  }
0xb4: {  	s19 =	sadd.s32 $0x1030, s2;
	s22 =	simm.s32 $0xA9D8  }
0xb5: {  	[hbm4b:s19+s3] =	stream.linear.scatter [tilespmem:s22], [sflag:$0x5], $0x80, $0x38;
	[tilespmem:$0xE800] =	vst v63  }
0xb6: {  	s30 =	sadd.s32 $0x1040, s2;
	s31 =	simm.s32 $0xAA60  }
0xb7: {  	[hbm4b:s30+s3] =	stream.linear.scatter [tilespmem:s31], [sflag:$0x5], $0x80, $0x38;
	[tilespmem:$0xE800] =	vst v63  }
0xb8: {  	s17 =	sadd.s32 $0x1050, s2;
	s18 =	simm.s32 $0xAAE8  }
0xb9: {  	[hbm4b:s17+s3] =	stream.linear.scatter [tilespmem:s18], [sflag:$0x5], $0x80, $0x38;
	[tilespmem:$0xE800] =	vst v63  }
0xba: {  	s19 =	sadd.s32 $0x1060, s2;
	s22 =	simm.s32 $0xAB70  }
0xbb: {  	[hbm4b:s19+s3] =	stream.linear.scatter [tilespmem:s22], [sflag:$0x5], $0x80, $0x38;
	[tilespmem:$0xE800] =	vst v63  }
0xbc: {  	s30 =	sadd.s32 $0x1070, s2;
	s31 =	simm.s32 $0xABF8  }
0xbd: {  	[hbm4b:s30+s3] =	stream.linear.scatter [tilespmem:s31], [sflag:$0x5], $0x80, $0x38;
	[tilespmem:$0xE800] =	vst v63  }
0xbe: {  	s17 =	sadd.s32 $0x2000, s2;
	s18 =	simm.s32 $0xAC80  }
0xbf: {  	[hbm4b:s17+s3] =	stream.linear.scatter [tilespmem:s18], [sflag:$0x5], $0x80, $0x38;
	[tilespmem:$0xE800] =	vst v63  }
0xc0: {  	s19 =	sadd.s32 $0x2010, s2;
	s22 =	simm.s32 $0xAD08  }
0xc1: {  	[hbm4b:s19+s3] =	stream.linear.scatter [tilespmem:s22], [sflag:$0x5], $0x80, $0x38;
	[tilespmem:$0xE800] =	vst v63  }
0xc2: {  	s30 =	sadd.s32 $0x2020, s2;
	s31 =	simm.s32 $0xAD90  }
0xc3: {  	[hbm4b:s30+s3] =	stream.linear.scatter [tilespmem:s31], [sflag:$0x5], $0x80, $0x38;
	[tilespmem:$0xE800] =	vst v63  }
0xc4: {  	s17 =	sadd.s32 $0x2030, s2;
	s18 =	simm.s32 $0xAE18  }
0xc5: {  	[hbm4b:s17+s3] =	stream.linear.scatter [tilespmem:s18], [sflag:$0x5], $0x80, $0x38;
	[tilespmem:$0xE800] =	vst v63  }
0xc6: {  	s19 =	sadd.s32 $0x2040, s2;
	s22 =	simm.s32 $0xAEA0  }
0xc7: {  	[hbm4b:s19+s3] =	stream.linear.scatter [tilespmem:s22], [sflag:$0x5], $0x80, $0x38;
	[tilespmem:$0xE800] =	vst v63  }
0xc8: {  	s30 =	sadd.s32 $0x2050, s2;
	s31 =	simm.s32 $0xAF28  }
0xc9: {  	[hbm4b:s30+s3] =	stream.linear.scatter [tilespmem:s31], [sflag:$0x5], $0x80, $0x38;
	[tilespmem:$0xE800] =	vst v63  }
0xca: {  	s17 =	sadd.s32 $0x2060, s2;
	s18 =	simm.s32 $0xAFB0  }
0xcb: {  	[hbm4b:s17+s3] =	stream.linear.scatter [tilespmem:s18], [sflag:$0x5], $0x80, $0x38;
	[tilespmem:$0xE800] =	vst v63  }
0xcc: {  	s19 =	sadd.s32 $0x2070, s2;
	s22 =	simm.s32 $0xB038  }
0xcd: {  	[hbm4b:s19+s3] =	stream.linear.scatter [tilespmem:s22], [sflag:$0x5], $0x80, $0x38;
	[tilespmem:$0xE800] =	vst v63  }
0xce: {  	s30 =	sadd.s32 $0x3000, s2;
	s31 =	simm.s32 $0xB0C0  }
0xcf: {  	[hbm4b:s30+s3] =	stream.linear.scatter [tilespmem:s31], [sflag:$0x5], $0x80, $0x38;
	[tilespmem:$0xE800] =	vst v63  }
0xd0: {  	s17 =	sadd.s32 $0x3010, s2;
	s18 =	simm.s32 $0xB148  }
0xd1: {  	[hbm4b:s17+s3] =	stream.linear.scatter [tilespmem:s18], [sflag:$0x5], $0x80, $0x38;
	[tilespmem:$0xE800] =	vst v63  }
0xd2: {  	s19 =	sadd.s32 $0x3020, s2;
	s22 =	simm.s32 $0xB1D0  }
0xd3: {  	[hbm4b:s19+s3] =	stream.linear.scatter [tilespmem:s22], [sflag:$0x5], $0x80, $0x38;
	[tilespmem:$0xE800] =	vst v63  }
0xd4: {  	s30 =	sadd.s32 $0x3030, s2;
	s31 =	simm.s32 $0xB258  }
0xd5: {  	[hbm4b:s30+s3] =	stream.linear.scatter [tilespmem:s31], [sflag:$0x5], $0x80, $0x38;
	[tilespmem:$0xE800] =	vst v63  }
0xd6: {  	s16 =	sadd.s32 $0x3040, s2;
	s17 =	simm.s32 $0xB2E0  }
0xd7: {  	[hbm4b:s16+s3] =	stream.linear.scatter [tilespmem:s17], [sflag:$0x5], $0x80, $0x38;
	[tilespmem:$0xE800] =	vst v63  }
0xd8: {  	p1 =	sne.s32 s10, $0x31;
	s18 =	sadd.s32 $0x3050, s2;
	s19 =	simm.s32 $0xB368  }
0xd9: {  	[hbm4b:s18+s3] =	stream.linear.scatter [tilespmem:s19], [sflag:$0x5], $0x80, $0x38;
	[tilespmem:$0xE800] =	vst v63  }
.Ltmp3:
0xda: {  	_ = 	snop;
	(pc) =	sbr.rel @p1 .LBB2_6-.Ltmp3, $4  }
0xdb: {  	s22 =	sadd.s32 $0x3060, s2;
	s30 =	simm.s32 $0xB3F0  }
0xdc: {  	[hbm4b:s22+s3] =	stream.linear.scatter [tilespmem:s30], [sflag:$0x5], $0x80, $0x38;
	[tilespmem:$0xE800] =	vst v63  }
0xdd: {  	s2 =	sadd.s32 $0x3070, s2;
	s31 =	simm.s32 $0xB478  }
0xde: {  	[hbm4b:s2+s3] =	stream.linear.scatter [tilespmem:s31], [sflag:$0x5], $0x80, $0x38;
	[tilespmem:$0xE800] =	vst v63  }
.Ltmp4:
0xdf: {  	(pc) =	sbr.rel .LBB2_7-.Ltmp4, $4  }
0xe0: {  	_ = 	snop  }
0xe1: {  	_ =	swait.ge [sflag:s0], $0x1000  }
0xe2: {  	[sflag:s0] =	ssyncset.done $0x0  }
0xe3: {  	[sflag:s0] =	ssyncadd.s32 $0xFFFFF000  }
.LBB2_6:
0xe4: {  	s2 =	sshrl.u32 s13, $0x2  }
.Ltmp5:
0xe5: {  	s15 =	simm.s32 $0x6400;
	s2 =	sadd.s32 $0x200, s2;
	(pc) =	sbr.rel @p0 .LBB2_8-.Ltmp5, $4  }
0xe6: {  	[tilespmem:s15], [sflag:$0x1] =	stream.indirect.gather [hbm4b:s4+s11], $0x20, s2, s11, $0xb8;
	[tilespmem:$0xE800] =	vst v63  }
0xe7: {  	_ =	swait.ge [sflag:s0], $0x1000  }
0xe8: {  	[sflag:s0] =	ssyncset.done $0x0  }
0xe9: {  	[sflag:s0] =	ssyncadd.s32 $0xFFFFF000  }
.LBB2_7:
0xea: {  	_ =	swait.ge [sflag:s1], $0x1000  }
0xeb: {  	[sflag:s1] =	ssyncset.done $0x0  }
0xec: {  	[sflag:s1] =	ssyncadd.s32 $0xFFFFF000  }
.LBB2_8:
0xed: {  	s2 =	simm.s32 $0x4  }
0xee: {  	s15 =	simm.s32 $0x0;
	v17 =	vmov s2  }
0xef: {  	v18 =	vmov s15;
	v17 =	vshrl.u32 v17, $0x3  }
0xf0: {  	v18 =	vshrl.u32 v18, $0x3;
	v17 =	vshll.u32 v17, v1  }
0xf1: {  	v18 =	vshll.u32 v18, v1;
	v17 =	vbroadcast v17, $0x0  }
0xf2: {  	s17 =	simm.s32 $0x7480;
	v18 =	vbroadcast v18, $0x0  }
0xf3: {  	v19 =	vld [tilespmem:s17+$0x0];
	v20 =	vadd.s32 v9, v17  }
0xf4: {  	v21 =	vld [tilespmem:s17+$0xFFFFFF80];
	v22 =	vadd.s32 v0, v18;
	_ =	sdelay $0x3  }
0xf5: {  	[tilespmem:v20+s12+$0x0] =	vst.idx.msk $0xffff, v19  }
0xf6: {  	s15 =	simm.s32 $0x5;
	v17 =	vadd.s32 v10, v17;
	[tilespmem:v22+s12+$0x0] =	vst.idx.msk $0xffff, v21;
	v19 =	vld [tilespmem:s17+$0x10]  }
0xf7: {  	s16 =	simm.s32 $0x1;
	v18 =	vadd.s32 v2, v18;
	v21 =	vmov s15;
	v20 =	vld [tilespmem:s17+$0xFFFFFF90]  }
0xf8: {  	v22 =	vmov s16;
	v21 =	vshrl.u32 v21, $0x3  }
0xf9: {  	v22 =	vshrl.u32 v22, $0x3;
	v21 =	vshll.u32 v21, v1  }
0xfa: {  	s18 =	simm.s32 $0xC;
	v22 =	vshll.u32 v22, v1;
	v21 =	vbroadcast v21, $0x0  }
0xfb: {  	s19 =	simm.s32 $0x8;
	v23 =	vmov s18;
	v22 =	vbroadcast v22, $0x0;
	[tilespmem:v17+s12+$0x0] =	vst.idx.msk $0xffff, v19  }
0xfc: {  	v17 =	vmov s19;
	v19 =	vshrl.u32 v23, $0x3;
	[tilespmem:v18+s12+$0x0] =	vst.idx.msk $0xffff, v20;
	v20 =	vadd.s32 v11, v21;
	v18 =	vld [tilespmem:s17+$0x20]  }
0xfd: {  	v24 =	vadd.s32 v3, v22;
	v17 =	vshrl.u32 v17, $0x3;
	v19 =	vshll.u32 v19, v1;
	v23 =	vld [tilespmem:s17+$0xFFFFFFA0]  }
0xfe: {  	v17 =	vshll.u32 v17, v1;
	v19 =	vbroadcast v19, $0x0  }
0xff: {  	s15 =	simm.s32 $0x7580;
	v17 =	vbroadcast v17, $0x0  }
0x100: {  	v25 =	vld [tilespmem:s15+$0x0];
	v26 =	vadd.s32 v9, v19  }
0x101: {  	v27 =	vld [tilespmem:s15+$0xFFFFFF80];
	v28 =	vadd.s32 v0, v17;
	[tilespmem:v20+s12+$0x0] =	vst.idx.msk $0xffff, v18  }
0x102: {  	s22 =	simm.s32 $0x6;
	[tilespmem:v24+s12+$0x0] =	vst.idx.msk $0xffff, v23;
	v20 =	vadd.s32 v12, v21;
	v18 =	vld [tilespmem:s17+$0x30]  }
0x103: {  	s16 =	simm.s32 $0x2;
	v22 =	vadd.s32 v4, v22;
	v23 =	vmov s22;
	v21 =	vld [tilespmem:s17+$0xFFFFFFB0]  }
0x104: {  	v24 =	vmov s16;
	v23 =	vshrl.u32 v23, $0x3  }
0x105: {  	v24 =	vshrl.u32 v24, $0x3;
	v23 =	vshll.u32 v23, v1;
	[tilespmem:v26+s12+$0x0] =	vst.idx.msk $0xffff, v25  }
0x106: {  	s18 =	simm.s32 $0xD;
	v19 =	vadd.s32 v10, v19;
	v24 =	vshll.u32 v24, v1;
	v23 =	vbroadcast v23, $0x0;
	[tilespmem:v28+s12+$0x0] =	vst.idx.msk $0xffff, v27;
	v25 =	vld [tilespmem:s15+$0x10]  }
0x107: {  	v17 =	vadd.s32 v2, v17;
	s22 =	simm.s32 $0x9;
	v24 =	vbroadcast v24, $0x0;
	v27 =	vmov s18;
	v26 =	vld [tilespmem:s15+$0xFFFFFF90];
	[tilespmem:v20+s12+$0x0] =	vst.idx.msk $0xffff, v18  }
0x108: {  	v18 =	vmov s22;
	v20 =	vshrl.u32 v27, $0x3;
	[tilespmem:v22+s12+$0x0] =	vst.idx.msk $0xffff, v21;
	v22 =	vadd.s32 v13, v23;
	v21 =	vld [tilespmem:s17+$0x40]  }
0x109: {  	v28 =	vadd.s32 v5, v24;
	v18 =	vshrl.u32 v18, $0x3;
	v20 =	vshll.u32 v20, v1;
	v27 =	vld [tilespmem:s17+$0xFFFFFFC0]  }
0x10a: {  	s16 =	simm.s32 $0x14;
	v18 =	vshll.u32 v18, v1;
	v20 =	vbroadcast v20, $0x0  }
0x10b: {  	v29 =	vmov s16;
	s22 =	simm.s32 $0x10;
	v18 =	vbroadcast v18, $0x0;
	[tilespmem:v19+s12+$0x0] =	vst.idx.msk $0xffff, v25  }
0x10c: {  	v19 =	vmov s22;
	v25 =	vshrl.u32 v29, $0x3;
	[tilespmem:v17+s12+$0x0] =	vst.idx.msk $0xffff, v26;
	v17 =	vld [tilespmem:s15+$0x20];
	v26 =	vadd.s32 v11, v20  }
0x10d: {  	v19 =	vshrl.u32 v19, $0x3;
	v25 =	vshll.u32 v25, v1;
	v29 =	vld [tilespmem:s15+$0xFFFFFFA0];
	v30 =	vadd.s32 v3, v18;
	[tilespmem:v22+s12+$0x0] =	vst.idx.msk $0xffff, v21  }
0x10e: {  	s18 =	simm.s32 $0x7;
	v23 =	vadd.s32 v14, v23;
	v19 =	vshll.u32 v19, v1;
	v21 =	vbroadcast v25, $0x0;
	[tilespmem:v28+s12+$0x0] =	vst.idx.msk $0xffff, v27;
	v22 =	vld [tilespmem:s17+$0x50]  }
0x10f: {  	s30 =	simm.s32 $0x3;
	s2 =	simm.s32 $0x7680;
	v24 =	vadd.s32 v6, v24;
	v25 =	vbroadcast v19, $0x0;
	v19 =	vmov s18;
	v27 =	vld [tilespmem:s17+$0xFFFFFFD0]  }
0x110: {  	v32 =	vmov s30;
	v28 =	vld [tilespmem:s2+$0x0];
	v19 =	vshrl.u32 v19, $0x3;
	v31 =	vadd.s32 v9, v21  }
0x111: {  	v33 =	vld [tilespmem:s2+$0xFFFFFF80];
	v34 =	vadd.s32 v0, v25;
	v19 =	vshll.u32 v19, v1;
	[tilespmem:v26+s12+$0x0] =	vst.idx.msk $0xffff, v17;
	v17 =	vshrl.u32 v32, $0x3  }
0x112: {  	v20 =	vadd.s32 v12, v20;
	s18 =	simm.s32 $0xE;
	v63 =	vbroadcast v19, $0x0;
	[tilespmem:v30+s12+$0x0] =	vst.idx.msk $0xffff, v29;
	v26 =	vld [tilespmem:s15+$0x30];
	v17 =	vshll.u32 v17, v1  }
0x113: {  	s30 =	simm.s32 $0xA;
	v36 =	vadd.s32 v4, v18;
	v18 =	vmov s18;
	v35 =	vld [tilespmem:s15+$0xFFFFFFB0];
	v19 =	vbroadcast v17, $0x0;
	[tilespmem:v23+s12+$0x0] =	vst.idx.msk $0xffff, v22  }
0x114: {  	v18 =	vshrl.u32 v18, $0x3;
	v17 =	vmov s30;
	v38 =	vadd.s32 v15, v63;
	[tilespmem:v24+s12+$0x0] =	vst.idx.msk $0xffff, v27;
	v37 =	vld [tilespmem:s17+$0x60]  }
0x115: {  	v18 =	vshll.u32 v18, v1;
	v17 =	vshrl.u32 v17, $0x3;
	[tilespmem:v31+s12+$0x0] =	vst.idx.msk $0xffff, v28;
	v39 =	vld [tilespmem:s17+$0xFFFFFFE0];
	v40 =	vadd.s32 v7, v19  }
0x116: {  	s18 =	simm.s32 $0x15;
	v29 =	vadd.s32 v10, v21;
	v18 =	vbroadcast v18, $0x0;
	[tilespmem:v34+s12+$0x0] =	vst.idx.msk $0xffff, v33;
	v17 =	vshll.u32 v17, v1;
	v27 =	vld [tilespmem:s2+$0x10]  }
0x117: {  	v30 =	vadd.s32 v2, v25;
	v21 =	vmov s18;
	s30 =	simm.s32 $0x11;
	v28 =	vld [tilespmem:s2+$0xFFFFFF90];
	v17 =	vbroadcast v17, $0x0;
	[tilespmem:v20+s12+$0x0] =	vst.idx.msk $0xffff, v26  }
0x118: {  	v21 =	vshrl.u32 v21, $0x3;
	v24 =	vadd.s32 v13, v18;
	v20 =	vmov s30;
	[tilespmem:v36+s12+$0x0] =	vst.idx.msk $0xffff, v35;
	v22 =	vld [tilespmem:s15+$0x40]  }
0x119: {  	v21 =	vshll.u32 v21, v1;
	v20 =	vshrl.u32 v20, $0x3;
	v25 =	vadd.s32 v5, v17;
	v23 =	vld [tilespmem:s15+$0xFFFFFFC0];
	[tilespmem:v38+s12+$0x0] =	vst.idx.msk $0xffff, v37  }
0x11a: {  	s31 =	simm.s32 $0x20;
	s16 =	simm.s32 $0x1C;
	s30 =	simm.s32 $0x18;
	v26 =	vbroadcast v21, $0x0;
	v21 =	vadd.s32 v16, v63;
	v31 =	vshll.u32 v20, v1;
	[tilespmem:v40+s12+$0x0] =	vst.idx.msk $0xffff, v39;
	v20 =	vld [tilespmem:s17+$0x70]  }
.LBB2_9:
0x11b: {  	p2 =	slt.u32 s31, $0x78;
	v32 =	vmov s16;
	v31 =	vbroadcast v31, $0x0;
	[tilespmem:v29+s12+$0x0] =	vst.idx.msk $0xffff, v27;
	v27 =	vld [tilespmem:s17+$0xFFFFFFF0];
	v19 =	vadd.s32 v8, v19;
	s17 =	smov.u32 s15;
	s15 =	smov.u32 s2  }
0x11c: {  	v29 =	vmov s30;
	v32 =	vshrl.u32 v32, $0x3;
	[tilespmem:v30+s12+$0x0] =	vst.idx.msk $0xffff, v28;
	v28 =	vld [tilespmem:s2+$0x20];
	v30 =	vadd.s32 v11, v26  }
0x11d: {  	v29 =	vshrl.u32 v29, $0x3;
	v32 =	vshll.u32 v32, v1;
	v33 =	vld [tilespmem:s2+$0xFFFFFFA0];
	v34 =	vadd.s32 v3, v31;
	[tilespmem:v24+s12+$0x0] =	vst.idx.msk $0xffff, v22  }
0x11e: {  	v18 =	vadd.s32 v14, v18;
	s16 =	sadd.s32 $0x7, s19;
	v22 =	vshll.u32 v29, v1;
	v24 =	vbroadcast v32, $0x0;
	[tilespmem:v25+s12+$0x0] =	vst.idx.msk $0xffff, v23;
	v23 =	vld [tilespmem:s17+$0x50]  }
0x11f: {  	v17 =	vadd.s32 v6, v17;
	s18 =	sadd.s32 $0x3, s19;
	s19 =	smov.u32 s22;
	s2 =	sadd.s32 $0x100, s2;
	v29 =	vmov s16;
	v22 =	vbroadcast v22, $0x0;
	v25 =	vld [tilespmem:s17+$0xFFFFFFD0];
	[tilespmem:v21+s12+$0x0] =	vst.idx.msk $0xffff, v20  }
0x120: {  	s22 =	smov.u32 s30;
	s30 =	smov.u32 s31;
	v32 =	vmov s18;
	v29 =	vshrl.u32 v29, $0x3;
	v20 =	vld [tilespmem:s2+$0x0];
	v21 =	vadd.s32 v9, v24;
	[tilespmem:v19+s12+$0x0] =	vst.idx.msk $0xffff, v27  }
0x121: {  	v35 =	vadd.s32 v0, v22;
	v19 =	vshrl.u32 v32, $0x3;
	v27 =	vld [tilespmem:s2+$0xFFFFFF80];
	[tilespmem:v30+s12+$0x0] =	vst.idx.msk $0xffff, v28;
	v28 =	vshll.u32 v29, v1  }
0x122: {  	v26 =	vadd.s32 v12, v26;
	s16 =	sadd.s32 $0x6, s19;
	v19 =	vshll.u32 v19, v1;
	[tilespmem:v34+s12+$0x0] =	vst.idx.msk $0xffff, v33;
	v32 =	vld [tilespmem:s15+$0x30];
	v33 =	vbroadcast v28, $0x0  }
0x123: {  	v31 =	vadd.s32 v4, v31;
	s18 =	sadd.s32 $0x2, s19;
	v28 =	vmov s16;
	v19 =	vbroadcast v19, $0x0;
	v34 =	vld [tilespmem:s15+$0xFFFFFFB0];
	[tilespmem:v18+s12+$0x0] =	vst.idx.msk $0xffff, v23  }
0x124: {  	v18 =	vmov s18;
	v23 =	vshrl.u32 v28, $0x3;
	[tilespmem:v17+s12+$0x0] =	vst.idx.msk $0xffff, v25;
	v36 =	vld [tilespmem:s17+$0x60];
	v37 =	vadd.s32 v15, v33  }
0x125: {  	v17 =	vshrl.u32 v18, $0x3;
	v18 =	vshll.u32 v23, v1;
	[tilespmem:v21+s12+$0x0] =	vst.idx.msk $0xffff, v20;
	v20 =	vld [tilespmem:s17+$0xFFFFFFE0];
	v21 =	vadd.s32 v7, v19  }
.Ltmp6:
0x126: {  	v29 =	vadd.s32 v10, v24;
	s16 =	sadd.s32 $0x5, s22;
	v17 =	vshll.u32 v17, v1;
	v18 =	vbroadcast v18, $0x0;
	[tilespmem:v35+s12+$0x0] =	vst.idx.msk $0xffff, v27;
	v27 =	vld [tilespmem:s2+$0x10];
	(pc) =	sbr.rel @p2 .LBB2_9-.Ltmp6, $4  }
0x127: {  	v30 =	vadd.s32 v2, v22;
	s18 =	sadd.s32 $0x1, s22;
	v22 =	vmov s16;
	v17 =	vbroadcast v17, $0x0;
	v28 =	vld [tilespmem:s2+$0xFFFFFF90];
	[tilespmem:v26+s12+$0x0] =	vst.idx.msk $0xffff, v32  }
0x128: {  	v23 =	vmov s18;
	v25 =	vshrl.u32 v22, $0x3;
	v24 =	vadd.s32 v13, v18;
	[tilespmem:v31+s12+$0x0] =	vst.idx.msk $0xffff, v34;
	v22 =	vld [tilespmem:s15+$0x40]  }
0x129: {  	v26 =	vshrl.u32 v23, $0x3;
	v32 =	vshll.u32 v25, v1;
	v25 =	vadd.s32 v5, v17;
	v23 =	vld [tilespmem:s15+$0xFFFFFFC0];
	[tilespmem:v37+s12+$0x0] =	vst.idx.msk $0xffff, v36  }
0x12a: {  	s31 =	sadd.s32 $0x8, s31;
	s16 =	sadd.s32 $0x4, s30;
	v31 =	vshll.u32 v26, v1;
	v26 =	vbroadcast v32, $0x0;
	[tilespmem:v21+s12+$0x0] =	vst.idx.msk $0xffff, v20;
	v20 =	vld [tilespmem:s17+$0x70];
	v21 =	vadd.s32 v16, v33  }
0x12b: {  	v32 =	vmov s16  }
0x12c: {  	v33 =	vmov s30;
	v32 =	vshrl.u32 v32, $0x3  }
0x12d: {  	v33 =	vshrl.u32 v33, $0x3;
	v32 =	vshll.u32 v32, v1  }
0x12e: {  	v33 =	vshll.u32 v33, v1;
	v32 =	vbroadcast v32, $0x0  }
0x12f: {  	s31 =	sadd.s32 $0x100, s2;
	v33 =	vbroadcast v33, $0x0  }
0x130: {  	v34 =	vld [tilespmem:s31+$0x0];
	v35 =	vadd.s32 v9, v32  }
0x131: {  	v36 =	vld [tilespmem:s31+$0xFFFFFF80];
	v37 =	vadd.s32 v0, v33;
	_ =	sdelay $0x3  }
0x132: {  	[tilespmem:v35+s12+$0x0] =	vst.idx.msk $0xffff, v34  }
0x133: {  	s16 =	sadd.s32 $0x5, s30;
	v32 =	vadd.s32 v10, v32;
	[tilespmem:v37+s12+$0x0] =	vst.idx.msk $0xffff, v36;
	v34 =	vld [tilespmem:s31+$0x10]  }
0x134: {  	s18 =	sadd.s32 $0x1, s30;
	v55 =	vmov s16;
	v33 =	vadd.s32 v2, v33;
	v54 =	vld [tilespmem:s31+$0xFFFFFF90]  }
0x135: {  	v56 =	vmov s18;
	v36 =	vshrl.u32 v55, $0x3  }
0x136: {  	v31 =	vbroadcast v31, $0x0;
	[tilespmem:v29+s12+$0x0] =	vst.idx.msk $0xffff, v27;
	v57 =	vshrl.u32 v56, $0x3;
	v58 =	vshll.u32 v36, v1  }
0x137: {  	[tilespmem:v30+s12+$0x0] =	vst.idx.msk $0xffff, v28;
	v59 =	vld [tilespmem:s2+$0x20];
	v60 =	vadd.s32 v11, v26;
	v27 =	vshll.u32 v57, v1;
	v29 =	vbroadcast v58, $0x0  }
0x138: {  	v61 =	vld [tilespmem:s2+$0xFFFFFFA0];
	v62 =	vadd.s32 v3, v31;
	v27 =	vbroadcast v27, $0x0;
	[tilespmem:v32+s12+$0x0] =	vst.idx.msk $0xffff, v34  }
0x139: {  	v63 =	vadd.s32 v11, v29;
	[tilespmem:v33+s12+$0x0] =	vst.idx.msk $0xffff, v54;
	v32 =	vld [tilespmem:s31+$0x20]  }
0x13a: {  	v41 =	vadd.s32 v3, v27;
	v40 =	vld [tilespmem:s31+$0xFFFFFFA0]  }
0x13b: {  	[tilespmem:v24+s12+$0x0] =	vst.idx.msk $0xffff, v22  }
0x13c: {  	v19 =	vadd.s32 v8, v19;
	v52 =	vld [tilespmem:s17+$0xFFFFFFF0];
	s16 =	sadd.s32 $0x6, s22;
	[tilespmem:v60+s12+$0x0] =	vst.idx.msk $0xffff, v59  }
0x13d: {  	v18 =	vadd.s32 v14, v18;
	s18 =	sadd.s32 $0x2, s22;
	v42 =	vadd.s32 v12, v26;
	v43 =	vmov s16;
	s16 =	sadd.s32 $0x6, s30;
	[tilespmem:v62+s12+$0x0] =	vst.idx.msk $0xffff, v61;
	v28 =	vld [tilespmem:s2+$0x30]  }
0x13e: {  	v44 =	vmov s18;
	s18 =	sadd.s32 $0x2, s30;
	v31 =	vadd.s32 v4, v31;
	v45 =	vmov s16;
	v46 =	vld [tilespmem:s2+$0xFFFFFFB0];
	[tilespmem:v63+s12+$0x0] =	vst.idx.msk $0xffff, v32  }
0x13f: {  	v38 =	vmov s18;
	v30 =	vshrl.u32 v43, $0x3;
	v29 =	vadd.s32 v12, v29;
	[tilespmem:v41+s12+$0x0] =	vst.idx.msk $0xffff, v40;
	v33 =	vld [tilespmem:s31+$0x30]  }
0x140: {  	v47 =	vshrl.u32 v44, $0x3;
	[tilespmem:v25+s12+$0x0] =	vst.idx.msk $0xffff, v23;
	v48 =	vshll.u32 v30, v1;
	v27 =	vadd.s32 v4, v27;
	v49 =	vld [tilespmem:s31+$0xFFFFFFB0]  }
0x141: {  	v22 =	vshll.u32 v47, v1;
	v51 =	vshrl.u32 v45, $0x3;
	v50 =	vbroadcast v48, $0x0;
	[tilespmem:v19+s12+$0x0] =	vst.idx.msk $0xffff, v52  }
0x142: {  	v53 =	vshrl.u32 v38, $0x3;
	v22 =	vbroadcast v22, $0x0;
	v24 =	vshll.u32 v51, v1;
	v19 =	vld [tilespmem:s15+$0x50];
	[tilespmem:v42+s12+$0x0] =	vst.idx.msk $0xffff, v28  }
0x143: {  	v26 =	vshll.u32 v53, v1;
	v24 =	vbroadcast v24, $0x0;
	[tilespmem:v31+s12+$0x0] =	vst.idx.msk $0xffff, v46;
	v28 =	vld [tilespmem:s2+$0x40];
	v54 =	vadd.s32 v13, v50  }
0x144: {  	v17 =	vadd.s32 v6, v17;
	v26 =	vbroadcast v26, $0x0;
	v57 =	vadd.s32 v5, v22;
	v56 =	vld [tilespmem:s2+$0xFFFFFFC0];
	[tilespmem:v29+s12+$0x0] =	vst.idx.msk $0xffff, v33  }
0x145: {  	s18 =	sadd.s32 $0x7, s19;
	v23 =	vadd.s32 v14, v50;
	v61 =	vadd.s32 v13, v24;
	[tilespmem:v27+s12+$0x0] =	vst.idx.msk $0xffff, v49;
	v60 =	vld [tilespmem:s31+$0x40]  }
0x146: {  	[tilespmem:v21+s12+$0x0] =	vst.idx.msk $0xffff, v20;
	v22 =	vadd.s32 v6, v22;
	v55 =	vmov s18;
	s18 =	sadd.s32 $0x7, s22;
	v36 =	vadd.s32 v5, v26;
	v63 =	vld [tilespmem:s31+$0xFFFFFFC0]  }
0x147: {  	s19 =	sadd.s32 $0x3, s19;
	v24 =	vadd.s32 v14, v24;
	[tilespmem:v18+s12+$0x0] =	vst.idx.msk $0xffff, v19;
	v59 =	vmov s18;
	v62 =	vshrl.u32 v55, $0x3  }
0x148: {  	v38 =	vld [tilespmem:s15+$0xFFFFFFD0];
	v26 =	vadd.s32 v6, v26;
	v58 =	vmov s19;
	v20 =	vshll.u32 v62, v1;
	s19 =	sadd.s32 $0x3, s22;
	[tilespmem:v54+s12+$0x0] =	vst.idx.msk $0xffff, v28  }
0x149: {  	s22 =	sadd.s32 $0x7, s30;
	s30 =	sadd.s32 $0x3, s30;
	v37 =	vshrl.u32 v58, $0x3;
	v20 =	vbroadcast v20, $0x0;
	v39 =	vmov s19;
	[tilespmem:v57+s12+$0x0] =	vst.idx.msk $0xffff, v56;
	v41 =	vld [tilespmem:s2+$0x50]  }
0x14a: {  	v42 =	vmov s30;
	v46 =	vshrl.u32 v59, $0x3;
	v25 =	vshll.u32 v37, v1;
	v44 =	vld [tilespmem:s2+$0xFFFFFFD0];
	[tilespmem:v61+s12+$0x0] =	vst.idx.msk $0xffff, v60  }
0x14b: {  	v18 =	vshrl.u32 v39, $0x3;
	v19 =	vshll.u32 v46, v1;
	v51 =	vshrl.u32 v42, $0x3;
	[tilespmem:v36+s12+$0x0] =	vst.idx.msk $0xffff, v63;
	v47 =	vld [tilespmem:s31+$0x50]  }
0x14c: {  	v25 =	vbroadcast v25, $0x0;
	v43 =	vadd.s32 v15, v20;
	v40 =	vmov s22;
	v48 =	vld [tilespmem:s31+$0xFFFFFFD0]  }
0x14d: {  	[tilespmem:v17+s12+$0x0] =	vst.idx.msk $0xffff, v38;
	v17 =	vld [tilespmem:s15+$0x60];
	v18 =	vshll.u32 v18, v1;
	v19 =	vbroadcast v19, $0x0;
	v49 =	vshrl.u32 v40, $0x3  }
0x14e: {  	v50 =	vld [tilespmem:s15+$0xFFFFFFE0];
	v18 =	vbroadcast v18, $0x0;
	v45 =	vadd.s32 v7, v25;
	[tilespmem:v23+s12+$0x0] =	vst.idx.msk $0xffff, v41;
	v29 =	vshll.u32 v49, v1  }
0x14f: {  	v53 =	vadd.s32 v15, v19;
	[tilespmem:v22+s12+$0x0] =	vst.idx.msk $0xffff, v44;
	v23 =	vshll.u32 v51, v1;
	v52 =	vld [tilespmem:s2+$0x60];
	v29 =	vbroadcast v29, $0x0  }
0x150: {  	v55 =	vadd.s32 v7, v18;
	v54 =	vld [tilespmem:s2+$0xFFFFFFE0];
	v23 =	vbroadcast v23, $0x0;
	[tilespmem:v24+s12+$0x0] =	vst.idx.msk $0xffff, v47  }
0x151: {  	v56 =	vadd.s32 v15, v29;
	[tilespmem:v26+s12+$0x0] =	vst.idx.msk $0xffff, v48;
	v24 =	vld [tilespmem:s31+$0x60]  }
0x152: {  	[tilespmem:v43+s12+$0x0] =	vst.idx.msk $0xffff, v17;
	v57 =	vadd.s32 v7, v23;
	v17 =	vld [tilespmem:s31+$0xFFFFFFE0]  }
0x153: {  	v20 =	vadd.s32 v16, v20;
	v58 =	vld [tilespmem:s15+$0x70];
	[tilespmem:v45+s12+$0x0] =	vst.idx.msk $0xffff, v50  }
0x154: {  	v25 =	vadd.s32 v8, v25;
	v59 =	vld [tilespmem:s15+$0xFFFFFFF0];
	[tilespmem:v53+s12+$0x0] =	vst.idx.msk $0xffff, v52  }
0x155: {  	v19 =	vadd.s32 v16, v19;
	[tilespmem:v55+s12+$0x0] =	vst.idx.msk $0xffff, v54;
	v22 =	vld [tilespmem:s2+$0x70]  }
0x156: {  	v18 =	vadd.s32 v8, v18;
	v60 =	vld [tilespmem:s2+$0xFFFFFFF0];
	[tilespmem:v56+s12+$0x0] =	vst.idx.msk $0xffff, v24  }
0x157: {  	v61 =	vadd.s32 v16, v29;
	[tilespmem:v57+s12+$0x0] =	vst.idx.msk $0xffff, v17;
	v17 =	vld [tilespmem:s31+$0x70]  }
0x158: {  	[tilespmem:v20+s12+$0x0] =	vst.idx.msk $0xffff, v58;
	v63 =	vadd.s32 v8, v23;
	v62 =	vld [tilespmem:s31+$0xFFFFFFF0]  }
0x159: {  	[tilespmem:v25+s12+$0x0] =	vst.idx.msk $0xffff, v59  }
0x15a: {  	[tilespmem:v19+s12+$0x0] =	vst.idx.msk $0xffff, v22  }
0x15b: {  	[tilespmem:v18+s12+$0x0] =	vst.idx.msk $0xffff, v60  }
0x15c: {  	[tilespmem:v61+s12+$0x0] =	vst.idx.msk $0xffff, v17  }
0x15d: {  	s2 =	sadd.s32 s14, s7;
	[tilespmem:v63+s12+$0x0] =	vst.idx.msk $0xffff, v62  }
0x15e: {  	[hbm4b:s2+s3] =	stream.linear.scatter [tilespmem:s12], [sflag:$0x6], $0x80, $0x38;
	[tilespmem:$0xE800] =	vst v63  }
0x15f: {  	s18 =	simm.s32 $0xB588;
	s17 =	sadd.s32 $0x10, s2  }
0x160: {  	[hbm4b:s17+s3] =	stream.linear.scatter [tilespmem:s18], [sflag:$0x6], $0x80, $0x38;
	[tilespmem:$0xE800] =	vst v63  }
0x161: {  	s22 =	simm.s32 $0xB610;
	s19 =	sadd.s32 $0x20, s2  }
0x162: {  	[hbm4b:s19+s3] =	stream.linear.scatter [tilespmem:s22], [sflag:$0x6], $0x80, $0x38;
	[tilespmem:$0xE800] =	vst v63  }
0x163: {  	s30 =	sadd.s32 $0x30, s2;
	s31 =	simm.s32 $0xB698  }
0x164: {  	[hbm4b:s30+s3] =	stream.linear.scatter [tilespmem:s31], [sflag:$0x6], $0x80, $0x38;
	[tilespmem:$0xE800] =	vst v63  }
0x165: {  	s17 =	sadd.s32 $0x40, s2;
	s18 =	simm.s32 $0xB720  }
0x166: {  	[hbm4b:s17+s3] =	stream.linear.scatter [tilespmem:s18], [sflag:$0x6], $0x80, $0x38;
	[tilespmem:$0xE800] =	vst v63  }
0x167: {  	s19 =	sadd.s32 $0x50, s2;
	s22 =	simm.s32 $0xB7A8  }
0x168: {  	[hbm4b:s19+s3] =	stream.linear.scatter [tilespmem:s22], [sflag:$0x6], $0x80, $0x38;
	[tilespmem:$0xE800] =	vst v63  }
0x169: {  	s30 =	sadd.s32 $0x60, s2;
	s31 =	simm.s32 $0xB830  }
0x16a: {  	[hbm4b:s30+s3] =	stream.linear.scatter [tilespmem:s31], [sflag:$0x6], $0x80, $0x38;
	[tilespmem:$0xE800] =	vst v63  }
0x16b: {  	s17 =	sadd.s32 $0x70, s2;
	s18 =	simm.s32 $0xB8B8  }
0x16c: {  	[hbm4b:s17+s3] =	stream.linear.scatter [tilespmem:s18], [sflag:$0x6], $0x80, $0x38;
	[tilespmem:$0xE800] =	vst v63  }
0x16d: {  	s19 =	sadd.s32 $0x1000, s2;
	s22 =	simm.s32 $0xB940  }
0x16e: {  	[hbm4b:s19+s3] =	stream.linear.scatter [tilespmem:s22], [sflag:$0x6], $0x80, $0x38;
	[tilespmem:$0xE800] =	vst v63  }
0x16f: {  	s30 =	sadd.s32 $0x1010, s2;
	s31 =	simm.s32 $0xB9C8  }
0x170: {  	[hbm4b:s30+s3] =	stream.linear.scatter [tilespmem:s31], [sflag:$0x6], $0x80, $0x38;
	[tilespmem:$0xE800] =	vst v63  }
0x171: {  	s17 =	sadd.s32 $0x1020, s2;
	s18 =	simm.s32 $0xBA50  }
0x172: {  	[hbm4b:s17+s3] =	stream.linear.scatter [tilespmem:s18], [sflag:$0x6], $0x80, $0x38;
	[tilespmem:$0xE800] =	vst v63  }
0x173: {  	s19 =	sadd.s32 $0x1030, s2;
	s22 =	simm.s32 $0xBAD8  }
0x174: {  	[hbm4b:s19+s3] =	stream.linear.scatter [tilespmem:s22], [sflag:$0x6], $0x80, $0x38;
	[tilespmem:$0xE800] =	vst v63  }
0x175: {  	s30 =	sadd.s32 $0x1040, s2;
	s31 =	simm.s32 $0xBB60  }
0x176: {  	[hbm4b:s30+s3] =	stream.linear.scatter [tilespmem:s31], [sflag:$0x6], $0x80, $0x38;
	[tilespmem:$0xE800] =	vst v63  }
0x177: {  	s17 =	sadd.s32 $0x1050, s2;
	s18 =	simm.s32 $0xBBE8  }
0x178: {  	[hbm4b:s17+s3] =	stream.linear.scatter [tilespmem:s18], [sflag:$0x6], $0x80, $0x38;
	[tilespmem:$0xE800] =	vst v63  }
0x179: {  	s19 =	sadd.s32 $0x1060, s2;
	s22 =	simm.s32 $0xBC70  }
0x17a: {  	[hbm4b:s19+s3] =	stream.linear.scatter [tilespmem:s22], [sflag:$0x6], $0x80, $0x38;
	[tilespmem:$0xE800] =	vst v63  }
0x17b: {  	s30 =	sadd.s32 $0x1070, s2;
	s31 =	simm.s32 $0xBCF8  }
0x17c: {  	[hbm4b:s30+s3] =	stream.linear.scatter [tilespmem:s31], [sflag:$0x6], $0x80, $0x38;
	[tilespmem:$0xE800] =	vst v63  }
0x17d: {  	s17 =	sadd.s32 $0x2000, s2;
	s18 =	simm.s32 $0xBD80  }
0x17e: {  	[hbm4b:s17+s3] =	stream.linear.scatter [tilespmem:s18], [sflag:$0x6], $0x80, $0x38;
	[tilespmem:$0xE800] =	vst v63  }
0x17f: {  	s19 =	sadd.s32 $0x2010, s2;
	s22 =	simm.s32 $0xBE08  }
0x180: {  	[hbm4b:s19+s3] =	stream.linear.scatter [tilespmem:s22], [sflag:$0x6], $0x80, $0x38;
	[tilespmem:$0xE800] =	vst v63  }
0x181: {  	s30 =	sadd.s32 $0x2020, s2;
	s31 =	simm.s32 $0xBE90  }
0x182: {  	[hbm4b:s30+s3] =	stream.linear.scatter [tilespmem:s31], [sflag:$0x6], $0x80, $0x38;
	[tilespmem:$0xE800] =	vst v63  }
0x183: {  	s17 =	sadd.s32 $0x2030, s2;
	s18 =	simm.s32 $0xBF18  }
0x184: {  	[hbm4b:s17+s3] =	stream.linear.scatter [tilespmem:s18], [sflag:$0x6], $0x80, $0x38;
	[tilespmem:$0xE800] =	vst v63  }
0x185: {  	s19 =	sadd.s32 $0x2040, s2;
	s22 =	simm.s32 $0xBFA0  }
0x186: {  	[hbm4b:s19+s3] =	stream.linear.scatter [tilespmem:s22], [sflag:$0x6], $0x80, $0x38;
	[tilespmem:$0xE800] =	vst v63  }
0x187: {  	s30 =	sadd.s32 $0x2050, s2;
	s31 =	simm.s32 $0xC028  }
0x188: {  	[hbm4b:s30+s3] =	stream.linear.scatter [tilespmem:s31], [sflag:$0x6], $0x80, $0x38;
	[tilespmem:$0xE800] =	vst v63  }
0x189: {  	s17 =	sadd.s32 $0x2060, s2;
	s18 =	simm.s32 $0xC0B0  }
0x18a: {  	[hbm4b:s17+s3] =	stream.linear.scatter [tilespmem:s18], [sflag:$0x6], $0x80, $0x38;
	[tilespmem:$0xE800] =	vst v63  }
0x18b: {  	s19 =	sadd.s32 $0x2070, s2;
	s22 =	simm.s32 $0xC138  }
0x18c: {  	[hbm4b:s19+s3] =	stream.linear.scatter [tilespmem:s22], [sflag:$0x6], $0x80, $0x38;
	[tilespmem:$0xE800] =	vst v63  }
0x18d: {  	s30 =	sadd.s32 $0x3000, s2;
	s31 =	simm.s32 $0xC1C0  }
0x18e: {  	[hbm4b:s30+s3] =	stream.linear.scatter [tilespmem:s31], [sflag:$0x6], $0x80, $0x38;
	[tilespmem:$0xE800] =	vst v63  }
0x18f: {  	s17 =	sadd.s32 $0x3010, s2;
	s18 =	simm.s32 $0xC248  }
0x190: {  	[hbm4b:s17+s3] =	stream.linear.scatter [tilespmem:s18], [sflag:$0x6], $0x80, $0x38;
	[tilespmem:$0xE800] =	vst v63  }
0x191: {  	s19 =	sadd.s32 $0x3020, s2;
	s22 =	simm.s32 $0xC2D0  }
0x192: {  	[hbm4b:s19+s3] =	stream.linear.scatter [tilespmem:s22], [sflag:$0x6], $0x80, $0x38;
	[tilespmem:$0xE800] =	vst v63  }
0x193: {  	s30 =	sadd.s32 $0x3030, s2;
	s31 =	simm.s32 $0xC358  }
0x194: {  	[hbm4b:s30+s3] =	stream.linear.scatter [tilespmem:s31], [sflag:$0x6], $0x80, $0x38;
	[tilespmem:$0xE800] =	vst v63  }
0x195: {  	s16 =	sadd.s32 $0x3040, s2;
	s17 =	simm.s32 $0xC3E0  }
0x196: {  	[hbm4b:s16+s3] =	stream.linear.scatter [tilespmem:s17], [sflag:$0x6], $0x80, $0x38;
	[tilespmem:$0xE800] =	vst v63  }
0x197: {  	s18 =	sadd.s32 $0x3050, s2;
	s19 =	simm.s32 $0xC468  }
0x198: {  	[hbm4b:s18+s3] =	stream.linear.scatter [tilespmem:s19], [sflag:$0x6], $0x80, $0x38;
	[tilespmem:$0xE800] =	vst v63  }
.Ltmp7:
0x199: {  	_ = 	snop;
	(pc) =	sbr.rel @p1 .LBB2_12-.Ltmp7, $4  }
0x19a: {  	s22 =	sadd.s32 $0x3060, s2;
	s30 =	simm.s32 $0xC4F0  }
0x19b: {  	[hbm4b:s22+s3] =	stream.linear.scatter [tilespmem:s30], [sflag:$0x6], $0x80, $0x38;
	[tilespmem:$0xE800] =	vst v63  }
0x19c: {  	s2 =	sadd.s32 $0x3070, s2;
	s31 =	simm.s32 $0xC578  }
0x19d: {  	[hbm4b:s2+s3] =	stream.linear.scatter [tilespmem:s31], [sflag:$0x6], $0x80, $0x38;
	[tilespmem:$0xE800] =	vst v63  }
.Ltmp8:
0x19e: {  	(pc) =	sbr.rel .LBB2_13-.Ltmp8, $4  }
0x19f: {  	_ = 	snop  }
0x1a0: {  	_ =	swait.ge [sflag:s24], $0x1000  }
0x1a1: {  	[sflag:s24] =	ssyncset.done $0x0  }
0x1a2: {  	[sflag:s24] =	ssyncadd.s32 $0xFFFFF000  }
.LBB2_12:
0x1a3: {  	s2 =	sshrl.u32 s13, $0x2  }
.Ltmp9:
0x1a4: {  	s15 =	simm.s32 $0x7400;
	s2 =	sadd.s32 $0x280, s2;
	(pc) =	sbr.rel @p0 .LBB2_14-.Ltmp9, $4  }
0x1a5: {  	[tilespmem:s15], [sflag:$0x2] =	stream.indirect.gather [hbm4b:s4+s11], $0x20, s2, s11, $0xb8;
	[tilespmem:$0xE800] =	vst v63  }
0x1a6: {  	_ =	swait.ge [sflag:s24], $0x1000  }
0x1a7: {  	[sflag:s24] =	ssyncset.done $0x0  }
0x1a8: {  	[sflag:s24] =	ssyncadd.s32 $0xFFFFF000  }
.LBB2_13:
0x1a9: {  	_ =	swait.ge [sflag:s25], $0x1000  }
0x1aa: {  	[sflag:s25] =	ssyncset.done $0x0  }
0x1ab: {  	[sflag:s25] =	ssyncadd.s32 $0xFFFFF000  }
.LBB2_14:
0x1ac: {  	s2 =	simm.s32 $0x4  }
0x1ad: {  	s15 =	simm.s32 $0x0;
	v17 =	vmov s2  }
0x1ae: {  	v18 =	vmov s15;
	v17 =	vshrl.u32 v17, $0x3  }
0x1af: {  	v18 =	vshrl.u32 v18, $0x3;
	v17 =	vshll.u32 v17, v1  }
0x1b0: {  	v18 =	vshll.u32 v18, v1;
	v17 =	vbroadcast v17, $0x0  }
0x1b1: {  	s17 =	simm.s32 $0x8480;
	v18 =	vbroadcast v18, $0x0  }
0x1b2: {  	v19 =	vld [tilespmem:s17+$0x0];
	v20 =	vadd.s32 v9, v17  }
0x1b3: {  	v21 =	vld [tilespmem:s17+$0xFFFFFF80];
	v22 =	vadd.s32 v0, v18;
	_ =	sdelay $0x3  }
0x1b4: {  	[tilespmem:v20+s26+$0x0] =	vst.idx.msk $0xffff, v19  }
0x1b5: {  	s15 =	simm.s32 $0x5;
	v17 =	vadd.s32 v10, v17;
	[tilespmem:v22+s26+$0x0] =	vst.idx.msk $0xffff, v21;
	v19 =	vld [tilespmem:s17+$0x10]  }
0x1b6: {  	s16 =	simm.s32 $0x1;
	v18 =	vadd.s32 v2, v18;
	v21 =	vmov s15;
	v20 =	vld [tilespmem:s17+$0xFFFFFF90]  }
0x1b7: {  	v22 =	vmov s16;
	v21 =	vshrl.u32 v21, $0x3  }
0x1b8: {  	v22 =	vshrl.u32 v22, $0x3;
	v21 =	vshll.u32 v21, v1  }
0x1b9: {  	s18 =	simm.s32 $0xC;
	v22 =	vshll.u32 v22, v1;
	v21 =	vbroadcast v21, $0x0  }
0x1ba: {  	s19 =	simm.s32 $0x8;
	v23 =	vmov s18;
	v22 =	vbroadcast v22, $0x0;
	[tilespmem:v17+s26+$0x0] =	vst.idx.msk $0xffff, v19  }
0x1bb: {  	v17 =	vmov s19;
	v19 =	vshrl.u32 v23, $0x3;
	[tilespmem:v18+s26+$0x0] =	vst.idx.msk $0xffff, v20;
	v20 =	vadd.s32 v11, v21;
	v18 =	vld [tilespmem:s17+$0x20]  }
0x1bc: {  	v24 =	vadd.s32 v3, v22;
	v17 =	vshrl.u32 v17, $0x3;
	v19 =	vshll.u32 v19, v1;
	v23 =	vld [tilespmem:s17+$0xFFFFFFA0]  }
0x1bd: {  	v17 =	vshll.u32 v17, v1;
	v19 =	vbroadcast v19, $0x0  }
0x1be: {  	s15 =	simm.s32 $0x8580;
	v17 =	vbroadcast v17, $0x0  }
0x1bf: {  	v25 =	vld [tilespmem:s15+$0x0];
	v26 =	vadd.s32 v9, v19  }
0x1c0: {  	v27 =	vld [tilespmem:s15+$0xFFFFFF80];
	v28 =	vadd.s32 v0, v17;
	[tilespmem:v20+s26+$0x0] =	vst.idx.msk $0xffff, v18  }
0x1c1: {  	s22 =	simm.s32 $0x6;
	[tilespmem:v24+s26+$0x0] =	vst.idx.msk $0xffff, v23;
	v20 =	vadd.s32 v12, v21;
	v18 =	vld [tilespmem:s17+$0x30]  }
0x1c2: {  	s16 =	simm.s32 $0x2;
	v22 =	vadd.s32 v4, v22;
	v23 =	vmov s22;
	v21 =	vld [tilespmem:s17+$0xFFFFFFB0]  }
0x1c3: {  	v24 =	vmov s16;
	v23 =	vshrl.u32 v23, $0x3  }
0x1c4: {  	v24 =	vshrl.u32 v24, $0x3;
	v23 =	vshll.u32 v23, v1;
	[tilespmem:v26+s26+$0x0] =	vst.idx.msk $0xffff, v25  }
0x1c5: {  	s18 =	simm.s32 $0xD;
	v19 =	vadd.s32 v10, v19;
	v24 =	vshll.u32 v24, v1;
	v23 =	vbroadcast v23, $0x0;
	[tilespmem:v28+s26+$0x0] =	vst.idx.msk $0xffff, v27;
	v25 =	vld [tilespmem:s15+$0x10]  }
0x1c6: {  	v17 =	vadd.s32 v2, v17;
	s22 =	simm.s32 $0x9;
	v24 =	vbroadcast v24, $0x0;
	v27 =	vmov s18;
	v26 =	vld [tilespmem:s15+$0xFFFFFF90];
	[tilespmem:v20+s26+$0x0] =	vst.idx.msk $0xffff, v18  }
0x1c7: {  	v18 =	vmov s22;
	v20 =	vshrl.u32 v27, $0x3;
	[tilespmem:v22+s26+$0x0] =	vst.idx.msk $0xffff, v21;
	v22 =	vadd.s32 v13, v23;
	v21 =	vld [tilespmem:s17+$0x40]  }
0x1c8: {  	v28 =	vadd.s32 v5, v24;
	v18 =	vshrl.u32 v18, $0x3;
	v20 =	vshll.u32 v20, v1;
	v27 =	vld [tilespmem:s17+$0xFFFFFFC0]  }
0x1c9: {  	s18 =	simm.s32 $0x14;
	v18 =	vshll.u32 v18, v1;
	v20 =	vbroadcast v20, $0x0  }
0x1ca: {  	v29 =	vmov s18;
	s22 =	simm.s32 $0x10;
	v18 =	vbroadcast v18, $0x0;
	[tilespmem:v19+s26+$0x0] =	vst.idx.msk $0xffff, v25  }
0x1cb: {  	v19 =	vmov s22;
	v25 =	vshrl.u32 v29, $0x3;
	[tilespmem:v17+s26+$0x0] =	vst.idx.msk $0xffff, v26;
	v17 =	vld [tilespmem:s15+$0x20];
	v26 =	vadd.s32 v11, v20  }
0x1cc: {  	v19 =	vshrl.u32 v19, $0x3;
	v25 =	vshll.u32 v25, v1;
	v29 =	vld [tilespmem:s15+$0xFFFFFFA0];
	v30 =	vadd.s32 v3, v18;
	[tilespmem:v22+s26+$0x0] =	vst.idx.msk $0xffff, v21  }
0x1cd: {  	s16 =	simm.s32 $0x7;
	v23 =	vadd.s32 v14, v23;
	v19 =	vshll.u32 v19, v1;
	v21 =	vbroadcast v25, $0x0;
	[tilespmem:v28+s26+$0x0] =	vst.idx.msk $0xffff, v27;
	v22 =	vld [tilespmem:s17+$0x50]  }
0x1ce: {  	s2 =	simm.s32 $0x8680;
	v24 =	vadd.s32 v6, v24;
	s18 =	simm.s32 $0x3;
	v25 =	vbroadcast v19, $0x0;
	v19 =	vmov s16;
	v27 =	vld [tilespmem:s17+$0xFFFFFFD0]  }
0x1cf: {  	v32 =	vmov s18;
	v28 =	vld [tilespmem:s2+$0x0];
	v19 =	vshrl.u32 v19, $0x3;
	v31 =	vadd.s32 v9, v21  }
0x1d0: {  	v33 =	vld [tilespmem:s2+$0xFFFFFF80];
	v34 =	vadd.s32 v0, v25;
	v19 =	vshll.u32 v19, v1;
	[tilespmem:v26+s26+$0x0] =	vst.idx.msk $0xffff, v17;
	v17 =	vshrl.u32 v32, $0x3  }
0x1d1: {  	v20 =	vadd.s32 v12, v20;
	s16 =	simm.s32 $0xE;
	v63 =	vbroadcast v19, $0x0;
	[tilespmem:v30+s26+$0x0] =	vst.idx.msk $0xffff, v29;
	v26 =	vld [tilespmem:s15+$0x30];
	v17 =	vshll.u32 v17, v1  }
0x1d2: {  	s18 =	simm.s32 $0xA;
	v36 =	vadd.s32 v4, v18;
	v18 =	vmov s16;
	v35 =	vld [tilespmem:s15+$0xFFFFFFB0];
	v19 =	vbroadcast v17, $0x0;
	[tilespmem:v23+s26+$0x0] =	vst.idx.msk $0xffff, v22  }
0x1d3: {  	v18 =	vshrl.u32 v18, $0x3;
	v17 =	vmov s18;
	v38 =	vadd.s32 v15, v63;
	[tilespmem:v24+s26+$0x0] =	vst.idx.msk $0xffff, v27;
	v37 =	vld [tilespmem:s17+$0x60]  }
0x1d4: {  	v18 =	vshll.u32 v18, v1;
	v17 =	vshrl.u32 v17, $0x3;
	[tilespmem:v31+s26+$0x0] =	vst.idx.msk $0xffff, v28;
	v39 =	vld [tilespmem:s17+$0xFFFFFFE0];
	v40 =	vadd.s32 v7, v19  }
0x1d5: {  	s16 =	simm.s32 $0x15;
	v29 =	vadd.s32 v10, v21;
	v18 =	vbroadcast v18, $0x0;
	[tilespmem:v34+s26+$0x0] =	vst.idx.msk $0xffff, v33;
	v17 =	vshll.u32 v17, v1;
	v27 =	vld [tilespmem:s2+$0x10]  }
0x1d6: {  	v30 =	vadd.s32 v2, v25;
	v21 =	vmov s16;
	s18 =	simm.s32 $0x11;
	v28 =	vld [tilespmem:s2+$0xFFFFFF90];
	v17 =	vbroadcast v17, $0x0;
	[tilespmem:v20+s26+$0x0] =	vst.idx.msk $0xffff, v26  }
0x1d7: {  	v21 =	vshrl.u32 v21, $0x3;
	v24 =	vadd.s32 v13, v18;
	v20 =	vmov s18;
	[tilespmem:v36+s26+$0x0] =	vst.idx.msk $0xffff, v35;
	v22 =	vld [tilespmem:s15+$0x40]  }
0x1d8: {  	v21 =	vshll.u32 v21, v1;
	v20 =	vshrl.u32 v20, $0x3;
	v25 =	vadd.s32 v5, v17;
	v23 =	vld [tilespmem:s15+$0xFFFFFFC0];
	[tilespmem:v38+s26+$0x0] =	vst.idx.msk $0xffff, v37  }
0x1d9: {  	s30 =	simm.s32 $0x18;
	s31 =	simm.s32 $0x20;
	s16 =	simm.s32 $0x1C;
	v26 =	vbroadcast v21, $0x0;
	v21 =	vadd.s32 v16, v63;
	v31 =	vshll.u32 v20, v1;
	[tilespmem:v40+s26+$0x0] =	vst.idx.msk $0xffff, v39;
	v20 =	vld [tilespmem:s17+$0x70]  }
.LBB2_15:
0x1da: {  	p2 =	slt.u32 s31, $0x78;
	v32 =	vmov s16;
	v31 =	vbroadcast v31, $0x0;
	[tilespmem:v29+s26+$0x0] =	vst.idx.msk $0xffff, v27;
	v27 =	vld [tilespmem:s17+$0xFFFFFFF0];
	v19 =	vadd.s32 v8, v19;
	s17 =	smov.u32 s15;
	s15 =	smov.u32 s2  }
0x1db: {  	v29 =	vmov s30;
	v32 =	vshrl.u32 v32, $0x3;
	[tilespmem:v30+s26+$0x0] =	vst.idx.msk $0xffff, v28;
	v28 =	vld [tilespmem:s2+$0x20];
	v30 =	vadd.s32 v11, v26  }
0x1dc: {  	v29 =	vshrl.u32 v29, $0x3;
	v32 =	vshll.u32 v32, v1;
	v33 =	vld [tilespmem:s2+$0xFFFFFFA0];
	v34 =	vadd.s32 v3, v31;
	[tilespmem:v24+s26+$0x0] =	vst.idx.msk $0xffff, v22  }
0x1dd: {  	v18 =	vadd.s32 v14, v18;
	s16 =	sadd.s32 $0x7, s19;
	v22 =	vshll.u32 v29, v1;
	v24 =	vbroadcast v32, $0x0;
	[tilespmem:v25+s26+$0x0] =	vst.idx.msk $0xffff, v23;
	v23 =	vld [tilespmem:s17+$0x50]  }
0x1de: {  	v17 =	vadd.s32 v6, v17;
	s18 =	sadd.s32 $0x3, s19;
	s19 =	smov.u32 s22;
	s2 =	sadd.s32 $0x100, s2;
	v29 =	vmov s16;
	v22 =	vbroadcast v22, $0x0;
	v25 =	vld [tilespmem:s17+$0xFFFFFFD0];
	[tilespmem:v21+s26+$0x0] =	vst.idx.msk $0xffff, v20  }
0x1df: {  	s22 =	smov.u32 s30;
	s30 =	smov.u32 s31;
	v32 =	vmov s18;
	v29 =	vshrl.u32 v29, $0x3;
	v20 =	vld [tilespmem:s2+$0x0];
	v21 =	vadd.s32 v9, v24;
	[tilespmem:v19+s26+$0x0] =	vst.idx.msk $0xffff, v27  }
0x1e0: {  	v35 =	vadd.s32 v0, v22;
	v19 =	vshrl.u32 v32, $0x3;
	v27 =	vld [tilespmem:s2+$0xFFFFFF80];
	[tilespmem:v30+s26+$0x0] =	vst.idx.msk $0xffff, v28;
	v28 =	vshll.u32 v29, v1  }
0x1e1: {  	v26 =	vadd.s32 v12, v26;
	s16 =	sadd.s32 $0x6, s19;
	v19 =	vshll.u32 v19, v1;
	[tilespmem:v34+s26+$0x0] =	vst.idx.msk $0xffff, v33;
	v32 =	vld [tilespmem:s15+$0x30];
	v33 =	vbroadcast v28, $0x0  }
0x1e2: {  	v31 =	vadd.s32 v4, v31;
	s18 =	sadd.s32 $0x2, s19;
	v28 =	vmov s16;
	v19 =	vbroadcast v19, $0x0;
	v34 =	vld [tilespmem:s15+$0xFFFFFFB0];
	[tilespmem:v18+s26+$0x0] =	vst.idx.msk $0xffff, v23  }
0x1e3: {  	v18 =	vmov s18;
	v23 =	vshrl.u32 v28, $0x3;
	[tilespmem:v17+s26+$0x0] =	vst.idx.msk $0xffff, v25;
	v36 =	vld [tilespmem:s17+$0x60];
	v37 =	vadd.s32 v15, v33  }
0x1e4: {  	v17 =	vshrl.u32 v18, $0x3;
	v18 =	vshll.u32 v23, v1;
	[tilespmem:v21+s26+$0x0] =	vst.idx.msk $0xffff, v20;
	v20 =	vld [tilespmem:s17+$0xFFFFFFE0];
	v21 =	vadd.s32 v7, v19  }
.Ltmp10:
0x1e5: {  	v29 =	vadd.s32 v10, v24;
	s16 =	sadd.s32 $0x5, s22;
	v17 =	vshll.u32 v17, v1;
	v18 =	vbroadcast v18, $0x0;
	[tilespmem:v35+s26+$0x0] =	vst.idx.msk $0xffff, v27;
	v27 =	vld [tilespmem:s2+$0x10];
	(pc) =	sbr.rel @p2 .LBB2_15-.Ltmp10, $4  }
0x1e6: {  	v30 =	vadd.s32 v2, v22;
	s18 =	sadd.s32 $0x1, s22;
	v22 =	vmov s16;
	v17 =	vbroadcast v17, $0x0;
	v28 =	vld [tilespmem:s2+$0xFFFFFF90];
	[tilespmem:v26+s26+$0x0] =	vst.idx.msk $0xffff, v32  }
0x1e7: {  	v23 =	vmov s18;
	v25 =	vshrl.u32 v22, $0x3;
	v24 =	vadd.s32 v13, v18;
	[tilespmem:v31+s26+$0x0] =	vst.idx.msk $0xffff, v34;
	v22 =	vld [tilespmem:s15+$0x40]  }
0x1e8: {  	v26 =	vshrl.u32 v23, $0x3;
	v32 =	vshll.u32 v25, v1;
	v25 =	vadd.s32 v5, v17;
	v23 =	vld [tilespmem:s15+$0xFFFFFFC0];
	[tilespmem:v37+s26+$0x0] =	vst.idx.msk $0xffff, v36  }
0x1e9: {  	s31 =	sadd.s32 $0x8, s31;
	s16 =	sadd.s32 $0x4, s30;
	v31 =	vshll.u32 v26, v1;
	v26 =	vbroadcast v32, $0x0;
	[tilespmem:v21+s26+$0x0] =	vst.idx.msk $0xffff, v20;
	v20 =	vld [tilespmem:s17+$0x70];
	v21 =	vadd.s32 v16, v33  }
0x1ea: {  	v32 =	vmov s16  }
0x1eb: {  	v33 =	vmov s30;
	v32 =	vshrl.u32 v32, $0x3  }
0x1ec: {  	v33 =	vshrl.u32 v33, $0x3;
	v32 =	vshll.u32 v32, v1  }
0x1ed: {  	v33 =	vshll.u32 v33, v1;
	v32 =	vbroadcast v32, $0x0  }
0x1ee: {  	s31 =	sadd.s32 $0x100, s2;
	v33 =	vbroadcast v33, $0x0  }
0x1ef: {  	v34 =	vld [tilespmem:s31+$0x0];
	v35 =	vadd.s32 v9, v32  }
0x1f0: {  	v36 =	vld [tilespmem:s31+$0xFFFFFF80];
	v37 =	vadd.s32 v0, v33;
	_ =	sdelay $0x3  }
0x1f1: {  	[tilespmem:v35+s26+$0x0] =	vst.idx.msk $0xffff, v34  }
0x1f2: {  	s16 =	sadd.s32 $0x5, s30;
	v32 =	vadd.s32 v10, v32;
	[tilespmem:v37+s26+$0x0] =	vst.idx.msk $0xffff, v36;
	v34 =	vld [tilespmem:s31+$0x10]  }
0x1f3: {  	s18 =	sadd.s32 $0x1, s30;
	v55 =	vmov s16;
	v33 =	vadd.s32 v2, v33;
	v54 =	vld [tilespmem:s31+$0xFFFFFF90]  }
0x1f4: {  	v56 =	vmov s18;
	v36 =	vshrl.u32 v55, $0x3  }
0x1f5: {  	v31 =	vbroadcast v31, $0x0;
	[tilespmem:v29+s26+$0x0] =	vst.idx.msk $0xffff, v27;
	v57 =	vshrl.u32 v56, $0x3;
	v58 =	vshll.u32 v36, v1  }
0x1f6: {  	[tilespmem:v30+s26+$0x0] =	vst.idx.msk $0xffff, v28;
	v59 =	vld [tilespmem:s2+$0x20];
	v60 =	vadd.s32 v11, v26;
	v27 =	vshll.u32 v57, v1;
	v29 =	vbroadcast v58, $0x0  }
0x1f7: {  	v61 =	vld [tilespmem:s2+$0xFFFFFFA0];
	v62 =	vadd.s32 v3, v31;
	v27 =	vbroadcast v27, $0x0;
	[tilespmem:v32+s26+$0x0] =	vst.idx.msk $0xffff, v34  }
0x1f8: {  	v63 =	vadd.s32 v11, v29;
	[tilespmem:v33+s26+$0x0] =	vst.idx.msk $0xffff, v54;
	v32 =	vld [tilespmem:s31+$0x20]  }
0x1f9: {  	v41 =	vadd.s32 v3, v27;
	v40 =	vld [tilespmem:s31+$0xFFFFFFA0]  }
0x1fa: {  	[tilespmem:v24+s26+$0x0] =	vst.idx.msk $0xffff, v22  }
0x1fb: {  	v19 =	vadd.s32 v8, v19;
	v52 =	vld [tilespmem:s17+$0xFFFFFFF0];
	s16 =	sadd.s32 $0x6, s22;
	[tilespmem:v60+s26+$0x0] =	vst.idx.msk $0xffff, v59  }
0x1fc: {  	v18 =	vadd.s32 v14, v18;
	s18 =	sadd.s32 $0x2, s22;
	v42 =	vadd.s32 v12, v26;
	v43 =	vmov s16;
	s16 =	sadd.s32 $0x6, s30;
	[tilespmem:v62+s26+$0x0] =	vst.idx.msk $0xffff, v61;
	v28 =	vld [tilespmem:s2+$0x30]  }
0x1fd: {  	v44 =	vmov s18;
	s18 =	sadd.s32 $0x2, s30;
	v31 =	vadd.s32 v4, v31;
	v45 =	vmov s16;
	v46 =	vld [tilespmem:s2+$0xFFFFFFB0];
	[tilespmem:v63+s26+$0x0] =	vst.idx.msk $0xffff, v32  }
0x1fe: {  	v38 =	vmov s18;
	v30 =	vshrl.u32 v43, $0x3;
	v29 =	vadd.s32 v12, v29;
	[tilespmem:v41+s26+$0x0] =	vst.idx.msk $0xffff, v40;
	v33 =	vld [tilespmem:s31+$0x30]  }
0x1ff: {  	v47 =	vshrl.u32 v44, $0x3;
	[tilespmem:v25+s26+$0x0] =	vst.idx.msk $0xffff, v23;
	v48 =	vshll.u32 v30, v1;
	v27 =	vadd.s32 v4, v27;
	v49 =	vld [tilespmem:s31+$0xFFFFFFB0]  }
0x200: {  	v22 =	vshll.u32 v47, v1;
	v51 =	vshrl.u32 v45, $0x3;
	v50 =	vbroadcast v48, $0x0;
	[tilespmem:v19+s26+$0x0] =	vst.idx.msk $0xffff, v52  }
0x201: {  	v53 =	vshrl.u32 v38, $0x3;
	v22 =	vbroadcast v22, $0x0;
	v24 =	vshll.u32 v51, v1;
	v19 =	vld [tilespmem:s15+$0x50];
	[tilespmem:v42+s26+$0x0] =	vst.idx.msk $0xffff, v28  }
0x202: {  	v26 =	vshll.u32 v53, v1;
	v24 =	vbroadcast v24, $0x0;
	[tilespmem:v31+s26+$0x0] =	vst.idx.msk $0xffff, v46;
	v28 =	vld [tilespmem:s2+$0x40];
	v54 =	vadd.s32 v13, v50  }
0x203: {  	v17 =	vadd.s32 v6, v17;
	v26 =	vbroadcast v26, $0x0;
	v57 =	vadd.s32 v5, v22;
	v56 =	vld [tilespmem:s2+$0xFFFFFFC0];
	[tilespmem:v29+s26+$0x0] =	vst.idx.msk $0xffff, v33  }
0x204: {  	s18 =	sadd.s32 $0x7, s19;
	v23 =	vadd.s32 v14, v50;
	v61 =	vadd.s32 v13, v24;
	[tilespmem:v27+s26+$0x0] =	vst.idx.msk $0xffff, v49;
	v60 =	vld [tilespmem:s31+$0x40]  }
0x205: {  	[tilespmem:v21+s26+$0x0] =	vst.idx.msk $0xffff, v20;
	v22 =	vadd.s32 v6, v22;
	v55 =	vmov s18;
	s18 =	sadd.s32 $0x7, s22;
	v36 =	vadd.s32 v5, v26;
	v63 =	vld [tilespmem:s31+$0xFFFFFFC0]  }
0x206: {  	s19 =	sadd.s32 $0x3, s19;
	v24 =	vadd.s32 v14, v24;
	[tilespmem:v18+s26+$0x0] =	vst.idx.msk $0xffff, v19;
	v59 =	vmov s18;
	v62 =	vshrl.u32 v55, $0x3  }
0x207: {  	v38 =	vld [tilespmem:s15+$0xFFFFFFD0];
	v26 =	vadd.s32 v6, v26;
	v58 =	vmov s19;
	v20 =	vshll.u32 v62, v1;
	s19 =	sadd.s32 $0x3, s22;
	[tilespmem:v54+s26+$0x0] =	vst.idx.msk $0xffff, v28  }
0x208: {  	s22 =	sadd.s32 $0x7, s30;
	s30 =	sadd.s32 $0x3, s30;
	v37 =	vshrl.u32 v58, $0x3;
	v20 =	vbroadcast v20, $0x0;
	v39 =	vmov s19;
	[tilespmem:v57+s26+$0x0] =	vst.idx.msk $0xffff, v56;
	v41 =	vld [tilespmem:s2+$0x50]  }
0x209: {  	v42 =	vmov s30;
	v46 =	vshrl.u32 v59, $0x3;
	v25 =	vshll.u32 v37, v1;
	v44 =	vld [tilespmem:s2+$0xFFFFFFD0];
	[tilespmem:v61+s26+$0x0] =	vst.idx.msk $0xffff, v60  }
0x20a: {  	v18 =	vshrl.u32 v39, $0x3;
	v19 =	vshll.u32 v46, v1;
	v51 =	vshrl.u32 v42, $0x3;
	[tilespmem:v36+s26+$0x0] =	vst.idx.msk $0xffff, v63;
	v47 =	vld [tilespmem:s31+$0x50]  }
0x20b: {  	v25 =	vbroadcast v25, $0x0;
	v43 =	vadd.s32 v15, v20;
	v40 =	vmov s22;
	v48 =	vld [tilespmem:s31+$0xFFFFFFD0]  }
0x20c: {  	[tilespmem:v17+s26+$0x0] =	vst.idx.msk $0xffff, v38;
	v17 =	vld [tilespmem:s15+$0x60];
	v18 =	vshll.u32 v18, v1;
	v19 =	vbroadcast v19, $0x0;
	v49 =	vshrl.u32 v40, $0x3  }
0x20d: {  	v50 =	vld [tilespmem:s15+$0xFFFFFFE0];
	v18 =	vbroadcast v18, $0x0;
	v45 =	vadd.s32 v7, v25;
	[tilespmem:v23+s26+$0x0] =	vst.idx.msk $0xffff, v41;
	v29 =	vshll.u32 v49, v1  }
0x20e: {  	v53 =	vadd.s32 v15, v19;
	[tilespmem:v22+s26+$0x0] =	vst.idx.msk $0xffff, v44;
	v23 =	vshll.u32 v51, v1;
	v52 =	vld [tilespmem:s2+$0x60];
	v29 =	vbroadcast v29, $0x0  }
0x20f: {  	v55 =	vadd.s32 v7, v18;
	v54 =	vld [tilespmem:s2+$0xFFFFFFE0];
	v23 =	vbroadcast v23, $0x0;
	[tilespmem:v24+s26+$0x0] =	vst.idx.msk $0xffff, v47  }
0x210: {  	v56 =	vadd.s32 v15, v29;
	[tilespmem:v26+s26+$0x0] =	vst.idx.msk $0xffff, v48;
	v24 =	vld [tilespmem:s31+$0x60]  }
0x211: {  	[tilespmem:v43+s26+$0x0] =	vst.idx.msk $0xffff, v17;
	v57 =	vadd.s32 v7, v23;
	v17 =	vld [tilespmem:s31+$0xFFFFFFE0]  }
0x212: {  	v20 =	vadd.s32 v16, v20;
	v58 =	vld [tilespmem:s15+$0x70];
	[tilespmem:v45+s26+$0x0] =	vst.idx.msk $0xffff, v50  }
0x213: {  	v25 =	vadd.s32 v8, v25;
	v59 =	vld [tilespmem:s15+$0xFFFFFFF0];
	[tilespmem:v53+s26+$0x0] =	vst.idx.msk $0xffff, v52  }
0x214: {  	v19 =	vadd.s32 v16, v19;
	[tilespmem:v55+s26+$0x0] =	vst.idx.msk $0xffff, v54;
	v22 =	vld [tilespmem:s2+$0x70]  }
0x215: {  	v18 =	vadd.s32 v8, v18;
	v60 =	vld [tilespmem:s2+$0xFFFFFFF0];
	[tilespmem:v56+s26+$0x0] =	vst.idx.msk $0xffff, v24  }
0x216: {  	v61 =	vadd.s32 v16, v29;
	[tilespmem:v57+s26+$0x0] =	vst.idx.msk $0xffff, v17;
	v17 =	vld [tilespmem:s31+$0x70]  }
0x217: {  	[tilespmem:v20+s26+$0x0] =	vst.idx.msk $0xffff, v58;
	v63 =	vadd.s32 v8, v23;
	v62 =	vld [tilespmem:s31+$0xFFFFFFF0]  }
0x218: {  	[tilespmem:v25+s26+$0x0] =	vst.idx.msk $0xffff, v59  }
0x219: {  	[tilespmem:v19+s26+$0x0] =	vst.idx.msk $0xffff, v22  }
0x21a: {  	[tilespmem:v18+s26+$0x0] =	vst.idx.msk $0xffff, v60  }
0x21b: {  	[tilespmem:v61+s26+$0x0] =	vst.idx.msk $0xffff, v17  }
0x21c: {  	s2 =	sadd.s32 s14, s8;
	[tilespmem:v63+s26+$0x0] =	vst.idx.msk $0xffff, v62  }
0x21d: {  	[hbm4b:s2+s3] =	stream.linear.scatter [tilespmem:s26], [sflag:$0x7], $0x80, $0x38;
	[tilespmem:$0xE800] =	vst v63  }
0x21e: {  	s18 =	simm.s32 $0xC688;
	s17 =	sadd.s32 $0x10, s2  }
0x21f: {  	[hbm4b:s17+s3] =	stream.linear.scatter [tilespmem:s18], [sflag:$0x7], $0x80, $0x38;
	[tilespmem:$0xE800] =	vst v63  }
0x220: {  	s22 =	simm.s32 $0xC710;
	s19 =	sadd.s32 $0x20, s2  }
0x221: {  	[hbm4b:s19+s3] =	stream.linear.scatter [tilespmem:s22], [sflag:$0x7], $0x80, $0x38;
	[tilespmem:$0xE800] =	vst v63  }
0x222: {  	s30 =	sadd.s32 $0x30, s2;
	s31 =	simm.s32 $0xC798  }
0x223: {  	[hbm4b:s30+s3] =	stream.linear.scatter [tilespmem:s31], [sflag:$0x7], $0x80, $0x38;
	[tilespmem:$0xE800] =	vst v63  }
0x224: {  	s17 =	sadd.s32 $0x40, s2;
	s18 =	simm.s32 $0xC820  }
0x225: {  	[hbm4b:s17+s3] =	stream.linear.scatter [tilespmem:s18], [sflag:$0x7], $0x80, $0x38;
	[tilespmem:$0xE800] =	vst v63  }
0x226: {  	s19 =	sadd.s32 $0x50, s2;
	s22 =	simm.s32 $0xC8A8  }
0x227: {  	[hbm4b:s19+s3] =	stream.linear.scatter [tilespmem:s22], [sflag:$0x7], $0x80, $0x38;
	[tilespmem:$0xE800] =	vst v63  }
0x228: {  	s30 =	sadd.s32 $0x60, s2;
	s31 =	simm.s32 $0xC930  }
0x229: {  	[hbm4b:s30+s3] =	stream.linear.scatter [tilespmem:s31], [sflag:$0x7], $0x80, $0x38;
	[tilespmem:$0xE800] =	vst v63  }
0x22a: {  	s17 =	sadd.s32 $0x70, s2;
	s18 =	simm.s32 $0xC9B8  }
0x22b: {  	[hbm4b:s17+s3] =	stream.linear.scatter [tilespmem:s18], [sflag:$0x7], $0x80, $0x38;
	[tilespmem:$0xE800] =	vst v63  }
0x22c: {  	s19 =	sadd.s32 $0x1000, s2;
	s22 =	simm.s32 $0xCA40  }
0x22d: {  	[hbm4b:s19+s3] =	stream.linear.scatter [tilespmem:s22], [sflag:$0x7], $0x80, $0x38;
	[tilespmem:$0xE800] =	vst v63  }
0x22e: {  	s30 =	sadd.s32 $0x1010, s2;
	s31 =	simm.s32 $0xCAC8  }
0x22f: {  	[hbm4b:s30+s3] =	stream.linear.scatter [tilespmem:s31], [sflag:$0x7], $0x80, $0x38;
	[tilespmem:$0xE800] =	vst v63  }
0x230: {  	s17 =	sadd.s32 $0x1020, s2;
	s18 =	simm.s32 $0xCB50  }
0x231: {  	[hbm4b:s17+s3] =	stream.linear.scatter [tilespmem:s18], [sflag:$0x7], $0x80, $0x38;
	[tilespmem:$0xE800] =	vst v63  }
0x232: {  	s19 =	sadd.s32 $0x1030, s2;
	s22 =	simm.s32 $0xCBD8  }
0x233: {  	[hbm4b:s19+s3] =	stream.linear.scatter [tilespmem:s22], [sflag:$0x7], $0x80, $0x38;
	[tilespmem:$0xE800] =	vst v63  }
0x234: {  	s30 =	sadd.s32 $0x1040, s2;
	s31 =	simm.s32 $0xCC60  }
0x235: {  	[hbm4b:s30+s3] =	stream.linear.scatter [tilespmem:s31], [sflag:$0x7], $0x80, $0x38;
	[tilespmem:$0xE800] =	vst v63  }
0x236: {  	s17 =	sadd.s32 $0x1050, s2;
	s18 =	simm.s32 $0xCCE8  }
0x237: {  	[hbm4b:s17+s3] =	stream.linear.scatter [tilespmem:s18], [sflag:$0x7], $0x80, $0x38;
	[tilespmem:$0xE800] =	vst v63  }
0x238: {  	s19 =	sadd.s32 $0x1060, s2;
	s22 =	simm.s32 $0xCD70  }
0x239: {  	[hbm4b:s19+s3] =	stream.linear.scatter [tilespmem:s22], [sflag:$0x7], $0x80, $0x38;
	[tilespmem:$0xE800] =	vst v63  }
0x23a: {  	s30 =	sadd.s32 $0x1070, s2;
	s31 =	simm.s32 $0xCDF8  }
0x23b: {  	[hbm4b:s30+s3] =	stream.linear.scatter [tilespmem:s31], [sflag:$0x7], $0x80, $0x38;
	[tilespmem:$0xE800] =	vst v63  }
0x23c: {  	s17 =	sadd.s32 $0x2000, s2;
	s18 =	simm.s32 $0xCE80  }
0x23d: {  	[hbm4b:s17+s3] =	stream.linear.scatter [tilespmem:s18], [sflag:$0x7], $0x80, $0x38;
	[tilespmem:$0xE800] =	vst v63  }
0x23e: {  	s19 =	sadd.s32 $0x2010, s2;
	s22 =	simm.s32 $0xCF08  }
0x23f: {  	[hbm4b:s19+s3] =	stream.linear.scatter [tilespmem:s22], [sflag:$0x7], $0x80, $0x38;
	[tilespmem:$0xE800] =	vst v63  }
0x240: {  	s30 =	sadd.s32 $0x2020, s2;
	s31 =	simm.s32 $0xCF90  }
0x241: {  	[hbm4b:s30+s3] =	stream.linear.scatter [tilespmem:s31], [sflag:$0x7], $0x80, $0x38;
	[tilespmem:$0xE800] =	vst v63  }
0x242: {  	s17 =	sadd.s32 $0x2030, s2;
	s18 =	simm.s32 $0xD018  }
0x243: {  	[hbm4b:s17+s3] =	stream.linear.scatter [tilespmem:s18], [sflag:$0x7], $0x80, $0x38;
	[tilespmem:$0xE800] =	vst v63  }
0x244: {  	s19 =	sadd.s32 $0x2040, s2;
	s22 =	simm.s32 $0xD0A0  }
0x245: {  	[hbm4b:s19+s3] =	stream.linear.scatter [tilespmem:s22], [sflag:$0x7], $0x80, $0x38;
	[tilespmem:$0xE800] =	vst v63  }
0x246: {  	s30 =	sadd.s32 $0x2050, s2;
	s31 =	simm.s32 $0xD128  }
0x247: {  	[hbm4b:s30+s3] =	stream.linear.scatter [tilespmem:s31], [sflag:$0x7], $0x80, $0x38;
	[tilespmem:$0xE800] =	vst v63  }
0x248: {  	s17 =	sadd.s32 $0x2060, s2;
	s18 =	simm.s32 $0xD1B0  }
0x249: {  	[hbm4b:s17+s3] =	stream.linear.scatter [tilespmem:s18], [sflag:$0x7], $0x80, $0x38;
	[tilespmem:$0xE800] =	vst v63  }
0x24a: {  	s19 =	sadd.s32 $0x2070, s2;
	s22 =	simm.s32 $0xD238  }
0x24b: {  	[hbm4b:s19+s3] =	stream.linear.scatter [tilespmem:s22], [sflag:$0x7], $0x80, $0x38;
	[tilespmem:$0xE800] =	vst v63  }
0x24c: {  	s30 =	sadd.s32 $0x3000, s2;
	s31 =	simm.s32 $0xD2C0  }
0x24d: {  	[hbm4b:s30+s3] =	stream.linear.scatter [tilespmem:s31], [sflag:$0x7], $0x80, $0x38;
	[tilespmem:$0xE800] =	vst v63  }
0x24e: {  	s17 =	sadd.s32 $0x3010, s2;
	s18 =	simm.s32 $0xD348  }
0x24f: {  	[hbm4b:s17+s3] =	stream.linear.scatter [tilespmem:s18], [sflag:$0x7], $0x80, $0x38;
	[tilespmem:$0xE800] =	vst v63  }
0x250: {  	s19 =	sadd.s32 $0x3020, s2;
	s22 =	simm.s32 $0xD3D0  }
0x251: {  	[hbm4b:s19+s3] =	stream.linear.scatter [tilespmem:s22], [sflag:$0x7], $0x80, $0x38;
	[tilespmem:$0xE800] =	vst v63  }
0x252: {  	s30 =	sadd.s32 $0x3030, s2;
	s31 =	simm.s32 $0xD458  }
0x253: {  	[hbm4b:s30+s3] =	stream.linear.scatter [tilespmem:s31], [sflag:$0x7], $0x80, $0x38;
	[tilespmem:$0xE800] =	vst v63  }
0x254: {  	s16 =	sadd.s32 $0x3040, s2;
	s17 =	simm.s32 $0xD4E0  }
0x255: {  	[hbm4b:s16+s3] =	stream.linear.scatter [tilespmem:s17], [sflag:$0x7], $0x80, $0x38;
	[tilespmem:$0xE800] =	vst v63  }
0x256: {  	s18 =	sadd.s32 $0x3050, s2;
	s19 =	simm.s32 $0xD568  }
0x257: {  	[hbm4b:s18+s3] =	stream.linear.scatter [tilespmem:s19], [sflag:$0x7], $0x80, $0x38;
	[tilespmem:$0xE800] =	vst v63  }
.Ltmp11:
0x258: {  	_ = 	snop;
	(pc) =	sbr.rel @p1 .LBB2_18-.Ltmp11, $4  }
0x259: {  	s22 =	sadd.s32 $0x3060, s2;
	s30 =	simm.s32 $0xD5F0  }
0x25a: {  	[hbm4b:s22+s3] =	stream.linear.scatter [tilespmem:s30], [sflag:$0x7], $0x80, $0x38;
	[tilespmem:$0xE800] =	vst v63  }
0x25b: {  	s2 =	sadd.s32 $0x3070, s2;
	s31 =	simm.s32 $0xD678  }
0x25c: {  	[hbm4b:s2+s3] =	stream.linear.scatter [tilespmem:s31], [sflag:$0x7], $0x80, $0x38;
	[tilespmem:$0xE800] =	vst v63  }
.Ltmp12:
0x25d: {  	(pc) =	sbr.rel .LBB2_19-.Ltmp12, $4  }
0x25e: {  	_ = 	snop  }
0x25f: {  	_ =	swait.ge [sflag:s23], $0x1000  }
0x260: {  	[sflag:s23] =	ssyncset.done $0x0  }
0x261: {  	[sflag:s23] =	ssyncadd.s32 $0xFFFFF000  }
.LBB2_18:
0x262: {  	s2 =	sshrl.u32 s13, $0x2  }
.Ltmp13:
0x263: {  	s15 =	simm.s32 $0x8400;
	s2 =	sadd.s32 $0x300, s2;
	(pc) =	sbr.rel @p0 .LBB2_20-.Ltmp13, $4  }
0x264: {  	[tilespmem:s15], [sflag:$0x3] =	stream.indirect.gather [hbm4b:s4+s11], $0x20, s2, s11, $0xb8;
	[tilespmem:$0xE800] =	vst v63  }
0x265: {  	_ =	swait.ge [sflag:s23], $0x1000  }
0x266: {  	[sflag:s23] =	ssyncset.done $0x0  }
0x267: {  	[sflag:s23] =	ssyncadd.s32 $0xFFFFF000  }
.LBB2_19:
0x268: {  	_ =	swait.ge [sflag:s28], $0x1000  }
0x269: {  	[sflag:s28] =	ssyncset.done $0x0  }
0x26a: {  	[sflag:s28] =	ssyncadd.s32 $0xFFFFF000  }
.LBB2_20:
0x26b: {  	s2 =	simm.s32 $0x4  }
0x26c: {  	s15 =	simm.s32 $0x0;
	v17 =	vmov s2  }
0x26d: {  	v18 =	vmov s15;
	v17 =	vshrl.u32 v17, $0x3  }
0x26e: {  	v18 =	vshrl.u32 v18, $0x3;
	v17 =	vshll.u32 v17, v1  }
0x26f: {  	v18 =	vshll.u32 v18, v1;
	v17 =	vbroadcast v17, $0x0  }
0x270: {  	s17 =	simm.s32 $0x9480;
	v18 =	vbroadcast v18, $0x0  }
0x271: {  	v19 =	vld [tilespmem:s17+$0x0];
	v20 =	vadd.s32 v9, v17  }
0x272: {  	v21 =	vld [tilespmem:s17+$0xFFFFFF80];
	v22 =	vadd.s32 v0, v18;
	_ =	sdelay $0x3  }
0x273: {  	[tilespmem:v20+s29+$0x0] =	vst.idx.msk $0xffff, v19  }
0x274: {  	s15 =	simm.s32 $0x5;
	v17 =	vadd.s32 v10, v17;
	[tilespmem:v22+s29+$0x0] =	vst.idx.msk $0xffff, v21;
	v19 =	vld [tilespmem:s17+$0x10]  }
0x275: {  	s16 =	simm.s32 $0x1;
	v18 =	vadd.s32 v2, v18;
	v21 =	vmov s15;
	v20 =	vld [tilespmem:s17+$0xFFFFFF90]  }
0x276: {  	v22 =	vmov s16;
	v21 =	vshrl.u32 v21, $0x3  }
0x277: {  	v22 =	vshrl.u32 v22, $0x3;
	v21 =	vshll.u32 v21, v1  }
0x278: {  	s18 =	simm.s32 $0xC;
	v22 =	vshll.u32 v22, v1;
	v21 =	vbroadcast v21, $0x0  }
0x279: {  	s19 =	simm.s32 $0x8;
	v23 =	vmov s18;
	v22 =	vbroadcast v22, $0x0;
	[tilespmem:v17+s29+$0x0] =	vst.idx.msk $0xffff, v19  }
0x27a: {  	v17 =	vmov s19;
	v19 =	vshrl.u32 v23, $0x3;
	[tilespmem:v18+s29+$0x0] =	vst.idx.msk $0xffff, v20;
	v20 =	vadd.s32 v11, v21;
	v18 =	vld [tilespmem:s17+$0x20]  }
0x27b: {  	v24 =	vadd.s32 v3, v22;
	v17 =	vshrl.u32 v17, $0x3;
	v19 =	vshll.u32 v19, v1;
	v23 =	vld [tilespmem:s17+$0xFFFFFFA0]  }
0x27c: {  	v17 =	vshll.u32 v17, v1;
	v19 =	vbroadcast v19, $0x0  }
0x27d: {  	s15 =	simm.s32 $0x9580;
	v17 =	vbroadcast v17, $0x0  }
0x27e: {  	v25 =	vld [tilespmem:s15+$0x0];
	v26 =	vadd.s32 v9, v19  }
0x27f: {  	v27 =	vld [tilespmem:s15+$0xFFFFFF80];
	v28 =	vadd.s32 v0, v17;
	[tilespmem:v20+s29+$0x0] =	vst.idx.msk $0xffff, v18  }
0x280: {  	s22 =	simm.s32 $0x6;
	[tilespmem:v24+s29+$0x0] =	vst.idx.msk $0xffff, v23;
	v20 =	vadd.s32 v12, v21;
	v18 =	vld [tilespmem:s17+$0x30]  }
0x281: {  	s16 =	simm.s32 $0x2;
	v22 =	vadd.s32 v4, v22;
	v23 =	vmov s22;
	v21 =	vld [tilespmem:s17+$0xFFFFFFB0]  }
0x282: {  	v24 =	vmov s16;
	v23 =	vshrl.u32 v23, $0x3  }
0x283: {  	v24 =	vshrl.u32 v24, $0x3;
	v23 =	vshll.u32 v23, v1;
	[tilespmem:v26+s29+$0x0] =	vst.idx.msk $0xffff, v25  }
0x284: {  	s18 =	simm.s32 $0xD;
	v19 =	vadd.s32 v10, v19;
	v24 =	vshll.u32 v24, v1;
	v23 =	vbroadcast v23, $0x0;
	[tilespmem:v28+s29+$0x0] =	vst.idx.msk $0xffff, v27;
	v25 =	vld [tilespmem:s15+$0x10]  }
0x285: {  	v17 =	vadd.s32 v2, v17;
	s22 =	simm.s32 $0x9;
	v24 =	vbroadcast v24, $0x0;
	v27 =	vmov s18;
	v26 =	vld [tilespmem:s15+$0xFFFFFF90];
	[tilespmem:v20+s29+$0x0] =	vst.idx.msk $0xffff, v18  }
0x286: {  	v18 =	vmov s22;
	v20 =	vshrl.u32 v27, $0x3;
	[tilespmem:v22+s29+$0x0] =	vst.idx.msk $0xffff, v21;
	v22 =	vadd.s32 v13, v23;
	v21 =	vld [tilespmem:s17+$0x40]  }
0x287: {  	v28 =	vadd.s32 v5, v24;
	v18 =	vshrl.u32 v18, $0x3;
	v20 =	vshll.u32 v20, v1;
	v27 =	vld [tilespmem:s17+$0xFFFFFFC0]  }
0x288: {  	s18 =	simm.s32 $0x14;
	v18 =	vshll.u32 v18, v1;
	v20 =	vbroadcast v20, $0x0  }
0x289: {  	v29 =	vmov s18;
	s22 =	simm.s32 $0x10;
	v18 =	vbroadcast v18, $0x0;
	[tilespmem:v19+s29+$0x0] =	vst.idx.msk $0xffff, v25  }
0x28a: {  	v19 =	vmov s22;
	v25 =	vshrl.u32 v29, $0x3;
	[tilespmem:v17+s29+$0x0] =	vst.idx.msk $0xffff, v26;
	v17 =	vld [tilespmem:s15+$0x20];
	v26 =	vadd.s32 v11, v20  }
0x28b: {  	v19 =	vshrl.u32 v19, $0x3;
	v25 =	vshll.u32 v25, v1;
	v29 =	vld [tilespmem:s15+$0xFFFFFFA0];
	v30 =	vadd.s32 v3, v18;
	[tilespmem:v22+s29+$0x0] =	vst.idx.msk $0xffff, v21  }
0x28c: {  	s16 =	simm.s32 $0x7;
	v23 =	vadd.s32 v14, v23;
	v19 =	vshll.u32 v19, v1;
	v21 =	vbroadcast v25, $0x0;
	[tilespmem:v28+s29+$0x0] =	vst.idx.msk $0xffff, v27;
	v22 =	vld [tilespmem:s17+$0x50]  }
0x28d: {  	s2 =	simm.s32 $0x9680;
	v24 =	vadd.s32 v6, v24;
	s18 =	simm.s32 $0x3;
	v25 =	vbroadcast v19, $0x0;
	v19 =	vmov s16;
	v27 =	vld [tilespmem:s17+$0xFFFFFFD0]  }
0x28e: {  	v32 =	vmov s18;
	v28 =	vld [tilespmem:s2+$0x0];
	v19 =	vshrl.u32 v19, $0x3;
	v31 =	vadd.s32 v9, v21  }
0x28f: {  	v33 =	vld [tilespmem:s2+$0xFFFFFF80];
	v34 =	vadd.s32 v0, v25;
	v19 =	vshll.u32 v19, v1;
	[tilespmem:v26+s29+$0x0] =	vst.idx.msk $0xffff, v17;
	v17 =	vshrl.u32 v32, $0x3  }
0x290: {  	v20 =	vadd.s32 v12, v20;
	s16 =	simm.s32 $0xE;
	v63 =	vbroadcast v19, $0x0;
	[tilespmem:v30+s29+$0x0] =	vst.idx.msk $0xffff, v29;
	v26 =	vld [tilespmem:s15+$0x30];
	v17 =	vshll.u32 v17, v1  }
0x291: {  	s18 =	simm.s32 $0xA;
	v36 =	vadd.s32 v4, v18;
	v18 =	vmov s16;
	v35 =	vld [tilespmem:s15+$0xFFFFFFB0];
	v19 =	vbroadcast v17, $0x0;
	[tilespmem:v23+s29+$0x0] =	vst.idx.msk $0xffff, v22  }
0x292: {  	v18 =	vshrl.u32 v18, $0x3;
	v17 =	vmov s18;
	v38 =	vadd.s32 v15, v63;
	[tilespmem:v24+s29+$0x0] =	vst.idx.msk $0xffff, v27;
	v37 =	vld [tilespmem:s17+$0x60]  }
0x293: {  	v18 =	vshll.u32 v18, v1;
	v17 =	vshrl.u32 v17, $0x3;
	[tilespmem:v31+s29+$0x0] =	vst.idx.msk $0xffff, v28;
	v39 =	vld [tilespmem:s17+$0xFFFFFFE0];
	v40 =	vadd.s32 v7, v19  }
0x294: {  	s16 =	simm.s32 $0x15;
	v29 =	vadd.s32 v10, v21;
	v18 =	vbroadcast v18, $0x0;
	[tilespmem:v34+s29+$0x0] =	vst.idx.msk $0xffff, v33;
	v17 =	vshll.u32 v17, v1;
	v27 =	vld [tilespmem:s2+$0x10]  }
0x295: {  	v30 =	vadd.s32 v2, v25;
	v21 =	vmov s16;
	s18 =	simm.s32 $0x11;
	v28 =	vld [tilespmem:s2+$0xFFFFFF90];
	v17 =	vbroadcast v17, $0x0;
	[tilespmem:v20+s29+$0x0] =	vst.idx.msk $0xffff, v26  }
0x296: {  	v21 =	vshrl.u32 v21, $0x3;
	v24 =	vadd.s32 v13, v18;
	v20 =	vmov s18;
	[tilespmem:v36+s29+$0x0] =	vst.idx.msk $0xffff, v35;
	v22 =	vld [tilespmem:s15+$0x40]  }
0x297: {  	v21 =	vshll.u32 v21, v1;
	v20 =	vshrl.u32 v20, $0x3;
	v25 =	vadd.s32 v5, v17;
	v23 =	vld [tilespmem:s15+$0xFFFFFFC0];
	[tilespmem:v38+s29+$0x0] =	vst.idx.msk $0xffff, v37  }
0x298: {  	s30 =	simm.s32 $0x18;
	s31 =	simm.s32 $0x20;
	s16 =	simm.s32 $0x1C;
	v26 =	vbroadcast v21, $0x0;
	v21 =	vadd.s32 v16, v63;
	v31 =	vshll.u32 v20, v1;
	[tilespmem:v40+s29+$0x0] =	vst.idx.msk $0xffff, v39;
	v20 =	vld [tilespmem:s17+$0x70]  }
.LBB2_21:
0x299: {  	p0 =	slt.u32 s31, $0x78;
	v32 =	vmov s16;
	v31 =	vbroadcast v31, $0x0;
	[tilespmem:v29+s29+$0x0] =	vst.idx.msk $0xffff, v27;
	v27 =	vld [tilespmem:s17+$0xFFFFFFF0];
	v19 =	vadd.s32 v8, v19;
	s17 =	smov.u32 s15;
	s15 =	smov.u32 s2  }
0x29a: {  	v29 =	vmov s30;
	v32 =	vshrl.u32 v32, $0x3;
	[tilespmem:v30+s29+$0x0] =	vst.idx.msk $0xffff, v28;
	v28 =	vld [tilespmem:s2+$0x20];
	v30 =	vadd.s32 v11, v26  }
0x29b: {  	v29 =	vshrl.u32 v29, $0x3;
	v32 =	vshll.u32 v32, v1;
	v33 =	vld [tilespmem:s2+$0xFFFFFFA0];
	v34 =	vadd.s32 v3, v31;
	[tilespmem:v24+s29+$0x0] =	vst.idx.msk $0xffff, v22  }
0x29c: {  	v18 =	vadd.s32 v14, v18;
	s16 =	sadd.s32 $0x7, s19;
	v22 =	vshll.u32 v29, v1;
	v24 =	vbroadcast v32, $0x0;
	[tilespmem:v25+s29+$0x0] =	vst.idx.msk $0xffff, v23;
	v23 =	vld [tilespmem:s17+$0x50]  }
0x29d: {  	v17 =	vadd.s32 v6, v17;
	s18 =	sadd.s32 $0x3, s19;
	s19 =	smov.u32 s22;
	s2 =	sadd.s32 $0x100, s2;
	v29 =	vmov s16;
	v22 =	vbroadcast v22, $0x0;
	v25 =	vld [tilespmem:s17+$0xFFFFFFD0];
	[tilespmem:v21+s29+$0x0] =	vst.idx.msk $0xffff, v20  }
0x29e: {  	s22 =	smov.u32 s30;
	s30 =	smov.u32 s31;
	v32 =	vmov s18;
	v29 =	vshrl.u32 v29, $0x3;
	v20 =	vld [tilespmem:s2+$0x0];
	v21 =	vadd.s32 v9, v24;
	[tilespmem:v19+s29+$0x0] =	vst.idx.msk $0xffff, v27  }
0x29f: {  	v35 =	vadd.s32 v0, v22;
	v19 =	vshrl.u32 v32, $0x3;
	v27 =	vld [tilespmem:s2+$0xFFFFFF80];
	[tilespmem:v30+s29+$0x0] =	vst.idx.msk $0xffff, v28;
	v28 =	vshll.u32 v29, v1  }
0x2a0: {  	v26 =	vadd.s32 v12, v26;
	s16 =	sadd.s32 $0x6, s19;
	v19 =	vshll.u32 v19, v1;
	[tilespmem:v34+s29+$0x0] =	vst.idx.msk $0xffff, v33;
	v32 =	vld [tilespmem:s15+$0x30];
	v33 =	vbroadcast v28, $0x0  }
0x2a1: {  	v31 =	vadd.s32 v4, v31;
	s18 =	sadd.s32 $0x2, s19;
	v28 =	vmov s16;
	v19 =	vbroadcast v19, $0x0;
	v34 =	vld [tilespmem:s15+$0xFFFFFFB0];
	[tilespmem:v18+s29+$0x0] =	vst.idx.msk $0xffff, v23  }
0x2a2: {  	v18 =	vmov s18;
	v23 =	vshrl.u32 v28, $0x3;
	[tilespmem:v17+s29+$0x0] =	vst.idx.msk $0xffff, v25;
	v36 =	vld [tilespmem:s17+$0x60];
	v37 =	vadd.s32 v15, v33  }
0x2a3: {  	v17 =	vshrl.u32 v18, $0x3;
	v18 =	vshll.u32 v23, v1;
	[tilespmem:v21+s29+$0x0] =	vst.idx.msk $0xffff, v20;
	v20 =	vld [tilespmem:s17+$0xFFFFFFE0];
	v21 =	vadd.s32 v7, v19  }
.Ltmp14:
0x2a4: {  	v29 =	vadd.s32 v10, v24;
	s16 =	sadd.s32 $0x5, s22;
	v17 =	vshll.u32 v17, v1;
	v18 =	vbroadcast v18, $0x0;
	[tilespmem:v35+s29+$0x0] =	vst.idx.msk $0xffff, v27;
	v27 =	vld [tilespmem:s2+$0x10];
	(pc) =	sbr.rel @p0 .LBB2_21-.Ltmp14, $4  }
0x2a5: {  	v30 =	vadd.s32 v2, v22;
	s18 =	sadd.s32 $0x1, s22;
	v22 =	vmov s16;
	v17 =	vbroadcast v17, $0x0;
	v28 =	vld [tilespmem:s2+$0xFFFFFF90];
	[tilespmem:v26+s29+$0x0] =	vst.idx.msk $0xffff, v32  }
0x2a6: {  	v23 =	vmov s18;
	v25 =	vshrl.u32 v22, $0x3;
	v24 =	vadd.s32 v13, v18;
	[tilespmem:v31+s29+$0x0] =	vst.idx.msk $0xffff, v34;
	v22 =	vld [tilespmem:s15+$0x40]  }
0x2a7: {  	v26 =	vshrl.u32 v23, $0x3;
	v32 =	vshll.u32 v25, v1;
	v25 =	vadd.s32 v5, v17;
	v23 =	vld [tilespmem:s15+$0xFFFFFFC0];
	[tilespmem:v37+s29+$0x0] =	vst.idx.msk $0xffff, v36  }
0x2a8: {  	s31 =	sadd.s32 $0x8, s31;
	s16 =	sadd.s32 $0x4, s30;
	v31 =	vshll.u32 v26, v1;
	v26 =	vbroadcast v32, $0x0;
	[tilespmem:v21+s29+$0x0] =	vst.idx.msk $0xffff, v20;
	v20 =	vld [tilespmem:s17+$0x70];
	v21 =	vadd.s32 v16, v33  }
0x2a9: {  	v32 =	vmov s16  }
0x2aa: {  	v33 =	vmov s30;
	v32 =	vshrl.u32 v32, $0x3  }
0x2ab: {  	v33 =	vshrl.u32 v33, $0x3;
	v32 =	vshll.u32 v32, v1  }
0x2ac: {  	v33 =	vshll.u32 v33, v1;
	v32 =	vbroadcast v32, $0x0  }
0x2ad: {  	s31 =	sadd.s32 $0x100, s2;
	v33 =	vbroadcast v33, $0x0  }
0x2ae: {  	v34 =	vld [tilespmem:s31+$0x0];
	v35 =	vadd.s32 v9, v32  }
0x2af: {  	v36 =	vld [tilespmem:s31+$0xFFFFFF80];
	v37 =	vadd.s32 v0, v33;
	_ =	sdelay $0x3  }
0x2b0: {  	[tilespmem:v35+s29+$0x0] =	vst.idx.msk $0xffff, v34  }
0x2b1: {  	s16 =	sadd.s32 $0x5, s30;
	v32 =	vadd.s32 v10, v32;
	[tilespmem:v37+s29+$0x0] =	vst.idx.msk $0xffff, v36;
	v34 =	vld [tilespmem:s31+$0x10]  }
0x2b2: {  	s18 =	sadd.s32 $0x1, s30;
	v55 =	vmov s16;
	v33 =	vadd.s32 v2, v33;
	v54 =	vld [tilespmem:s31+$0xFFFFFF90]  }
0x2b3: {  	v56 =	vmov s18;
	v36 =	vshrl.u32 v55, $0x3  }
0x2b4: {  	v31 =	vbroadcast v31, $0x0;
	[tilespmem:v29+s29+$0x0] =	vst.idx.msk $0xffff, v27;
	v57 =	vshrl.u32 v56, $0x3;
	v58 =	vshll.u32 v36, v1  }
0x2b5: {  	[tilespmem:v30+s29+$0x0] =	vst.idx.msk $0xffff, v28;
	v59 =	vld [tilespmem:s2+$0x20];
	v60 =	vadd.s32 v11, v26;
	v27 =	vshll.u32 v57, v1;
	v29 =	vbroadcast v58, $0x0  }
0x2b6: {  	v61 =	vld [tilespmem:s2+$0xFFFFFFA0];
	v62 =	vadd.s32 v3, v31;
	v27 =	vbroadcast v27, $0x0;
	[tilespmem:v32+s29+$0x0] =	vst.idx.msk $0xffff, v34  }
0x2b7: {  	v63 =	vadd.s32 v11, v29;
	[tilespmem:v33+s29+$0x0] =	vst.idx.msk $0xffff, v54;
	v32 =	vld [tilespmem:s31+$0x20]  }
0x2b8: {  	v41 =	vadd.s32 v3, v27;
	v40 =	vld [tilespmem:s31+$0xFFFFFFA0]  }
0x2b9: {  	[tilespmem:v24+s29+$0x0] =	vst.idx.msk $0xffff, v22  }
0x2ba: {  	v19 =	vadd.s32 v8, v19;
	v52 =	vld [tilespmem:s17+$0xFFFFFFF0];
	s16 =	sadd.s32 $0x6, s22;
	[tilespmem:v60+s29+$0x0] =	vst.idx.msk $0xffff, v59  }
0x2bb: {  	v18 =	vadd.s32 v14, v18;
	s18 =	sadd.s32 $0x2, s22;
	v42 =	vadd.s32 v12, v26;
	v43 =	vmov s16;
	s16 =	sadd.s32 $0x6, s30;
	[tilespmem:v62+s29+$0x0] =	vst.idx.msk $0xffff, v61;
	v28 =	vld [tilespmem:s2+$0x30]  }
0x2bc: {  	v44 =	vmov s18;
	s18 =	sadd.s32 $0x2, s30;
	v31 =	vadd.s32 v4, v31;
	v45 =	vmov s16;
	v46 =	vld [tilespmem:s2+$0xFFFFFFB0];
	[tilespmem:v63+s29+$0x0] =	vst.idx.msk $0xffff, v32  }
0x2bd: {  	v38 =	vmov s18;
	v30 =	vshrl.u32 v43, $0x3;
	v29 =	vadd.s32 v12, v29;
	[tilespmem:v41+s29+$0x0] =	vst.idx.msk $0xffff, v40;
	v33 =	vld [tilespmem:s31+$0x30]  }
0x2be: {  	v47 =	vshrl.u32 v44, $0x3;
	[tilespmem:v25+s29+$0x0] =	vst.idx.msk $0xffff, v23;
	v48 =	vshll.u32 v30, v1;
	v27 =	vadd.s32 v4, v27;
	v49 =	vld [tilespmem:s31+$0xFFFFFFB0]  }
0x2bf: {  	v22 =	vshll.u32 v47, v1;
	v51 =	vshrl.u32 v45, $0x3;
	v50 =	vbroadcast v48, $0x0;
	[tilespmem:v19+s29+$0x0] =	vst.idx.msk $0xffff, v52  }
0x2c0: {  	v53 =	vshrl.u32 v38, $0x3;
	v22 =	vbroadcast v22, $0x0;
	v24 =	vshll.u32 v51, v1;
	v19 =	vld [tilespmem:s15+$0x50];
	[tilespmem:v42+s29+$0x0] =	vst.idx.msk $0xffff, v28  }
0x2c1: {  	v26 =	vshll.u32 v53, v1;
	v24 =	vbroadcast v24, $0x0;
	[tilespmem:v31+s29+$0x0] =	vst.idx.msk $0xffff, v46;
	v28 =	vld [tilespmem:s2+$0x40];
	v54 =	vadd.s32 v13, v50  }
0x2c2: {  	s17 =	sadd.s32 $0x7, s19;
	s18 =	sadd.s32 $0x3, s19;
	s19 =	sadd.s32 $0x7, s22;
	v26 =	vbroadcast v26, $0x0;
	v57 =	vadd.s32 v5, v22;
	v56 =	vld [tilespmem:s2+$0xFFFFFFC0];
	[tilespmem:v29+s29+$0x0] =	vst.idx.msk $0xffff, v33  }
0x2c3: {  	v17 =	vadd.s32 v6, v17;
	v59 =	vmov s19;
	v61 =	vadd.s32 v13, v24;
	[tilespmem:v27+s29+$0x0] =	vst.idx.msk $0xffff, v49;
	v60 =	vld [tilespmem:s31+$0x40]  }
0x2c4: {  	[tilespmem:v21+s29+$0x0] =	vst.idx.msk $0xffff, v20;
	v23 =	vadd.s32 v14, v50;
	v55 =	vmov s17;
	v36 =	vadd.s32 v5, v26;
	v63 =	vld [tilespmem:s31+$0xFFFFFFC0]  }
0x2c5: {  	v22 =	vadd.s32 v6, v22;
	v24 =	vadd.s32 v14, v24;
	s17 =	sadd.s32 $0x3, s22;
	[tilespmem:v18+s29+$0x0] =	vst.idx.msk $0xffff, v19;
	v62 =	vshrl.u32 v55, $0x3  }
0x2c6: {  	v38 =	vld [tilespmem:s15+$0xFFFFFFD0];
	s19 =	sadd.s32 $0x3, s30;
	v39 =	vmov s17;
	v26 =	vadd.s32 v6, v26;
	v58 =	vmov s18;
	[tilespmem:v54+s29+$0x0] =	vst.idx.msk $0xffff, v28  }
0x2c7: {  	v20 =	vshll.u32 v62, v1;
	v42 =	vmov s19;
	v18 =	vshrl.u32 v39, $0x3;
	[tilespmem:v57+s29+$0x0] =	vst.idx.msk $0xffff, v56;
	v41 =	vld [tilespmem:s2+$0x50]  }
0x2c8: {  	v37 =	vshrl.u32 v58, $0x3;
	v20 =	vbroadcast v20, $0x0;
	v46 =	vshrl.u32 v59, $0x3;
	v44 =	vld [tilespmem:s2+$0xFFFFFFD0];
	[tilespmem:v61+s29+$0x0] =	vst.idx.msk $0xffff, v60  }
0x2c9: {  	s18 =	sadd.s32 $0x7, s30;
	v18 =	vshll.u32 v18, v1;
	v51 =	vshrl.u32 v42, $0x3;
	v25 =	vshll.u32 v37, v1;
	[tilespmem:v36+s29+$0x0] =	vst.idx.msk $0xffff, v63;
	v47 =	vld [tilespmem:s31+$0x50]  }
0x2ca: {  	v19 =	vshll.u32 v46, v1;
	v25 =	vbroadcast v25, $0x0;
	v40 =	vmov s18;
	v48 =	vld [tilespmem:s31+$0xFFFFFFD0]  }
0x2cb: {  	[tilespmem:v17+s29+$0x0] =	vst.idx.msk $0xffff, v38;
	v17 =	vld [tilespmem:s15+$0x60];
	v43 =	vadd.s32 v15, v20;
	v19 =	vbroadcast v19, $0x0;
	v49 =	vshrl.u32 v40, $0x3  }
0x2cc: {  	v18 =	vbroadcast v18, $0x0;
	v50 =	vld [tilespmem:s15+$0xFFFFFFE0];
	v45 =	vadd.s32 v7, v25;
	[tilespmem:v23+s29+$0x0] =	vst.idx.msk $0xffff, v41;
	v29 =	vshll.u32 v49, v1  }
0x2cd: {  	v53 =	vadd.s32 v15, v19;
	[tilespmem:v22+s29+$0x0] =	vst.idx.msk $0xffff, v44;
	v23 =	vshll.u32 v51, v1;
	v52 =	vld [tilespmem:s2+$0x60];
	v29 =	vbroadcast v29, $0x0  }
0x2ce: {  	v55 =	vadd.s32 v7, v18;
	v54 =	vld [tilespmem:s2+$0xFFFFFFE0];
	v23 =	vbroadcast v23, $0x0;
	[tilespmem:v24+s29+$0x0] =	vst.idx.msk $0xffff, v47  }
0x2cf: {  	v56 =	vadd.s32 v15, v29;
	[tilespmem:v26+s29+$0x0] =	vst.idx.msk $0xffff, v48;
	v24 =	vld [tilespmem:s31+$0x60]  }
0x2d0: {  	[tilespmem:v43+s29+$0x0] =	vst.idx.msk $0xffff, v17;
	v57 =	vadd.s32 v7, v23;
	v17 =	vld [tilespmem:s31+$0xFFFFFFE0]  }
0x2d1: {  	v20 =	vadd.s32 v16, v20;
	v58 =	vld [tilespmem:s15+$0x70];
	[tilespmem:v45+s29+$0x0] =	vst.idx.msk $0xffff, v50  }
0x2d2: {  	v25 =	vadd.s32 v8, v25;
	v59 =	vld [tilespmem:s15+$0xFFFFFFF0];
	[tilespmem:v53+s29+$0x0] =	vst.idx.msk $0xffff, v52  }
0x2d3: {  	v19 =	vadd.s32 v16, v19;
	[tilespmem:v55+s29+$0x0] =	vst.idx.msk $0xffff, v54;
	v22 =	vld [tilespmem:s2+$0x70]  }
0x2d4: {  	v18 =	vadd.s32 v8, v18;
	v60 =	vld [tilespmem:s2+$0xFFFFFFF0];
	[tilespmem:v56+s29+$0x0] =	vst.idx.msk $0xffff, v24  }
0x2d5: {  	v61 =	vadd.s32 v16, v29;
	[tilespmem:v57+s29+$0x0] =	vst.idx.msk $0xffff, v17;
	v17 =	vld [tilespmem:s31+$0x70]  }
0x2d6: {  	[tilespmem:v20+s29+$0x0] =	vst.idx.msk $0xffff, v58;
	v63 =	vadd.s32 v8, v23;
	v62 =	vld [tilespmem:s31+$0xFFFFFFF0]  }
0x2d7: {  	[tilespmem:v25+s29+$0x0] =	vst.idx.msk $0xffff, v59  }
0x2d8: {  	[tilespmem:v19+s29+$0x0] =	vst.idx.msk $0xffff, v22  }
0x2d9: {  	[tilespmem:v18+s29+$0x0] =	vst.idx.msk $0xffff, v60  }
0x2da: {  	[tilespmem:v61+s29+$0x0] =	vst.idx.msk $0xffff, v17  }
0x2db: {  	s2 =	sadd.s32 s14, s9;
	[tilespmem:v63+s29+$0x0] =	vst.idx.msk $0xffff, v62  }
0x2dc: {  	[hbm4b:s2+s3] =	stream.linear.scatter [tilespmem:s29], [sflag:$0x8], $0x80, $0x38;
	[tilespmem:$0xE800] =	vst v63  }
0x2dd: {  	s22 =	simm.s32 $0xD788;
	s14 =	sadd.s32 $0x10, s2  }
0x2de: {  	[hbm4b:s14+s3] =	stream.linear.scatter [tilespmem:s22], [sflag:$0x8], $0x80, $0x38;
	[tilespmem:$0xE800] =	vst v63  }
0x2df: {  	s30 =	sadd.s32 $0x20, s2;
	s31 =	simm.s32 $0xD810  }
0x2e0: {  	[hbm4b:s30+s3] =	stream.linear.scatter [tilespmem:s31], [sflag:$0x8], $0x80, $0x38;
	[tilespmem:$0xE800] =	vst v63  }
0x2e1: {  	s16 =	simm.s32 $0xD898;
	s15 =	sadd.s32 $0x30, s2  }
0x2e2: {  	[hbm4b:s15+s3] =	stream.linear.scatter [tilespmem:s16], [sflag:$0x8], $0x80, $0x38;
	[tilespmem:$0xE800] =	vst v63  }
0x2e3: {  	s18 =	simm.s32 $0xD920;
	s17 =	sadd.s32 $0x40, s2  }
0x2e4: {  	[hbm4b:s17+s3] =	stream.linear.scatter [tilespmem:s18], [sflag:$0x8], $0x80, $0x38;
	[tilespmem:$0xE800] =	vst v63  }
0x2e5: {  	s19 =	sadd.s32 $0x50, s2;
	s22 =	simm.s32 $0xD9A8  }
0x2e6: {  	[hbm4b:s19+s3] =	stream.linear.scatter [tilespmem:s22], [sflag:$0x8], $0x80, $0x38;
	[tilespmem:$0xE800] =	vst v63  }
0x2e7: {  	s30 =	sadd.s32 $0x60, s2;
	s31 =	simm.s32 $0xDA30  }
0x2e8: {  	[hbm4b:s30+s3] =	stream.linear.scatter [tilespmem:s31], [sflag:$0x8], $0x80, $0x38;
	[tilespmem:$0xE800] =	vst v63  }
0x2e9: {  	s15 =	sadd.s32 $0x70, s2;
	s16 =	simm.s32 $0xDAB8  }
0x2ea: {  	[hbm4b:s15+s3] =	stream.linear.scatter [tilespmem:s16], [sflag:$0x8], $0x80, $0x38;
	[tilespmem:$0xE800] =	vst v63  }
0x2eb: {  	s17 =	sadd.s32 $0x1000, s2;
	s18 =	simm.s32 $0xDB40  }
0x2ec: {  	[hbm4b:s17+s3] =	stream.linear.scatter [tilespmem:s18], [sflag:$0x8], $0x80, $0x38;
	[tilespmem:$0xE800] =	vst v63  }
0x2ed: {  	s19 =	sadd.s32 $0x1010, s2;
	s22 =	simm.s32 $0xDBC8  }
0x2ee: {  	[hbm4b:s19+s3] =	stream.linear.scatter [tilespmem:s22], [sflag:$0x8], $0x80, $0x38;
	[tilespmem:$0xE800] =	vst v63  }
0x2ef: {  	s30 =	sadd.s32 $0x1020, s2;
	s31 =	simm.s32 $0xDC50  }
0x2f0: {  	[hbm4b:s30+s3] =	stream.linear.scatter [tilespmem:s31], [sflag:$0x8], $0x80, $0x38;
	[tilespmem:$0xE800] =	vst v63  }
0x2f1: {  	s15 =	sadd.s32 $0x1030, s2;
	s16 =	simm.s32 $0xDCD8  }
0x2f2: {  	[hbm4b:s15+s3] =	stream.linear.scatter [tilespmem:s16], [sflag:$0x8], $0x80, $0x38;
	[tilespmem:$0xE800] =	vst v63  }
0x2f3: {  	s17 =	sadd.s32 $0x1040, s2;
	s18 =	simm.s32 $0xDD60  }
0x2f4: {  	[hbm4b:s17+s3] =	stream.linear.scatter [tilespmem:s18], [sflag:$0x8], $0x80, $0x38;
	[tilespmem:$0xE800] =	vst v63  }
0x2f5: {  	s19 =	sadd.s32 $0x1050, s2;
	s22 =	simm.s32 $0xDDE8  }
0x2f6: {  	[hbm4b:s19+s3] =	stream.linear.scatter [tilespmem:s22], [sflag:$0x8], $0x80, $0x38;
	[tilespmem:$0xE800] =	vst v63  }
0x2f7: {  	s30 =	sadd.s32 $0x1060, s2;
	s31 =	simm.s32 $0xDE70  }
0x2f8: {  	[hbm4b:s30+s3] =	stream.linear.scatter [tilespmem:s31], [sflag:$0x8], $0x80, $0x38;
	[tilespmem:$0xE800] =	vst v63  }
0x2f9: {  	s15 =	sadd.s32 $0x1070, s2;
	s16 =	simm.s32 $0xDEF8  }
0x2fa: {  	[hbm4b:s15+s3] =	stream.linear.scatter [tilespmem:s16], [sflag:$0x8], $0x80, $0x38;
	[tilespmem:$0xE800] =	vst v63  }
0x2fb: {  	s17 =	sadd.s32 $0x2000, s2;
	s18 =	simm.s32 $0xDF80  }
0x2fc: {  	[hbm4b:s17+s3] =	stream.linear.scatter [tilespmem:s18], [sflag:$0x8], $0x80, $0x38;
	[tilespmem:$0xE800] =	vst v63  }
0x2fd: {  	s19 =	sadd.s32 $0x2010, s2;
	s22 =	simm.s32 $0xE008  }
0x2fe: {  	[hbm4b:s19+s3] =	stream.linear.scatter [tilespmem:s22], [sflag:$0x8], $0x80, $0x38;
	[tilespmem:$0xE800] =	vst v63  }
0x2ff: {  	s30 =	sadd.s32 $0x2020, s2;
	s31 =	simm.s32 $0xE090  }
0x300: {  	[hbm4b:s30+s3] =	stream.linear.scatter [tilespmem:s31], [sflag:$0x8], $0x80, $0x38;
	[tilespmem:$0xE800] =	vst v63  }
0x301: {  	s15 =	sadd.s32 $0x2030, s2;
	s16 =	simm.s32 $0xE118  }
0x302: {  	[hbm4b:s15+s3] =	stream.linear.scatter [tilespmem:s16], [sflag:$0x8], $0x80, $0x38;
	[tilespmem:$0xE800] =	vst v63  }
0x303: {  	s17 =	sadd.s32 $0x2040, s2;
	s18 =	simm.s32 $0xE1A0  }
0x304: {  	[hbm4b:s17+s3] =	stream.linear.scatter [tilespmem:s18], [sflag:$0x8], $0x80, $0x38;
	[tilespmem:$0xE800] =	vst v63  }
0x305: {  	s19 =	sadd.s32 $0x2050, s2;
	s22 =	simm.s32 $0xE228  }
0x306: {  	[hbm4b:s19+s3] =	stream.linear.scatter [tilespmem:s22], [sflag:$0x8], $0x80, $0x38;
	[tilespmem:$0xE800] =	vst v63  }
0x307: {  	s30 =	sadd.s32 $0x2060, s2;
	s31 =	simm.s32 $0xE2B0  }
0x308: {  	[hbm4b:s30+s3] =	stream.linear.scatter [tilespmem:s31], [sflag:$0x8], $0x80, $0x38;
	[tilespmem:$0xE800] =	vst v63  }
0x309: {  	s15 =	sadd.s32 $0x2070, s2;
	s16 =	simm.s32 $0xE338  }
0x30a: {  	[hbm4b:s15+s3] =	stream.linear.scatter [tilespmem:s16], [sflag:$0x8], $0x80, $0x38;
	[tilespmem:$0xE800] =	vst v63  }
0x30b: {  	s17 =	sadd.s32 $0x3000, s2;
	s18 =	simm.s32 $0xE3C0  }
0x30c: {  	[hbm4b:s17+s3] =	stream.linear.scatter [tilespmem:s18], [sflag:$0x8], $0x80, $0x38;
	[tilespmem:$0xE800] =	vst v63  }
0x30d: {  	s19 =	sadd.s32 $0x3010, s2;
	s22 =	simm.s32 $0xE448  }
0x30e: {  	[hbm4b:s19+s3] =	stream.linear.scatter [tilespmem:s22], [sflag:$0x8], $0x80, $0x38;
	[tilespmem:$0xE800] =	vst v63  }
0x30f: {  	s30 =	sadd.s32 $0x3020, s2;
	s31 =	simm.s32 $0xE4D0  }
0x310: {  	[hbm4b:s30+s3] =	stream.linear.scatter [tilespmem:s31], [sflag:$0x8], $0x80, $0x38;
	[tilespmem:$0xE800] =	vst v63  }
0x311: {  	s15 =	sadd.s32 $0x3030, s2;
	s16 =	simm.s32 $0xE558  }
0x312: {  	[hbm4b:s15+s3] =	stream.linear.scatter [tilespmem:s16], [sflag:$0x8], $0x80, $0x38;
	[tilespmem:$0xE800] =	vst v63  }
0x313: {  	s17 =	sadd.s32 $0x3040, s2;
	s18 =	simm.s32 $0xE5E0  }
0x314: {  	[hbm4b:s17+s3] =	stream.linear.scatter [tilespmem:s18], [sflag:$0x8], $0x80, $0x38;
	[tilespmem:$0xE800] =	vst v63  }
0x315: {  	p0 =	seq.s32 s10, $0x31;
	s19 =	sadd.s32 $0x3050, s2;
	s22 =	simm.s32 $0xE668  }
0x316: {  	[hbm4b:s19+s3] =	stream.linear.scatter [tilespmem:s22], [sflag:$0x8], $0x80, $0x38;
	[tilespmem:$0xE800] =	vst v63  }
.Ltmp15:
0x317: {  	_ = 	snop;
	(pc) =	sbr.rel @p0 .LBB2_24-.Ltmp15, $4  }
0x318: {  	s30 =	sadd.s32 $0x3060, s2;
	s31 =	simm.s32 $0xE6F0  }
0x319: {  	[hbm4b:s30+s3] =	stream.linear.scatter [tilespmem:s31], [sflag:$0x8], $0x80, $0x38;
	[tilespmem:$0xE800] =	vst v63  }
0x31a: {  	s2 =	sadd.s32 $0x3070, s2  }
0x31b: {  	[hbm4b:s2+s3] =	stream.linear.scatter [tilespmem:s5], [sflag:$0x8], $0x80, $0x38;
	[tilespmem:$0xE800] =	vst v63  }
.Ltmp16:
0x31c: {  	(pc) =	sbr.rel .LBB2_2-.Ltmp16, $4  }
0x31d: {  	_ = 	snop  }
0x31e: {  	s2 =	sshrl.u32 s13, $0x2  }
0x31f: {  	s31 =	simm.s32 $0x9400;
	s10 =	sadd.s32 $0x1, s10;
	s2 =	sadd.s32 $0x380, s2  }
0x320: {  	[tilespmem:s31], [sflag:$0x4] =	stream.indirect.gather [hbm4b:s4+s11], $0x20, s2, s11, $0xb8;
	[tilespmem:$0xE800] =	vst v63  }
.LBB2_25:
0x321: {  	_ =	sfence.sel $0x180000  }
0x322: {  	[bflag:$0x0] =	sbarrier.arrive $0xFFFF  }
0x323: {  	_ =	strace $0x90000047  }
0x324: {  	s0 =	stileid.u32;
	[bflag:$0x2] =	sbarrier.arrive $0xFFFF  }
0x325: {  	p0 =	sne.s32 s0, $0x0;
	s0 =	rddreg [dreg:$0x2]  }
0x326: {  	s0 =	sadd.s32 @!p0 $0x100000, s0  }
0x327: {  	[sflag:s0] =	ssyncadd.tile.s32 @!p0 $0x1;
	_ =	shalt  }
.Lfunc_end2:
_tile_overlayer_lowered:
.L_overlay_start_2:
0x328: {  	(tag) =	ssettag $0x2  }
0x329: {  	s0 =	rddreg [dreg:$0x0];
	s2 =	stileid.u32  }
0x32a: {  	s1 =	rddreg [dreg:$0x1];
	p0 =	sne.s32 s2, $0x0  }
0x32b: {  	s3 =	rddreg [dreg:$0x2];
	[bflag:$0x3] =	sbarrier.arrive $0xFFFF;
	s2 =	simm.s32 @!p0 $0x1C09  }
0x32c: {  	[timem:s3], [sflag:s2] =	dma.local @!p0 [hbm:s0], s1  }
0x32d: {  	s0 =	simm.s32 @!p0 $0x9  }
0x32e: {  	_ =	swait.ge @!p0 [sflag:s0], s1  }
0x32f: {  	s1 =	ssub.s32 @!p0 $0x0, s1;
	[sflag:s0] =	ssyncset.done @!p0 $0x0  }
0x330: {  	[sflag:s0] =	ssyncadd.s32 @!p0 s1  }
0x331: {  	[bflag:$0x3] =	sbarrier.arrive $0xFFFF  }
0x332: {  	_ =	shalt  }

</sc_bundles>
